<compile_context>
chip_gen: v7x
topology: tpu7x:2x2x1
jax: 0.10.2.dev20260603
libtpu: 0.0.44.dev20260713+nightly
codegen_flags: <defaults>
</compile_context>

<pallas_src>
import functools

import jax
import jax.numpy as jnp
from jax import lax
from jax.experimental import pallas as pl
from jax.experimental.pallas import tpu as pltpu
from jax.experimental.pallas import tpu_sc as plsc

N, E, D, DFF = 10000, 320000, 128, 512
NC, NS = 2, 16
NW = NC * NS
NSL = 2
E2 = E // NSL
EPW = E2 // NW
CH = 40
NCH = EPW // CH
GRP = 5
NGRP = NCH // GRP
CHS = 40
NCHS = EPW // CHS
NPAIR = (NCHS - 1) // 2
EPWD = E // NW
CHD = 80
NCHD = EPWD // CHD
DW = 128
RPW = 1000
NRW = N // RPW

_SQRT_HALF = 0.7071067811865476


def _gelu(v):
    return 0.5 * v * (1.0 + lax.erf(v * _SQRT_HALF))


def _xa_body(x_ref, w_ref, o_ref):
    o_ref[...] = jnp.dot(x_ref[...], w_ref[...],
                         preferred_element_type=jnp.float32)


def _tc_xa(x, w1a):
    bn = 2000
    return pl.pallas_call(
        _xa_body,
        grid=(N // bn,),
        in_specs=[pl.BlockSpec((bn, D), lambda i: (i, 0)),
                  pl.BlockSpec((D, D), lambda i: (0, 0))],
        out_specs=pl.BlockSpec((bn, D), lambda i: (i, 0)),
        out_shape=jax.ShapeDtypeStruct((N, D), jnp.float32),
    )(x, w1a)


def _sc_gather(xa, idx3):
    mesh = plsc.VectorSubcoreMesh(core_axis_name="c", subcore_axis_name="s",
                                  num_cores=NC, num_subcores=NS)

    @functools.partial(
        pl.kernel,
        out_type=jax.ShapeDtypeStruct((E2, D), jnp.float32),
        mesh=mesh,
        scratch_types=[
            pltpu.VMEM((NCH, CH), jnp.int32),
            pltpu.VMEM((GRP, CH, D), jnp.float32),
            pltpu.SemaphoreType.DMA,
        ],
    )
    def gk(table, idx, out, idx_v, buf, gsem):
        c = lax.axis_index("c")
        s = lax.axis_index("s")
        wid = s * NC + c
        base = wid * EPW
        pltpu.sync_copy(idx.at[wid], idx_v)

        def group(gi, _):
            j0 = gi * GRP
            descs = [
                pltpu.async_copy(table.at[idx_v.at[j0 + b]], buf.at[b], gsem)
                for b in range(GRP)
            ]
            for b in range(GRP):
                descs[b].wait()
                pltpu.sync_copy(buf.at[b],
                                out.at[pl.ds(base + (j0 + b) * CH, CH)])
            return 0

        lax.fori_loop(0, NGRP, group, 0)

    return gk(xa, idx3)


def _sc_deg(idx3, zeros_d, ones_ch):
    mesh = plsc.VectorSubcoreMesh(core_axis_name="c", subcore_axis_name="s",
                                  num_cores=NC, num_subcores=NS)

    @functools.partial(
        pl.kernel,
        out_type=jax.ShapeDtypeStruct((NC, N, DW), jnp.float32),
        mesh=mesh,
        scratch_types=[
            pltpu.VMEM((NCHD, CHD), jnp.int32),
            pltpu.VMEM((CHD, DW), jnp.float32),
            pltpu.VMEM_SHARED((N, DW), jnp.float32),
        ],
    )
    def dk(idx, zd, ones_h, degp, idx_v, ones_v, shared_d):
        c = lax.axis_index("c")
        s = lax.axis_index("s")
        wid = s * NC + c

        @pl.when(s < NRW)
        def _():
            pltpu.sync_copy(zd.at[pl.ds(s * RPW, RPW)],
                            shared_d.at[pl.ds(s * RPW, RPW)])

        pltpu.sync_copy(idx.at[wid], idx_v)
        pltpu.sync_copy(ones_h, ones_v)
        plsc.subcore_barrier()

        def chunk(j, _):
            pltpu.sync_copy(ones_v, shared_d.at[idx_v.at[j]], add=True)
            return 0

        lax.fori_loop(0, NCHD, chunk, 0)
        plsc.subcore_barrier()

        @pl.when(s < NRW)
        def _():
            pltpu.sync_copy(shared_d.at[pl.ds(s * RPW, RPW)],
                            degp.at[c, pl.ds(s * RPW, RPW)])

    return dk(idx3, zeros_d, ones_ch)


def _edge_body(emb_ref, g_ref, w_ref, b_ref, o_ref):
    v = jnp.dot(emb_ref[...], w_ref[...],
                preferred_element_type=jnp.float32)
    o_ref[...] = _gelu(v + b_ref[...] + g_ref[...])


def _edge_body_dep(emb_ref, g_ref, w_ref, b_ref, d_ref, o_ref):
    del d_ref
    v = jnp.dot(emb_ref[...], w_ref[...],
                preferred_element_type=jnp.float32)
    o_ref[...] = _gelu(v + b_ref[...] + g_ref[...])


def _tc_edge(emb, g, w1b, b1, sl, dep=None):
    be = 4000
    off = sl * (E2 // be)
    specs = [pl.BlockSpec((be, D), lambda i: (i + off, 0)),
             pl.BlockSpec((be, D), lambda i: (i, 0)),
             pl.BlockSpec((D, D), lambda i: (0, 0)),
             pl.BlockSpec((1, D), lambda i: (0, 0))]
    args = [emb, g, w1b, b1]
    body = _edge_body
    if dep is not None:
        specs.append(pl.BlockSpec((1, 8, DW), lambda i: (0, 0, 0)))
        args.append(dep)
        body = _edge_body_dep
    return pl.pallas_call(
        body,
        grid=(E2 // be,),
        in_specs=specs,
        out_specs=pl.BlockSpec((be, D), lambda i: (i, 0)),
        out_shape=jax.ShapeDtypeStruct((E2, D), jnp.float32),
    )(*args)


def _sc_scatter(t, idx3, zeros_g):
    mesh = plsc.VectorSubcoreMesh(core_axis_name="c", subcore_axis_name="s",
                                  num_cores=NC, num_subcores=NS)

    @functools.partial(
        pl.kernel,
        out_type=jax.ShapeDtypeStruct((NC, N, D), jnp.float32),
        mesh=mesh,
        scratch_types=[
            pltpu.VMEM((NCHS, CHS), jnp.int32),
            pltpu.VMEM((CHS, D), jnp.float32),
            pltpu.VMEM((CHS, D), jnp.float32),
            pltpu.VMEM_SHARED((N, D), jnp.float32),
            pltpu.SemaphoreType.DMA,
            pltpu.SemaphoreType.DMA,
        ],
    )
    def sk(t_hbm, idx, zg, gp, idx_v, buf0, buf1, shared_g, sem0, sem1):
        c = lax.axis_index("c")
        s = lax.axis_index("s")
        wid = s * NC + c
        base = wid * EPW

        @pl.when(s < NRW)
        def _():
            pltpu.sync_copy(zg.at[pl.ds(s * RPW, RPW)],
                            shared_g.at[pl.ds(s * RPW, RPW)])

        pltpu.sync_copy(idx.at[wid], idx_v)
        plsc.subcore_barrier()

        pltpu.async_copy(t_hbm.at[pl.ds(base, CHS)], buf0, sem0)
        pltpu.async_copy(t_hbm.at[pl.ds(base + CHS, CHS)], buf1, sem1)

        def pair(hi, _):
            j0 = 2 * hi
            pltpu.make_async_copy(t_hbm.at[pl.ds(base + j0 * CHS, CHS)],
                                  buf0, sem0).wait()
            pltpu.sync_copy(buf0, shared_g.at[idx_v.at[j0]], add=True)

            @pl.when(j0 + 2 < NCHS)
            def _():
                pltpu.async_copy(t_hbm.at[pl.ds(base + (j0 + 2) * CHS, CHS)],
                                 buf0, sem0)

            pltpu.make_async_copy(t_hbm.at[pl.ds(base + (j0 + 1) * CHS, CHS)],
                                  buf1, sem1).wait()
            pltpu.sync_copy(buf1, shared_g.at[idx_v.at[j0 + 1]], add=True)

            @pl.when(j0 + 3 < NCHS)
            def _():
                pltpu.async_copy(t_hbm.at[pl.ds(base + (j0 + 3) * CHS, CHS)],
                                 buf1, sem1)

            return 0

        lax.fori_loop(0, NPAIR, pair, 0)
        pltpu.make_async_copy(t_hbm.at[pl.ds(base + (NCHS - 1) * CHS, CHS)],
                              buf0, sem0).wait()
        pltpu.sync_copy(buf0, shared_g.at[idx_v.at[NCHS - 1]], add=True)
        plsc.subcore_barrier()

        @pl.when(s < NRW)
        def _():
            pltpu.sync_copy(shared_g.at[pl.ds(s * RPW, RPW)],
                            gp.at[c, pl.ds(s * RPW, RPW)])

    return sk(t, idx3, zeros_g)


def _node_body(x_ref, ga0, ga1, gb0, gb1, d0, d1, w2, b2, w3a, w3b, b3,
               w4, b4, gam, bet, o_ref):
    big_g = (ga0[...] + ga1[...]) + (gb0[...] + gb1[...])
    d = d0[:, 0:1] + d1[:, 0:1]
    agg = jnp.dot(big_g, w2[...], preferred_element_type=jnp.float32)
    agg = agg / jnp.maximum(d, 1.0) + jnp.where(d > 0.0, 1.0, 0.0) * b2[...]
    u = (jnp.dot(x_ref[...], w3a[...], preferred_element_type=jnp.float32)
         + jnp.dot(agg, w3b[...], preferred_element_type=jnp.float32)
         + b3[...])
    u = _gelu(u)
    h = jnp.dot(u, w4[...], preferred_element_type=jnp.float32) + b4[...]
    y = x_ref[...] + h
    mu = jnp.mean(y, axis=-1, keepdims=True)
    yc = y - mu
    var = jnp.mean(yc * yc, axis=-1, keepdims=True)
    o_ref[...] = yc * lax.rsqrt(var + 1e-5) * gam[...] + bet[...]


def _tc_node(x, ga0, ga1, gb0, gb1, d0, d1, w2, b2, w3a, w3b, b3, w4, b4,
             gam, bet):
    bn = 2000
    full = lambda r, c: pl.BlockSpec((r, c), lambda i: (0, 0))
    row = lambda cols: pl.BlockSpec((bn, cols), lambda i: (i, 0))
    return pl.pallas_call(
        _node_body,
        grid=(N // bn,),
        in_specs=[row(D), row(D), row(D), row(D), row(D), row(DW), row(DW),
                  full(D, D), full(1, D), full(D, DFF), full(D, DFF),
                  full(1, DFF), full(DFF, D), full(1, D),
                  full(1, D), full(1, D)],
        out_specs=pl.BlockSpec((bn, D), lambda i: (i, 0)),
        out_shape=jax.ShapeDtypeStruct((N, D), jnp.float32),
    )(x, ga0, ga1, gb0, gb1, d0, d1, w2, b2, w3a, w3b, b3, w4, b4, gam, bet)


def kernel(x, edge_src, edge_dst, edge_emb, W1, b1, W2, b2, W3, b3, W4, b4,
           gamma, beta):
    w1a, w1b = W1[:D], W1[D:]
    w3a, w3b = W3[:D], W3[D:]
    src4 = edge_src.reshape(NSL, NW, NCH, CH)
    dst4 = edge_dst.reshape(NSL, NW, NCHS, CHS)
    dst3d = edge_dst.reshape(NW, NCHD, CHD)
    zeros_g = jnp.zeros((N, D), jnp.float32)
    zeros_d = jnp.zeros((N, DW), jnp.float32)
    ones_ch = jnp.ones((CHD, DW), jnp.float32)
    b1r = b1.reshape(1, D)

    xa = _tc_xa(x, w1a)
    ga = _sc_gather(xa, src4[0])
    gb = _sc_gather(xa, src4[1])
    degp = _sc_deg(dst3d, zeros_d, ones_ch)
    ta = _tc_edge(edge_emb, ga, w1b, b1r, 0)
    gpa = _sc_scatter(ta, dst4[0], zeros_g)
    tb = _tc_edge(edge_emb, gb, w1b, b1r, 1, dep=degp)
    gpb = _sc_scatter(tb, dst4[1], zeros_g)
    return _tc_node(x, gpa[0], gpa[1], gpb[0], gpb[1], degp[0], degp[1],
                    W2, b2.reshape(1, D), w3a, w3b, b3.reshape(1, DFF),
                    W4, b4.reshape(1, D), gamma.reshape(1, D),
                    beta.reshape(1, D))

# --- scband reference (transcript-rebuilt; emitter-appended) ---
"""Pipeline reference for scband-gnnlayer-35424890257916 (READ-ONLY COPY).

The authoritative reference and input builder live on the scoring server;
editing this copy changes nothing except your own understanding.
"""

import jax, jax.numpy as jnp
import numpy as np

N, E, D, DFF = 10000, 320000, 128, 512

def setup_inputs(seed: int = 0) -> dict:
    key = jax.random.key(seed)
    ks = jax.random.split(key, 16)
    x = jax.random.normal(ks[0], (N, D), dtype=jnp.float32)
    edge_src = jax.random.randint(ks[1], (E,), 0, N, dtype=jnp.int32)
    edge_dst = jax.random.randint(ks[2], (E,), 0, N, dtype=jnp.int32)
    edge_emb = jax.random.normal(ks[3], (E, D), dtype=jnp.float32)
    s1 = 1.0 / np.sqrt(2 * D)
    s2 = 1.0 / np.sqrt(D)
    s3 = 1.0 / np.sqrt(2 * D)
    s4 = 1.0 / np.sqrt(DFF)
    W1 = jax.random.uniform(ks[4], (2 * D, D), minval=-s1, maxval=s1, dtype=jnp.float32)
    b1 = jax.random.uniform(ks[5], (D,), minval=-s1, maxval=s1, dtype=jnp.float32)
    W2 = jax.random.uniform(ks[6], (D, D), minval=-s2, maxval=s2, dtype=jnp.float32)
    b2 = jax.random.uniform(ks[7], (D,), minval=-s2, maxval=s2, dtype=jnp.float32)
    W3 = jax.random.uniform(ks[8], (2 * D, DFF), minval=-s3, maxval=s3, dtype=jnp.float32)
    b3 = jax.random.uniform(ks[9], (DFF,), minval=-s3, maxval=s3, dtype=jnp.float32)
    W4 = jax.random.uniform(ks[10], (DFF, D), minval=-s4, maxval=s4, dtype=jnp.float32)
    b4 = jax.random.uniform(ks[11], (D,), minval=-s4, maxval=s4, dtype=jnp.float32)
    gamma = jnp.ones((D,), dtype=jnp.float32)
    beta = jnp.zeros((D,), dtype=jnp.float32)
    return {"x": x, "edge_src": edge_src, "edge_dst": edge_dst, "edge_emb": edge_emb,
            "W1": W1, "b1": b1, "W2": W2, "b2": b2, "W3": W3, "b3": b3,
            "W4": W4, "b4": b4, "gamma": gamma, "beta": beta}

def reference(x, edge_src, edge_dst, edge_emb, W1, b1, W2, b2, W3, b3, W4, b4, gamma, beta):
    n = x.shape[0]
    # message generation: m_ij = MLP(cat[h_j, e_ij])
    h_src = jnp.take(x, edge_src, axis=0)
    m = jnp.concatenate([h_src, edge_emb], axis=-1) @ W1 + b1
    m = jax.nn.gelu(m, approximate=False)
    msg = m @ W2 + b2
    # mean aggregation via scatter-add + degree normalization
    agg = jnp.zeros((n, x.shape[1]), dtype=x.dtype).at[edge_dst].add(msg)
    deg = jnp.bincount(edge_dst, length=n).astype(jnp.float32)
    agg = agg / jnp.clip(deg, 1.0)[:, None]
    # update MLP + residual + LayerNorm
    u = jnp.concatenate([x, agg], axis=-1) @ W3 + b3
    u = jax.nn.gelu(u, approximate=False)
    h = u @ W4 + b4
    y = x + h
    mu = jnp.mean(y, axis=-1, keepdims=True)
    var = jnp.var(y, axis=-1, keepdims=True)
    return (y - mu) / jnp.sqrt(var + 1e-5) * gamma + beta

if __name__ == "__main__":
    import jax
    _d = setup_inputs()
    print(jax.jit(kernel)(*tuple(_d.values())))

</pallas_src>

<mosaic_0001>
#map = affine_map<(d0, d1) -> (0, 0)>
#map1 = affine_map<(d0, d1) -> (0, 0, 0)>
module attributes {stable_mosaic.version = 14 : i64} {
  func.func @gk(%arg0: i32, %arg1: i32, %arg2: memref<10000x128xf32, #tpu.memory_space<hbm>>, %arg3: memref<32x125x40xi32, #tpu.memory_space<hbm>>, %arg4: memref<160000x128xf32, #tpu.memory_space<hbm>>, %arg5: memref<125x40xi32, #tpu.memory_space<vmem>>, %arg6: memref<5x40x128xf32, #tpu.memory_space<vmem>>, %arg7: memref<!tpu.dma_semaphore, #tpu.memory_space<semaphore_mem>>) attributes {dimension_semantics = [#tpu.dimension_semantics<core_parallel>, #tpu.dimension_semantics<subcore_parallel>], iteration_bounds = array<i64: 2, 16>, scalar_prefetch = 0 : i64, scratch_operands = 3 : i64, tpu.core_type = #tpu.core_type<sc_vector_subcore>, window_params = [{transform_indices = #map}, {transform_indices = #map1}, {transform_indices = #map}]} {
    %mul3A = arith.constant 2 : i32
    %mul3A_0 = arith.muli %arg1, %mul3A : i32
    %add3A = arith.addi %mul3A_0, %arg0 : i32
    %mul3A_1 = arith.constant 5000 : i32
    %mul3A_2 = arith.muli %add3A, %mul3A_1 : i32
    "tpu.region"() ({
      %run_scoped3A = tpu.sem_alloc : memref<!tpu.dma_semaphore, #tpu.memory_space<semaphore_mem>>
      %dma_start3A = arith.constant 0 : i32
      %dma_start3A_9 = arith.constant 0 : i32
      %dma_start3A_10 = tpu.memref_slice %arg3[%add3A, %dma_start3A, %dma_start3A_9] : memref<32x125x40xi32, #tpu.memory_space<hbm>> -> memref<1x125x40xi32, #tpu.memory_space<hbm>>
      %dma_start3A_11 = tpu.memref_squeeze %dma_start3A_10 : memref<1x125x40xi32, #tpu.memory_space<hbm>> -> memref<125x40xi32, #tpu.memory_space<hbm>>
      %dma_start3A_12 = arith.constant 0 : i32
      %dma_start3A_13 = arith.constant 0 : i32
      %dma_start3A_14 = tpu.memref_slice %arg3[%add3A, %dma_start3A_12, %dma_start3A_13] : memref<32x125x40xi32, #tpu.memory_space<hbm>> -> memref<1x125x40xi32, #tpu.memory_space<hbm>>
      %dma_start3A_15 = tpu.memref_squeeze %dma_start3A_14 : memref<1x125x40xi32, #tpu.memory_space<hbm>> -> memref<125x40xi32, #tpu.memory_space<hbm>>
      tpu.enqueue_dma source(%dma_start3A_15 : memref<125x40xi32, #tpu.memory_space<hbm>>) target(%arg5 : memref<125x40xi32, #tpu.memory_space<vmem>>) target_semaphore(%run_scoped3A : memref<!tpu.dma_semaphore, #tpu.memory_space<semaphore_mem>>)
      %dma_wait3A = arith.constant 0 : i32
      %dma_wait3A_16 = arith.constant 0 : i32
      %dma_wait3A_17 = tpu.memref_slice %arg3[%add3A, %dma_wait3A, %dma_wait3A_16] : memref<32x125x40xi32, #tpu.memory_space<hbm>> -> memref<1x125x40xi32, #tpu.memory_space<hbm>>
      %dma_wait3A_18 = tpu.memref_squeeze %dma_wait3A_17 : memref<1x125x40xi32, #tpu.memory_space<hbm>> -> memref<125x40xi32, #tpu.memory_space<hbm>>
      %dma_wait3A_19 = arith.constant 0 : i32
      %dma_wait3A_20 = arith.constant 0 : i32
      %dma_wait3A_21 = tpu.memref_slice %arg3[%add3A, %dma_wait3A_19, %dma_wait3A_20] : memref<32x125x40xi32, #tpu.memory_space<hbm>> -> memref<1x125x40xi32, #tpu.memory_space<hbm>>
      %dma_wait3A_22 = tpu.memref_squeeze %dma_wait3A_21 : memref<1x125x40xi32, #tpu.memory_space<hbm>> -> memref<125x40xi32, #tpu.memory_space<hbm>>
      tpu.wait_dma2 semaphore(%run_scoped3A : memref<!tpu.dma_semaphore, #tpu.memory_space<semaphore_mem>>) src(%dma_wait3A_22 : memref<125x40xi32, #tpu.memory_space<hbm>>) dst(%arg5 : memref<125x40xi32, #tpu.memory_space<vmem>>)
      tpu.yield
    }) : () -> ()
    %scan3A = arith.constant 0 : i32
    %scan3A_3 = arith.constant 0 : i32
    %scan3A_4 = arith.constant 25 : i32
    %scan3A_5 = arith.addi %scan3A_3, %scan3A_4 : i32
    %scan3A_6 = arith.constant 1 : i32
    %scan3A_7 = scf.for %scan3A_9 = %scan3A_3 to %scan3A_5 step %scan3A_6 iter_args(%scan3A_10 = %scan3A) -> (i32)  : i32 {
      %mul3A_11 = arith.constant 5 : i32
      %mul3A_12 = arith.muli %scan3A_9, %mul3A_11 : i32
      %add3A_13 = arith.constant 0 : i32
      %add3A_14 = arith.addi %mul3A_12, %add3A_13 : i32
      %dma_start3A = arith.constant 0 : i32
      %dma_start3A_15 = arith.constant 0 : i32
      %dma_start3A_16 = arith.constant 0 : i32
      %dma_start3A_17 = tpu.memref_slice %arg6[%dma_start3A, %dma_start3A_15, %dma_start3A_16] : memref<5x40x128xf32, #tpu.memory_space<vmem>> -> memref<1x40x128xf32, #tpu.memory_space<vmem>>
      %dma_start3A_18 = tpu.memref_squeeze %dma_start3A_17 : memref<1x40x128xf32, #tpu.memory_space<vmem>> -> memref<40x128xf32, #tpu.memory_space<vmem>>
      %dma_start3A_19 = arith.constant 0 : i32
      %dma_start3A_20 = tpu.memref_slice %arg5[%add3A_14, %dma_start3A_19] : memref<125x40xi32, #tpu.memory_space<vmem>> -> memref<1x40xi32, #tpu.memory_space<vmem>>
      %dma_start3A_21 = tpu.memref_squeeze %dma_start3A_20 : memref<1x40xi32, #tpu.memory_space<vmem>> -> memref<40xi32, #tpu.memory_space<vmem>>
      %dma_start3A_22 = arith.constant 0 : i32
      %dma_start3A_23 = arith.constant 0 : i32
      %dma_start3A_24 = tpu.memref_slice %arg2[%dma_start3A_22, %dma_start3A_23] : memref<10000x128xf32, #tpu.memory_space<hbm>> -> memref<10000x128xf32, #tpu.memory_space<hbm>>
      tpu.enqueue_indirect_dma source(%dma_start3A_24 : memref<10000x128xf32, #tpu.memory_space<hbm>>) target(%dma_start3A_18 : memref<40x128xf32, #tpu.memory_space<vmem>>) offsets(%dma_start3A_21 : memref<40xi32, #tpu.memory_space<vmem>>) semaphore(%arg7 : memref<!tpu.dma_semaphore, #tpu.memory_space<semaphore_mem>>)
      %add3A_25 = arith.constant 1 : i32
      %add3A_26 = arith.addi %mul3A_12, %add3A_25 : i32
      %dma_start3A_27 = arith.constant 1 : i32
      %dma_start3A_28 = arith.constant 0 : i32
      %dma_start3A_29 = arith.constant 0 : i32
      %dma_start3A_30 = tpu.memref_slice %arg6[%dma_start3A_27, %dma_start3A_28, %dma_start3A_29] : memref<5x40x128xf32, #tpu.memory_space<vmem>> -> memref<1x40x128xf32, #tpu.memory_space<vmem>>
      %dma_start3A_31 = tpu.memref_squeeze %dma_start3A_30 : memref<1x40x128xf32, #tpu.memory_space<vmem>> -> memref<40x128xf32, #tpu.memory_space<vmem>>
      %dma_start3A_32 = arith.constant 0 : i32
      %dma_start3A_33 = tpu.memref_slice %arg5[%add3A_26, %dma_start3A_32] : memref<125x40xi32, #tpu.memory_space<vmem>> -> memref<1x40xi32, #tpu.memory_space<vmem>>
      %dma_start3A_34 = tpu.memref_squeeze %dma_start3A_33 : memref<1x40xi32, #tpu.memory_space<vmem>> -> memref<40xi32, #tpu.memory_space<vmem>>
      %dma_start3A_35 = arith.constant 0 : i32
      %dma_start3A_36 = arith.constant 0 : i32
      %dma_start3A_37 = tpu.memref_slice %arg2[%dma_start3A_35, %dma_start3A_36] : memref<10000x128xf32, #tpu.memory_space<hbm>> -> memref<10000x128xf32, #tpu.memory_space<hbm>>
      tpu.enqueue_indirect_dma source(%dma_start3A_37 : memref<10000x128xf32, #tpu.memory_space<hbm>>) target(%dma_start3A_31 : memref<40x128xf32, #tpu.memory_space<vmem>>) offsets(%dma_start3A_34 : memref<40xi32, #tpu.memory_space<vmem>>) semaphore(%arg7 : memref<!tpu.dma_semaphore, #tpu.memory_space<semaphore_mem>>)
      %add3A_38 = arith.constant 2 : i32
      %add3A_39 = arith.addi %mul3A_12, %add3A_38 : i32
      %dma_start3A_40 = arith.constant 2 : i32
      %dma_start3A_41 = arith.constant 0 : i32
      %dma_start3A_42 = arith.constant 0 : i32
      %dma_start3A_43 = tpu.memref_slice %arg6[%dma_start3A_40, %dma_start3A_41, %dma_start3A_42] : memref<5x40x128xf32, #tpu.memory_space<vmem>> -> memref<1x40x128xf32, #tpu.memory_space<vmem>>
      %dma_start3A_44 = tpu.memref_squeeze %dma_start3A_43 : memref<1x40x128xf32, #tpu.memory_space<vmem>> -> memref<40x128xf32, #tpu.memory_space<vmem>>
      %dma_start3A_45 = arith.constant 0 : i32
      %dma_start3A_46 = tpu.memref_slice %arg5[%add3A_39, %dma_start3A_45] : memref<125x40xi32, #tpu.memory_space<vmem>> -> memref<1x40xi32, #tpu.memory_space<vmem>>
      %dma_start3A_47 = tpu.memref_squeeze %dma_start3A_46 : memref<1x40xi32, #tpu.memory_space<vmem>> -> memref<40xi32, #tpu.memory_space<vmem>>
      %dma_start3A_48 = arith.constant 0 : i32
      %dma_start3A_49 = arith.constant 0 : i32
      %dma_start3A_50 = tpu.memref_slice %arg2[%dma_start3A_48, %dma_start3A_49] : memref<10000x128xf32, #tpu.memory_space<hbm>> -> memref<10000x128xf32, #tpu.memory_space<hbm>>
      tpu.enqueue_indirect_dma source(%dma_start3A_50 : memref<10000x128xf32, #tpu.memory_space<hbm>>) target(%dma_start3A_44 : memref<40x128xf32, #tpu.memory_space<vmem>>) offsets(%dma_start3A_47 : memref<40xi32, #tpu.memory_space<vmem>>) semaphore(%arg7 : memref<!tpu.dma_semaphore, #tpu.memory_space<semaphore_mem>>)
      %add3A_51 = arith.constant 3 : i32
      %add3A_52 = arith.addi %mul3A_12, %add3A_51 : i32
      %dma_start3A_53 = arith.constant 3 : i32
      %dma_start3A_54 = arith.constant 0 : i32
      %dma_start3A_55 = arith.constant 0 : i32
      %dma_start3A_56 = tpu.memref_slice %arg6[%dma_start3A_53, %dma_start3A_54, %dma_start3A_55] : memref<5x40x128xf32, #tpu.memory_space<vmem>> -> memref<1x40x128xf32, #tpu.memory_space<vmem>>
      %dma_start3A_57 = tpu.memref_squeeze %dma_start3A_56 : memref<1x40x128xf32, #tpu.memory_space<vmem>> -> memref<40x128xf32, #tpu.memory_space<vmem>>
      %dma_start3A_58 = arith.constant 0 : i32
      %dma_start3A_59 = tpu.memref_slice %arg5[%add3A_52, %dma_start3A_58] : memref<125x40xi32, #tpu.memory_space<vmem>> -> memref<1x40xi32, #tpu.memory_space<vmem>>
      %dma_start3A_60 = tpu.memref_squeeze %dma_start3A_59 : memref<1x40xi32, #tpu.memory_space<vmem>> -> memref<40xi32, #tpu.memory_space<vmem>>
      %dma_start3A_61 = arith.constant 0 : i32
      %dma_start3A_62 = arith.constant 0 : i32
      %dma_start3A_63 = tpu.memref_slice %arg2[%dma_start3A_61, %dma_start3A_62] : memref<10000x128xf32, #tpu.memory_space<hbm>> -> memref<10000x128xf32, #tpu.memory_space<hbm>>
      tpu.enqueue_indirect_dma source(%dma_start3A_63 : memref<10000x128xf32, #tpu.memory_space<hbm>>) target(%dma_start3A_57 : memref<40x128xf32, #tpu.memory_space<vmem>>) offsets(%dma_start3A_60 : memref<40xi32, #tpu.memory_space<vmem>>) semaphore(%arg7 : memref<!tpu.dma_semaphore, #tpu.memory_space<semaphore_mem>>)
      %add3A_64 = arith.constant 4 : i32
      %add3A_65 = arith.addi %mul3A_12, %add3A_64 : i32
      %dma_start3A_66 = arith.constant 4 : i32
      %dma_start3A_67 = arith.constant 0 : i32
      %dma_start3A_68 = arith.constant 0 : i32
      %dma_start3A_69 = tpu.memref_slice %arg6[%dma_start3A_66, %dma_start3A_67, %dma_start3A_68] : memref<5x40x128xf32, #tpu.memory_space<vmem>> -> memref<1x40x128xf32, #tpu.memory_space<vmem>>
      %dma_start3A_70 = tpu.memref_squeeze %dma_start3A_69 : memref<1x40x128xf32, #tpu.memory_space<vmem>> -> memref<40x128xf32, #tpu.memory_space<vmem>>
      %dma_start3A_71 = arith.constant 0 : i32
      %dma_start3A_72 = tpu.memref_slice %arg5[%add3A_65, %dma_start3A_71] : memref<125x40xi32, #tpu.memory_space<vmem>> -> memref<1x40xi32, #tpu.memory_space<vmem>>
      %dma_start3A_73 = tpu.memref_squeeze %dma_start3A_72 : memref<1x40xi32, #tpu.memory_space<vmem>> -> memref<40xi32, #tpu.memory_space<vmem>>
      %dma_start3A_74 = arith.constant 0 : i32
      %dma_start3A_75 = arith.constant 0 : i32
      %dma_start3A_76 = tpu.memref_slice %arg2[%dma_start3A_74, %dma_start3A_75] : memref<10000x128xf32, #tpu.memory_space<hbm>> -> memref<10000x128xf32, #tpu.memory_space<hbm>>
      tpu.enqueue_indirect_dma source(%dma_start3A_76 : memref<10000x128xf32, #tpu.memory_space<hbm>>) target(%dma_start3A_70 : memref<40x128xf32, #tpu.memory_space<vmem>>) offsets(%dma_start3A_73 : memref<40xi32, #tpu.memory_space<vmem>>) semaphore(%arg7 : memref<!tpu.dma_semaphore, #tpu.memory_space<semaphore_mem>>)
      %dma_wait3A = arith.constant 0 : i32
      %dma_wait3A_77 = arith.constant 0 : i32
      %dma_wait3A_78 = arith.constant 0 : i32
      %dma_wait3A_79 = tpu.memref_slice %arg6[%dma_wait3A, %dma_wait3A_77, %dma_wait3A_78] : memref<5x40x128xf32, #tpu.memory_space<vmem>> -> memref<1x40x128xf32, #tpu.memory_space<vmem>>
      %dma_wait3A_80 = tpu.memref_squeeze %dma_wait3A_79 : memref<1x40x128xf32, #tpu.memory_space<vmem>> -> memref<40x128xf32, #tpu.memory_space<vmem>>
      %dma_wait3A_81 = arith.constant 0 : i32
      %dma_wait3A_82 = tpu.memref_slice %arg5[%add3A_14, %dma_wait3A_81] : memref<125x40xi32, #tpu.memory_space<vmem>> -> memref<1x40xi32, #tpu.memory_space<vmem>>
      %dma_wait3A_83 = tpu.memref_squeeze %dma_wait3A_82 : memref<1x40xi32, #tpu.memory_space<vmem>> -> memref<40xi32, #tpu.memory_space<vmem>>
      %dma_wait3A_84 = arith.constant 0 : i32
      %dma_wait3A_85 = arith.constant 0 : i32
      %dma_wait3A_86 = tpu.memref_slice %arg2[%dma_wait3A_84, %dma_wait3A_85] : memref<10000x128xf32, #tpu.memory_space<hbm>> -> memref<10000x128xf32, #tpu.memory_space<hbm>>
      tpu.wait_indirect_dma semaphore(%arg7 : memref<!tpu.dma_semaphore, #tpu.memory_space<semaphore_mem>>) src(%dma_wait3A_86 : memref<10000x128xf32, #tpu.memory_space<hbm>>) dst(%dma_wait3A_80 : memref<40x128xf32, #tpu.memory_space<vmem>>)
      %add3A_87 = arith.constant 0 : i32
      %add3A_88 = arith.addi %mul3A_12, %add3A_87 : i32
      %mul3A_89 = arith.constant 40 : i32
      %mul3A_90 = arith.muli %add3A_88, %mul3A_89 : i32
      %add3A_91 = arith.addi %mul3A_2, %mul3A_90 : i32
      %run_scoped3A = arith.constant 0 : i32
      "tpu.region"() ({
        %run_scoped3A_161 = tpu.sem_alloc : memref<!tpu.dma_semaphore, #tpu.memory_space<semaphore_mem>>
        %dma_start3A_162 = arith.constant 0 : i32
        %dma_start3A_163 = arith.constant 0 : i32
        %dma_start3A_164 = tpu.memref_slice %arg6[%run_scoped3A, %dma_start3A_162, %dma_start3A_163] : memref<5x40x128xf32, #tpu.memory_space<vmem>> -> memref<1x40x128xf32, #tpu.memory_space<vmem>>
        %dma_start3A_165 = tpu.memref_squeeze %dma_start3A_164 : memref<1x40x128xf32, #tpu.memory_space<vmem>> -> memref<40x128xf32, #tpu.memory_space<vmem>>
        %dma_start3A_166 = arith.constant 0 : i32
        %dma_start3A_167 = tpu.memref_slice %arg4[%add3A_91, %dma_start3A_166] : memref<160000x128xf32, #tpu.memory_space<hbm>> -> memref<40x128xf32, #tpu.memory_space<hbm>>
        %dma_start3A_168 = arith.constant 0 : i32
        %dma_start3A_169 = tpu.memref_slice %arg4[%add3A_91, %dma_start3A_168] : memref<160000x128xf32, #tpu.memory_space<hbm>> -> memref<40x128xf32, #tpu.memory_space<hbm>>
        %dma_start3A_170 = arith.constant 0 : i32
        %dma_start3A_171 = arith.constant 0 : i32
        %dma_start3A_172 = tpu.memref_slice %arg6[%run_scoped3A, %dma_start3A_170, %dma_start3A_171] : memref<5x40x128xf32, #tpu.memory_space<vmem>> -> memref<1x40x128xf32, #tpu.memory_space<vmem>>
        %dma_start3A_173 = tpu.memref_squeeze %dma_start3A_172 : memref<1x40x128xf32, #tpu.memory_space<vmem>> -> memref<40x128xf32, #tpu.memory_space<vmem>>
        tpu.enqueue_dma source(%dma_start3A_173 : memref<40x128xf32, #tpu.memory_space<vmem>>) target(%dma_start3A_169 : memref<40x128xf32, #tpu.memory_space<hbm>>) target_semaphore(%run_scoped3A_161 : memref<!tpu.dma_semaphore, #tpu.memory_space<semaphore_mem>>)
        %dma_wait3A_174 = arith.constant 0 : i32
        %dma_wait3A_175 = arith.constant 0 : i32
        %dma_wait3A_176 = tpu.memref_slice %arg6[%run_scoped3A, %dma_wait3A_174, %dma_wait3A_175] : memref<5x40x128xf32, #tpu.memory_space<vmem>> -> memref<1x40x128xf32, #tpu.memory_space<vmem>>
        %dma_wait3A_177 = tpu.memref_squeeze %dma_wait3A_176 : memref<1x40x128xf32, #tpu.memory_space<vmem>> -> memref<40x128xf32, #tpu.memory_space<vmem>>
        %dma_wait3A_178 = arith.constant 0 : i32
        %dma_wait3A_179 = tpu.memref_slice %arg4[%add3A_91, %dma_wait3A_178] : memref<160000x128xf32, #tpu.memory_space<hbm>> -> memref<40x128xf32, #tpu.memory_space<hbm>>
        %dma_wait3A_180 = arith.constant 0 : i32
        %dma_wait3A_181 = tpu.memref_slice %arg4[%add3A_91, %dma_wait3A_180] : memref<160000x128xf32, #tpu.memory_space<hbm>> -> memref<40x128xf32, #tpu.memory_space<hbm>>
        %dma_wait3A_182 = arith.constant 0 : i32
        %dma_wait3A_183 = arith.constant 0 : i32
        %dma_wait3A_184 = tpu.memref_slice %arg6[%run_scoped3A, %dma_wait3A_182, %dma_wait3A_183] : memref<5x40x128xf32, #tpu.memory_space<vmem>> -> memref<1x40x128xf32, #tpu.memory_space<vmem>>
        %dma_wait3A_185 = tpu.memref_squeeze %dma_wait3A_184 : memref<1x40x128xf32, #tpu.memory_space<vmem>> -> memref<40x128xf32, #tpu.memory_space<vmem>>
        tpu.wait_dma2 semaphore(%run_scoped3A_161 : memref<!tpu.dma_semaphore, #tpu.memory_space<semaphore_mem>>) src(%dma_wait3A_185 : memref<40x128xf32, #tpu.memory_space<vmem>>) dst(%dma_wait3A_181 : memref<40x128xf32, #tpu.memory_space<hbm>>)
        tpu.yield
      }) : () -> ()
      %dma_wait3A_92 = arith.constant 1 : i32
      %dma_wait3A_93 = arith.constant 0 : i32
      %dma_wait3A_94 = arith.constant 0 : i32
      %dma_wait3A_95 = tpu.memref_slice %arg6[%dma_wait3A_92, %dma_wait3A_93, %dma_wait3A_94] : memref<5x40x128xf32, #tpu.memory_space<vmem>> -> memref<1x40x128xf32, #tpu.memory_space<vmem>>
      %dma_wait3A_96 = tpu.memref_squeeze %dma_wait3A_95 : memref<1x40x128xf32, #tpu.memory_space<vmem>> -> memref<40x128xf32, #tpu.memory_space<vmem>>
      %dma_wait3A_97 = arith.constant 0 : i32
      %dma_wait3A_98 = tpu.memref_slice %arg5[%add3A_26, %dma_wait3A_97] : memref<125x40xi32, #tpu.memory_space<vmem>> -> memref<1x40xi32, #tpu.memory_space<vmem>>
      %dma_wait3A_99 = tpu.memref_squeeze %dma_wait3A_98 : memref<1x40xi32, #tpu.memory_space<vmem>> -> memref<40xi32, #tpu.memory_space<vmem>>
      %dma_wait3A_100 = arith.constant 0 : i32
      %dma_wait3A_101 = arith.constant 0 : i32
      %dma_wait3A_102 = tpu.memref_slice %arg2[%dma_wait3A_100, %dma_wait3A_101] : memref<10000x128xf32, #tpu.memory_space<hbm>> -> memref<10000x128xf32, #tpu.memory_space<hbm>>
      tpu.wait_indirect_dma semaphore(%arg7 : memref<!tpu.dma_semaphore, #tpu.memory_space<semaphore_mem>>) src(%dma_wait3A_102 : memref<10000x128xf32, #tpu.memory_space<hbm>>) dst(%dma_wait3A_96 : memref<40x128xf32, #tpu.memory_space<vmem>>)
      %add3A_103 = arith.constant 1 : i32
      %add3A_104 = arith.addi %mul3A_12, %add3A_103 : i32
      %mul3A_105 = arith.constant 40 : i32
      %mul3A_106 = arith.muli %add3A_104, %mul3A_105 : i32
      %add3A_107 = arith.addi %mul3A_2, %mul3A_106 : i32
      %run_scoped3A_108 = arith.constant 1 : i32
      "tpu.region"() ({
        %run_scoped3A_161 = tpu.sem_alloc : memref<!tpu.dma_semaphore, #tpu.memory_space<semaphore_mem>>
        %dma_start3A_162 = arith.constant 0 : i32
        %dma_start3A_163 = arith.constant 0 : i32
        %dma_start3A_164 = tpu.memref_slice %arg6[%run_scoped3A_108, %dma_start3A_162, %dma_start3A_163] : memref<5x40x128xf32, #tpu.memory_space<vmem>> -> memref<1x40x128xf32, #tpu.memory_space<vmem>>
        %dma_start3A_165 = tpu.memref_squeeze %dma_start3A_164 : memref<1x40x128xf32, #tpu.memory_space<vmem>> -> memref<40x128xf32, #tpu.memory_space<vmem>>
        %dma_start3A_166 = arith.constant 0 : i32
        %dma_start3A_167 = tpu.memref_slice %arg4[%add3A_107, %dma_start3A_166] : memref<160000x128xf32, #tpu.memory_space<hbm>> -> memref<40x128xf32, #tpu.memory_space<hbm>>
        %dma_start3A_168 = arith.constant 0 : i32
        %dma_start3A_169 = tpu.memref_slice %arg4[%add3A_107, %dma_start3A_168] : memref<160000x128xf32, #tpu.memory_space<hbm>> -> memref<40x128xf32, #tpu.memory_space<hbm>>
        %dma_start3A_170 = arith.constant 0 : i32
        %dma_start3A_171 = arith.constant 0 : i32
        %dma_start3A_172 = tpu.memref_slice %arg6[%run_scoped3A_108, %dma_start3A_170, %dma_start3A_171] : memref<5x40x128xf32, #tpu.memory_space<vmem>> -> memref<1x40x128xf32, #tpu.memory_space<vmem>>
        %dma_start3A_173 = tpu.memref_squeeze %dma_start3A_172 : memref<1x40x128xf32, #tpu.memory_space<vmem>> -> memref<40x128xf32, #tpu.memory_space<vmem>>
        tpu.enqueue_dma source(%dma_start3A_173 : memref<40x128xf32, #tpu.memory_space<vmem>>) target(%dma_start3A_169 : memref<40x128xf32, #tpu.memory_space<hbm>>) target_semaphore(%run_scoped3A_161 : memref<!tpu.dma_semaphore, #tpu.memory_space<semaphore_mem>>)
        %dma_wait3A_174 = arith.constant 0 : i32
        %dma_wait3A_175 = arith.constant 0 : i32
        %dma_wait3A_176 = tpu.memref_slice %arg6[%run_scoped3A_108, %dma_wait3A_174, %dma_wait3A_175] : memref<5x40x128xf32, #tpu.memory_space<vmem>> -> memref<1x40x128xf32, #tpu.memory_space<vmem>>
        %dma_wait3A_177 = tpu.memref_squeeze %dma_wait3A_176 : memref<1x40x128xf32, #tpu.memory_space<vmem>> -> memref<40x128xf32, #tpu.memory_space<vmem>>
        %dma_wait3A_178 = arith.constant 0 : i32
        %dma_wait3A_179 = tpu.memref_slice %arg4[%add3A_107, %dma_wait3A_178] : memref<160000x128xf32, #tpu.memory_space<hbm>> -> memref<40x128xf32, #tpu.memory_space<hbm>>
        %dma_wait3A_180 = arith.constant 0 : i32
        %dma_wait3A_181 = tpu.memref_slice %arg4[%add3A_107, %dma_wait3A_180] : memref<160000x128xf32, #tpu.memory_space<hbm>> -> memref<40x128xf32, #tpu.memory_space<hbm>>
        %dma_wait3A_182 = arith.constant 0 : i32
        %dma_wait3A_183 = arith.constant 0 : i32
        %dma_wait3A_184 = tpu.memref_slice %arg6[%run_scoped3A_108, %dma_wait3A_182, %dma_wait3A_183] : memref<5x40x128xf32, #tpu.memory_space<vmem>> -> memref<1x40x128xf32, #tpu.memory_space<vmem>>
        %dma_wait3A_185 = tpu.memref_squeeze %dma_wait3A_184 : memref<1x40x128xf32, #tpu.memory_space<vmem>> -> memref<40x128xf32, #tpu.memory_space<vmem>>
        tpu.wait_dma2 semaphore(%run_scoped3A_161 : memref<!tpu.dma_semaphore, #tpu.memory_space<semaphore_mem>>) src(%dma_wait3A_185 : memref<40x128xf32, #tpu.memory_space<vmem>>) dst(%dma_wait3A_181 : memref<40x128xf32, #tpu.memory_space<hbm>>)
        tpu.yield
      }) : () -> ()
      %dma_wait3A_109 = arith.constant 2 : i32
      %dma_wait3A_110 = arith.constant 0 : i32
      %dma_wait3A_111 = arith.constant 0 : i32
      %dma_wait3A_112 = tpu.memref_slice %arg6[%dma_wait3A_109, %dma_wait3A_110, %dma_wait3A_111] : memref<5x40x128xf32, #tpu.memory_space<vmem>> -> memref<1x40x128xf32, #tpu.memory_space<vmem>>
      %dma_wait3A_113 = tpu.memref_squeeze %dma_wait3A_112 : memref<1x40x128xf32, #tpu.memory_space<vmem>> -> memref<40x128xf32, #tpu.memory_space<vmem>>
      %dma_wait3A_114 = arith.constant 0 : i32
      %dma_wait3A_115 = tpu.memref_slice %arg5[%add3A_39, %dma_wait3A_114] : memref<125x40xi32, #tpu.memory_space<vmem>> -> memref<1x40xi32, #tpu.memory_space<vmem>>
      %dma_wait3A_116 = tpu.memref_squeeze %dma_wait3A_115 : memref<1x40xi32, #tpu.memory_space<vmem>> -> memref<40xi32, #tpu.memory_space<vmem>>
      %dma_wait3A_117 = arith.constant 0 : i32
      %dma_wait3A_118 = arith.constant 0 : i32
      %dma_wait3A_119 = tpu.memref_slice %arg2[%dma_wait3A_117, %dma_wait3A_118] : memref<10000x128xf32, #tpu.memory_space<hbm>> -> memref<10000x128xf32, #tpu.memory_space<hbm>>
      tpu.wait_indirect_dma semaphore(%arg7 : memref<!tpu.dma_semaphore, #tpu.memory_space<semaphore_mem>>) src(%dma_wait3A_119 : memref<10000x128xf32, #tpu.memory_space<hbm>>) dst(%dma_wait3A_113 : memref<40x128xf32, #tpu.memory_space<vmem>>)
      %add3A_120 = arith.constant 2 : i32
      %add3A_121 = arith.addi %mul3A_12, %add3A_120 : i32
      %mul3A_122 = arith.constant 40 : i32
      %mul3A_123 = arith.muli %add3A_121, %mul3A_122 : i32
      %add3A_124 = arith.addi %mul3A_2, %mul3A_123 : i32
      %run_scoped3A_125 = arith.constant 2 : i32
      "tpu.region"() ({
        %run_scoped3A_161 = tpu.sem_alloc : memref<!tpu.dma_semaphore, #tpu.memory_space<semaphore_mem>>
        %dma_start3A_162 = arith.constant 0 : i32
        %dma_start3A_163 = arith.constant 0 : i32
        %dma_start3A_164 = tpu.memref_slice %arg6[%run_scoped3A_125, %dma_start3A_162, %dma_start3A_163] : memref<5x40x128xf32, #tpu.memory_space<vmem>> -> memref<1x40x128xf32, #tpu.memory_space<vmem>>
        %dma_start3A_165 = tpu.memref_squeeze %dma_start3A_164 : memref<1x40x128xf32, #tpu.memory_space<vmem>> -> memref<40x128xf32, #tpu.memory_space<vmem>>
        %dma_start3A_166 = arith.constant 0 : i32
        %dma_start3A_167 = tpu.memref_slice %arg4[%add3A_124, %dma_start3A_166] : memref<160000x128xf32, #tpu.memory_space<hbm>> -> memref<40x128xf32, #tpu.memory_space<hbm>>
        %dma_start3A_168 = arith.constant 0 : i32
        %dma_start3A_169 = tpu.memref_slice %arg4[%add3A_124, %dma_start3A_168] : memref<160000x128xf32, #tpu.memory_space<hbm>> -> memref<40x128xf32, #tpu.memory_space<hbm>>
        %dma_start3A_170 = arith.constant 0 : i32
        %dma_start3A_171 = arith.constant 0 : i32
        %dma_start3A_172 = tpu.memref_slice %arg6[%run_scoped3A_125, %dma_start3A_170, %dma_start3A_171] : memref<5x40x128xf32, #tpu.memory_space<vmem>> -> memref<1x40x128xf32, #tpu.memory_space<vmem>>
        %dma_start3A_173 = tpu.memref_squeeze %dma_start3A_172 : memref<1x40x128xf32, #tpu.memory_space<vmem>> -> memref<40x128xf32, #tpu.memory_space<vmem>>
        tpu.enqueue_dma source(%dma_start3A_173 : memref<40x128xf32, #tpu.memory_space<vmem>>) target(%dma_start3A_169 : memref<40x128xf32, #tpu.memory_space<hbm>>) target_semaphore(%run_scoped3A_161 : memref<!tpu.dma_semaphore, #tpu.memory_space<semaphore_mem>>)
        %dma_wait3A_174 = arith.constant 0 : i32
        %dma_wait3A_175 = arith.constant 0 : i32
        %dma_wait3A_176 = tpu.memref_slice %arg6[%run_scoped3A_125, %dma_wait3A_174, %dma_wait3A_175] : memref<5x40x128xf32, #tpu.memory_space<vmem>> -> memref<1x40x128xf32, #tpu.memory_space<vmem>>
        %dma_wait3A_177 = tpu.memref_squeeze %dma_wait3A_176 : memref<1x40x128xf32, #tpu.memory_space<vmem>> -> memref<40x128xf32, #tpu.memory_space<vmem>>
        %dma_wait3A_178 = arith.constant 0 : i32
        %dma_wait3A_179 = tpu.memref_slice %arg4[%add3A_124, %dma_wait3A_178] : memref<160000x128xf32, #tpu.memory_space<hbm>> -> memref<40x128xf32, #tpu.memory_space<hbm>>
        %dma_wait3A_180 = arith.constant 0 : i32
        %dma_wait3A_181 = tpu.memref_slice %arg4[%add3A_124, %dma_wait3A_180] : memref<160000x128xf32, #tpu.memory_space<hbm>> -> memref<40x128xf32, #tpu.memory_space<hbm>>
        %dma_wait3A_182 = arith.constant 0 : i32
        %dma_wait3A_183 = arith.constant 0 : i32
        %dma_wait3A_184 = tpu.memref_slice %arg6[%run_scoped3A_125, %dma_wait3A_182, %dma_wait3A_183] : memref<5x40x128xf32, #tpu.memory_space<vmem>> -> memref<1x40x128xf32, #tpu.memory_space<vmem>>
        %dma_wait3A_185 = tpu.memref_squeeze %dma_wait3A_184 : memref<1x40x128xf32, #tpu.memory_space<vmem>> -> memref<40x128xf32, #tpu.memory_space<vmem>>
        tpu.wait_dma2 semaphore(%run_scoped3A_161 : memref<!tpu.dma_semaphore, #tpu.memory_space<semaphore_mem>>) src(%dma_wait3A_185 : memref<40x128xf32, #tpu.memory_space<vmem>>) dst(%dma_wait3A_181 : memref<40x128xf32, #tpu.memory_space<hbm>>)
        tpu.yield
      }) : () -> ()
      %dma_wait3A_126 = arith.constant 3 : i32
      %dma_wait3A_127 = arith.constant 0 : i32
      %dma_wait3A_128 = arith.constant 0 : i32
      %dma_wait3A_129 = tpu.memref_slice %arg6[%dma_wait3A_126, %dma_wait3A_127, %dma_wait3A_128] : memref<5x40x128xf32, #tpu.memory_space<vmem>> -> memref<1x40x128xf32, #tpu.memory_space<vmem>>
      %dma_wait3A_130 = tpu.memref_squeeze %dma_wait3A_129 : memref<1x40x128xf32, #tpu.memory_space<vmem>> -> memref<40x128xf32, #tpu.memory_space<vmem>>
      %dma_wait3A_131 = arith.constant 0 : i32
      %dma_wait3A_132 = tpu.memref_slice %arg5[%add3A_52, %dma_wait3A_131] : memref<125x40xi32, #tpu.memory_space<vmem>> -> memref<1x40xi32, #tpu.memory_space<vmem>>
      %dma_wait3A_133 = tpu.memref_squeeze %dma_wait3A_132 : memref<1x40xi32, #tpu.memory_space<vmem>> -> memref<40xi32, #tpu.memory_space<vmem>>
      %dma_wait3A_134 = arith.constant 0 : i32
      %dma_wait3A_135 = arith.constant 0 : i32
      %dma_wait3A_136 = tpu.memref_slice %arg2[%dma_wait3A_134, %dma_wait3A_135] : memref<10000x128xf32, #tpu.memory_space<hbm>> -> memref<10000x128xf32, #tpu.memory_space<hbm>>
      tpu.wait_indirect_dma semaphore(%arg7 : memref<!tpu.dma_semaphore, #tpu.memory_space<semaphore_mem>>) src(%dma_wait3A_136 : memref<10000x128xf32, #tpu.memory_space<hbm>>) dst(%dma_wait3A_130 : memref<40x128xf32, #tpu.memory_space<vmem>>)
      %add3A_137 = arith.constant 3 : i32
      %add3A_138 = arith.addi %mul3A_12, %add3A_137 : i32
      %mul3A_139 = arith.constant 40 : i32
      %mul3A_140 = arith.muli %add3A_138, %mul3A_139 : i32
      %add3A_141 = arith.addi %mul3A_2, %mul3A_140 : i32
      %run_scoped3A_142 = arith.constant 3 : i32
      "tpu.region"() ({
        %run_scoped3A_161 = tpu.sem_alloc : memref<!tpu.dma_semaphore, #tpu.memory_space<semaphore_mem>>
        %dma_start3A_162 = arith.constant 0 : i32
        %dma_start3A_163 = arith.constant 0 : i32
        %dma_start3A_164 = tpu.memref_slice %arg6[%run_scoped3A_142, %dma_start3A_162, %dma_start3A_163] : memref<5x40x128xf32, #tpu.memory_space<vmem>> -> memref<1x40x128xf32, #tpu.memory_space<vmem>>
        %dma_start3A_165 = tpu.memref_squeeze %dma_start3A_164 : memref<1x40x128xf32, #tpu.memory_space<vmem>> -> memref<40x128xf32, #tpu.memory_space<vmem>>
        %dma_start3A_166 = arith.constant 0 : i32
        %dma_start3A_167 = tpu.memref_slice %arg4[%add3A_141, %dma_start3A_166] : memref<160000x128xf32, #tpu.memory_space<hbm>> -> memref<40x128xf32, #tpu.memory_space<hbm>>
        %dma_start3A_168 = arith.constant 0 : i32
        %dma_start3A_169 = tpu.memref_slice %arg4[%add3A_141, %dma_start3A_168] : memref<160000x128xf32, #tpu.memory_space<hbm>> -> memref<40x128xf32, #tpu.memory_space<hbm>>
        %dma_start3A_170 = arith.constant 0 : i32
        %dma_start3A_171 = arith.constant 0 : i32
        %dma_start3A_172 = tpu.memref_slice %arg6[%run_scoped3A_142, %dma_start3A_170, %dma_start3A_171] : memref<5x40x128xf32, #tpu.memory_space<vmem>> -> memref<1x40x128xf32, #tpu.memory_space<vmem>>
        %dma_start3A_173 = tpu.memref_squeeze %dma_start3A_172 : memref<1x40x128xf32, #tpu.memory_space<vmem>> -> memref<40x128xf32, #tpu.memory_space<vmem>>
        tpu.enqueue_dma source(%dma_start3A_173 : memref<40x128xf32, #tpu.memory_space<vmem>>) target(%dma_start3A_169 : memref<40x128xf32, #tpu.memory_space<hbm>>) target_semaphore(%run_scoped3A_161 : memref<!tpu.dma_semaphore, #tpu.memory_space<semaphore_mem>>)
        %dma_wait3A_174 = arith.constant 0 : i32
        %dma_wait3A_175 = arith.constant 0 : i32
        %dma_wait3A_176 = tpu.memref_slice %arg6[%run_scoped3A_142, %dma_wait3A_174, %dma_wait3A_175] : memref<5x40x128xf32, #tpu.memory_space<vmem>> -> memref<1x40x128xf32, #tpu.memory_space<vmem>>
        %dma_wait3A_177 = tpu.memref_squeeze %dma_wait3A_176 : memref<1x40x128xf32, #tpu.memory_space<vmem>> -> memref<40x128xf32, #tpu.memory_space<vmem>>
        %dma_wait3A_178 = arith.constant 0 : i32
        %dma_wait3A_179 = tpu.memref_slice %arg4[%add3A_141, %dma_wait3A_178] : memref<160000x128xf32, #tpu.memory_space<hbm>> -> memref<40x128xf32, #tpu.memory_space<hbm>>
        %dma_wait3A_180 = arith.constant 0 : i32
        %dma_wait3A_181 = tpu.memref_slice %arg4[%add3A_141, %dma_wait3A_180] : memref<160000x128xf32, #tpu.memory_space<hbm>> -> memref<40x128xf32, #tpu.memory_space<hbm>>
        %dma_wait3A_182 = arith.constant 0 : i32
        %dma_wait3A_183 = arith.constant 0 : i32
        %dma_wait3A_184 = tpu.memref_slice %arg6[%run_scoped3A_142, %dma_wait3A_182, %dma_wait3A_183] : memref<5x40x128xf32, #tpu.memory_space<vmem>> -> memref<1x40x128xf32, #tpu.memory_space<vmem>>
        %dma_wait3A_185 = tpu.memref_squeeze %dma_wait3A_184 : memref<1x40x128xf32, #tpu.memory_space<vmem>> -> memref<40x128xf32, #tpu.memory_space<vmem>>
        tpu.wait_dma2 semaphore(%run_scoped3A_161 : memref<!tpu.dma_semaphore, #tpu.memory_space<semaphore_mem>>) src(%dma_wait3A_185 : memref<40x128xf32, #tpu.memory_space<vmem>>) dst(%dma_wait3A_181 : memref<40x128xf32, #tpu.memory_space<hbm>>)
        tpu.yield
      }) : () -> ()
      %dma_wait3A_143 = arith.constant 4 : i32
      %dma_wait3A_144 = arith.constant 0 : i32
      %dma_wait3A_145 = arith.constant 0 : i32
      %dma_wait3A_146 = tpu.memref_slice %arg6[%dma_wait3A_143, %dma_wait3A_144, %dma_wait3A_145] : memref<5x40x128xf32, #tpu.memory_space<vmem>> -> memref<1x40x128xf32, #tpu.memory_space<vmem>>
      %dma_wait3A_147 = tpu.memref_squeeze %dma_wait3A_146 : memref<1x40x128xf32, #tpu.memory_space<vmem>> -> memref<40x128xf32, #tpu.memory_space<vmem>>
      %dma_wait3A_148 = arith.constant 0 : i32
      %dma_wait3A_149 = tpu.memref_slice %arg5[%add3A_65, %dma_wait3A_148] : memref<125x40xi32, #tpu.memory_space<vmem>> -> memref<1x40xi32, #tpu.memory_space<vmem>>
      %dma_wait3A_150 = tpu.memref_squeeze %dma_wait3A_149 : memref<1x40xi32, #tpu.memory_space<vmem>> -> memref<40xi32, #tpu.memory_space<vmem>>
      %dma_wait3A_151 = arith.constant 0 : i32
      %dma_wait3A_152 = arith.constant 0 : i32
      %dma_wait3A_153 = tpu.memref_slice %arg2[%dma_wait3A_151, %dma_wait3A_152] : memref<10000x128xf32, #tpu.memory_space<hbm>> -> memref<10000x128xf32, #tpu.memory_space<hbm>>
      tpu.wait_indirect_dma semaphore(%arg7 : memref<!tpu.dma_semaphore, #tpu.memory_space<semaphore_mem>>) src(%dma_wait3A_153 : memref<10000x128xf32, #tpu.memory_space<hbm>>) dst(%dma_wait3A_147 : memref<40x128xf32, #tpu.memory_space<vmem>>)
      %add3A_154 = arith.constant 4 : i32
      %add3A_155 = arith.addi %mul3A_12, %add3A_154 : i32
      %mul3A_156 = arith.constant 40 : i32
      %mul3A_157 = arith.muli %add3A_155, %mul3A_156 : i32
      %add3A_158 = arith.addi %mul3A_2, %mul3A_157 : i32
      %run_scoped3A_159 = arith.constant 4 : i32
      "tpu.region"() ({
        %run_scoped3A_161 = tpu.sem_alloc : memref<!tpu.dma_semaphore, #tpu.memory_space<semaphore_mem>>
        %dma_start3A_162 = arith.constant 0 : i32
        %dma_start3A_163 = arith.constant 0 : i32
        %dma_start3A_164 = tpu.memref_slice %arg6[%run_scoped3A_159, %dma_start3A_162, %dma_start3A_163] : memref<5x40x128xf32, #tpu.memory_space<vmem>> -> memref<1x40x128xf32, #tpu.memory_space<vmem>>
        %dma_start3A_165 = tpu.memref_squeeze %dma_start3A_164 : memref<1x40x128xf32, #tpu.memory_space<vmem>> -> memref<40x128xf32, #tpu.memory_space<vmem>>
        %dma_start3A_166 = arith.constant 0 : i32
        %dma_start3A_167 = tpu.memref_slice %arg4[%add3A_158, %dma_start3A_166] : memref<160000x128xf32, #tpu.memory_space<hbm>> -> memref<40x128xf32, #tpu.memory_space<hbm>>
        %dma_start3A_168 = arith.constant 0 : i32
        %dma_start3A_169 = tpu.memref_slice %arg4[%add3A_158, %dma_start3A_168] : memref<160000x128xf32, #tpu.memory_space<hbm>> -> memref<40x128xf32, #tpu.memory_space<hbm>>
        %dma_start3A_170 = arith.constant 0 : i32
        %dma_start3A_171 = arith.constant 0 : i32
        %dma_start3A_172 = tpu.memref_slice %arg6[%run_scoped3A_159, %dma_start3A_170, %dma_start3A_171] : memref<5x40x128xf32, #tpu.memory_space<vmem>> -> memref<1x40x128xf32, #tpu.memory_space<vmem>>
        %dma_start3A_173 = tpu.memref_squeeze %dma_start3A_172 : memref<1x40x128xf32, #tpu.memory_space<vmem>> -> memref<40x128xf32, #tpu.memory_space<vmem>>
        tpu.enqueue_dma source(%dma_start3A_173 : memref<40x128xf32, #tpu.memory_space<vmem>>) target(%dma_start3A_169 : memref<40x128xf32, #tpu.memory_space<hbm>>) target_semaphore(%run_scoped3A_161 : memref<!tpu.dma_semaphore, #tpu.memory_space<semaphore_mem>>)
        %dma_wait3A_174 = arith.constant 0 : i32
        %dma_wait3A_175 = arith.constant 0 : i32
        %dma_wait3A_176 = tpu.memref_slice %arg6[%run_scoped3A_159, %dma_wait3A_174, %dma_wait3A_175] : memref<5x40x128xf32, #tpu.memory_space<vmem>> -> memref<1x40x128xf32, #tpu.memory_space<vmem>>
        %dma_wait3A_177 = tpu.memref_squeeze %dma_wait3A_176 : memref<1x40x128xf32, #tpu.memory_space<vmem>> -> memref<40x128xf32, #tpu.memory_space<vmem>>
        %dma_wait3A_178 = arith.constant 0 : i32
        %dma_wait3A_179 = tpu.memref_slice %arg4[%add3A_158, %dma_wait3A_178] : memref<160000x128xf32, #tpu.memory_space<hbm>> -> memref<40x128xf32, #tpu.memory_space<hbm>>
        %dma_wait3A_180 = arith.constant 0 : i32
        %dma_wait3A_181 = tpu.memref_slice %arg4[%add3A_158, %dma_wait3A_180] : memref<160000x128xf32, #tpu.memory_space<hbm>> -> memref<40x128xf32, #tpu.memory_space<hbm>>
        %dma_wait3A_182 = arith.constant 0 : i32
        %dma_wait3A_183 = arith.constant 0 : i32
        %dma_wait3A_184 = tpu.memref_slice %arg6[%run_scoped3A_159, %dma_wait3A_182, %dma_wait3A_183] : memref<5x40x128xf32, #tpu.memory_space<vmem>> -> memref<1x40x128xf32, #tpu.memory_space<vmem>>
        %dma_wait3A_185 = tpu.memref_squeeze %dma_wait3A_184 : memref<1x40x128xf32, #tpu.memory_space<vmem>> -> memref<40x128xf32, #tpu.memory_space<vmem>>
        tpu.wait_dma2 semaphore(%run_scoped3A_161 : memref<!tpu.dma_semaphore, #tpu.memory_space<semaphore_mem>>) src(%dma_wait3A_185 : memref<40x128xf32, #tpu.memory_space<vmem>>) dst(%dma_wait3A_181 : memref<40x128xf32, #tpu.memory_space<hbm>>)
        tpu.yield
      }) : () -> ()
      %scan3A_160 = arith.constant 0 : i32
      scf.yield %scan3A_160 : i32
    }
    %scan3A_8 = arith.constant 25 : i32
    return
  }
}

#map = affine_map<(d0, d1) -> (0, 0, 0)>
#map1 = affine_map<(d0, d1) -> (0, 0)>
module attributes {stable_mosaic.version = 14 : i64} {
  func.func @dk(%arg0: i32, %arg1: i32, %arg2: memref<32x125x80xi32, #tpu.memory_space<hbm>>, %arg3: memref<10000x128xf32, #tpu.memory_space<hbm>>, %arg4: memref<80x128xf32, #tpu.memory_space<hbm>>, %arg5: memref<2x10000x128xf32, #tpu.memory_space<hbm>>, %arg6: memref<125x80xi32, #tpu.memory_space<vmem>>, %arg7: memref<80x128xf32, #tpu.memory_space<vmem>>, %arg8: memref<10000x128xf32, #tpu.memory_space<vmem_shared>>) attributes {dimension_semantics = [#tpu.dimension_semantics<core_parallel>, #tpu.dimension_semantics<subcore_parallel>], iteration_bounds = array<i64: 2, 16>, scalar_prefetch = 0 : i64, scratch_operands = 3 : i64, tpu.core_type = #tpu.core_type<sc_vector_subcore>, window_params = [{transform_indices = #map}, {transform_indices = #map1}, {transform_indices = #map1}, {transform_indices = #map}]} {
    %mul3A = arith.constant 2 : i32
    %mul3A_0 = arith.muli %arg1, %mul3A : i32
    %add3A = arith.addi %mul3A_0, %arg0 : i32
    %lt3A = arith.constant 10 : i32
    %lt3A_1 = arith.cmpi slt, %arg1, %lt3A : i32
    %convert_element_type3A = arith.extui %lt3A_1 : i1 to i32
    %cond3A = arith.constant 0 : i32
    %cond3A_2 = arith.cmpi ne, %convert_element_type3A, %cond3A : i32
    scf.if %cond3A_2 {
      %mul3A_15 = arith.constant 1000 : i32
      %mul3A_16 = arith.muli %arg1, %mul3A_15 : i32
      %mul3A_17 = arith.constant 1000 : i32
      %mul3A_18 = arith.muli %arg1, %mul3A_17 : i32
      "tpu.region"() ({
        %run_scoped3A = tpu.sem_alloc : memref<!tpu.dma_semaphore, #tpu.memory_space<semaphore_mem>>
        %dma_start3A = arith.constant 0 : i32
        %dma_start3A_19 = tpu.memref_slice %arg8[%mul3A_18, %dma_start3A] : memref<10000x128xf32, #tpu.memory_space<vmem_shared>> -> memref<1000x128xf32, #tpu.memory_space<vmem_shared>>
        %dma_start3A_20 = arith.constant 0 : i32
        %dma_start3A_21 = tpu.memref_slice %arg3[%mul3A_16, %dma_start3A_20] : memref<10000x128xf32, #tpu.memory_space<hbm>> -> memref<1000x128xf32, #tpu.memory_space<hbm>>
        tpu.enqueue_dma source(%dma_start3A_21 : memref<1000x128xf32, #tpu.memory_space<hbm>>) target(%dma_start3A_19 : memref<1000x128xf32, #tpu.memory_space<vmem_shared>>) target_semaphore(%run_scoped3A : memref<!tpu.dma_semaphore, #tpu.memory_space<semaphore_mem>>)
        %dma_wait3A = arith.constant 0 : i32
        %dma_wait3A_22 = tpu.memref_slice %arg8[%mul3A_18, %dma_wait3A] : memref<10000x128xf32, #tpu.memory_space<vmem_shared>> -> memref<1000x128xf32, #tpu.memory_space<vmem_shared>>
        %dma_wait3A_23 = arith.constant 0 : i32
        %dma_wait3A_24 = tpu.memref_slice %arg3[%mul3A_16, %dma_wait3A_23] : memref<10000x128xf32, #tpu.memory_space<hbm>> -> memref<1000x128xf32, #tpu.memory_space<hbm>>
        tpu.wait_dma2 semaphore(%run_scoped3A : memref<!tpu.dma_semaphore, #tpu.memory_space<semaphore_mem>>) src(%dma_wait3A_24 : memref<1000x128xf32, #tpu.memory_space<hbm>>) dst(%dma_wait3A_22 : memref<1000x128xf32, #tpu.memory_space<vmem_shared>>)
        tpu.yield
      }) : () -> ()
    } else {
    }
    "tpu.region"() ({
      %run_scoped3A = tpu.sem_alloc : memref<!tpu.dma_semaphore, #tpu.memory_space<semaphore_mem>>
      %dma_start3A = arith.constant 0 : i32
      %dma_start3A_15 = arith.constant 0 : i32
      %dma_start3A_16 = tpu.memref_slice %arg2[%add3A, %dma_start3A, %dma_start3A_15] : memref<32x125x80xi32, #tpu.memory_space<hbm>> -> memref<1x125x80xi32, #tpu.memory_space<hbm>>
      %dma_start3A_17 = tpu.memref_squeeze %dma_start3A_16 : memref<1x125x80xi32, #tpu.memory_space<hbm>> -> memref<125x80xi32, #tpu.memory_space<hbm>>
      %dma_start3A_18 = arith.constant 0 : i32
      %dma_start3A_19 = arith.constant 0 : i32
      %dma_start3A_20 = tpu.memref_slice %arg2[%add3A, %dma_start3A_18, %dma_start3A_19] : memref<32x125x80xi32, #tpu.memory_space<hbm>> -> memref<1x125x80xi32, #tpu.memory_space<hbm>>
      %dma_start3A_21 = tpu.memref_squeeze %dma_start3A_20 : memref<1x125x80xi32, #tpu.memory_space<hbm>> -> memref<125x80xi32, #tpu.memory_space<hbm>>
      tpu.enqueue_dma source(%dma_start3A_21 : memref<125x80xi32, #tpu.memory_space<hbm>>) target(%arg6 : memref<125x80xi32, #tpu.memory_space<vmem>>) target_semaphore(%run_scoped3A : memref<!tpu.dma_semaphore, #tpu.memory_space<semaphore_mem>>)
      %dma_wait3A = arith.constant 0 : i32
      %dma_wait3A_22 = arith.constant 0 : i32
      %dma_wait3A_23 = tpu.memref_slice %arg2[%add3A, %dma_wait3A, %dma_wait3A_22] : memref<32x125x80xi32, #tpu.memory_space<hbm>> -> memref<1x125x80xi32, #tpu.memory_space<hbm>>
      %dma_wait3A_24 = tpu.memref_squeeze %dma_wait3A_23 : memref<1x125x80xi32, #tpu.memory_space<hbm>> -> memref<125x80xi32, #tpu.memory_space<hbm>>
      %dma_wait3A_25 = arith.constant 0 : i32
      %dma_wait3A_26 = arith.constant 0 : i32
      %dma_wait3A_27 = tpu.memref_slice %arg2[%add3A, %dma_wait3A_25, %dma_wait3A_26] : memref<32x125x80xi32, #tpu.memory_space<hbm>> -> memref<1x125x80xi32, #tpu.memory_space<hbm>>
      %dma_wait3A_28 = tpu.memref_squeeze %dma_wait3A_27 : memref<1x125x80xi32, #tpu.memory_space<hbm>> -> memref<125x80xi32, #tpu.memory_space<hbm>>
      tpu.wait_dma2 semaphore(%run_scoped3A : memref<!tpu.dma_semaphore, #tpu.memory_space<semaphore_mem>>) src(%dma_wait3A_28 : memref<125x80xi32, #tpu.memory_space<hbm>>) dst(%arg6 : memref<125x80xi32, #tpu.memory_space<vmem>>)
      tpu.yield
    }) : () -> ()
    "tpu.region"() ({
      %run_scoped3A = tpu.sem_alloc : memref<!tpu.dma_semaphore, #tpu.memory_space<semaphore_mem>>
      tpu.enqueue_dma source(%arg4 : memref<80x128xf32, #tpu.memory_space<hbm>>) target(%arg7 : memref<80x128xf32, #tpu.memory_space<vmem>>) target_semaphore(%run_scoped3A : memref<!tpu.dma_semaphore, #tpu.memory_space<semaphore_mem>>)
      tpu.wait_dma2 semaphore(%run_scoped3A : memref<!tpu.dma_semaphore, #tpu.memory_space<semaphore_mem>>) src(%arg4 : memref<80x128xf32, #tpu.memory_space<hbm>>) dst(%arg7 : memref<80x128xf32, #tpu.memory_space<vmem>>)
      tpu.yield
    }) : () -> ()
    %barrier3A = arith.constant 0 : index
    tpu.barrier barrier_id(%barrier3A)
    %scan3A = arith.constant 0 : i32
    %scan3A_3 = arith.constant 0 : i32
    %scan3A_4 = arith.constant 125 : i32
    %scan3A_5 = arith.addi %scan3A_3, %scan3A_4 : i32
    %scan3A_6 = arith.constant 1 : i32
    %scan3A_7 = scf.for %scan3A_15 = %scan3A_3 to %scan3A_5 step %scan3A_6 iter_args(%scan3A_16 = %scan3A) -> (i32)  : i32 {
      "tpu.region"() ({
        %run_scoped3A = tpu.sem_alloc : memref<!tpu.dma_semaphore, #tpu.memory_space<semaphore_mem>>
        %dma_start3A = arith.constant 0 : i32
        %dma_start3A_18 = tpu.memref_slice %arg6[%scan3A_15, %dma_start3A] : memref<125x80xi32, #tpu.memory_space<vmem>> -> memref<1x80xi32, #tpu.memory_space<vmem>>
        %dma_start3A_19 = tpu.memref_squeeze %dma_start3A_18 : memref<1x80xi32, #tpu.memory_space<vmem>> -> memref<80xi32, #tpu.memory_space<vmem>>
        %dma_start3A_20 = arith.constant 0 : i32
        %dma_start3A_21 = arith.constant 0 : i32
        %dma_start3A_22 = tpu.memref_slice %arg8[%dma_start3A_20, %dma_start3A_21] : memref<10000x128xf32, #tpu.memory_space<vmem_shared>> -> memref<10000x128xf32, #tpu.memory_space<vmem_shared>>
        tpu.enqueue_indirect_dma source(%arg7 : memref<80x128xf32, #tpu.memory_space<vmem>>) target(%dma_start3A_22 : memref<10000x128xf32, #tpu.memory_space<vmem_shared>>) offsets(%dma_start3A_19 : memref<80xi32, #tpu.memory_space<vmem>>) semaphore(%run_scoped3A : memref<!tpu.dma_semaphore, #tpu.memory_space<semaphore_mem>>) {add = true}
        %dma_wait3A = arith.constant 0 : i32
        %dma_wait3A_23 = tpu.memref_slice %arg6[%scan3A_15, %dma_wait3A] : memref<125x80xi32, #tpu.memory_space<vmem>> -> memref<1x80xi32, #tpu.memory_space<vmem>>
        %dma_wait3A_24 = tpu.memref_squeeze %dma_wait3A_23 : memref<1x80xi32, #tpu.memory_space<vmem>> -> memref<80xi32, #tpu.memory_space<vmem>>
        %dma_wait3A_25 = arith.constant 0 : i32
        %dma_wait3A_26 = arith.constant 0 : i32
        %dma_wait3A_27 = tpu.memref_slice %arg8[%dma_wait3A_25, %dma_wait3A_26] : memref<10000x128xf32, #tpu.memory_space<vmem_shared>> -> memref<10000x128xf32, #tpu.memory_space<vmem_shared>>
        tpu.wait_indirect_dma semaphore(%run_scoped3A : memref<!tpu.dma_semaphore, #tpu.memory_space<semaphore_mem>>) src(%arg7 : memref<80x128xf32, #tpu.memory_space<vmem>>) dst(%dma_wait3A_27 : memref<10000x128xf32, #tpu.memory_space<vmem_shared>>)
        tpu.yield
      }) : () -> ()
      %scan3A_17 = arith.constant 0 : i32
      scf.yield %scan3A_17 : i32
    }
    %scan3A_8 = arith.constant 125 : i32
    %barrier3A_9 = arith.constant 0 : index
    tpu.barrier barrier_id(%barrier3A_9)
    %lt3A_10 = arith.constant 10 : i32
    %lt3A_11 = arith.cmpi slt, %arg1, %lt3A_10 : i32
    %convert_element_type3A_12 = arith.extui %lt3A_11 : i1 to i32
    %cond3A_13 = arith.constant 0 : i32
    %cond3A_14 = arith.cmpi ne, %convert_element_type3A_12, %cond3A_13 : i32
    scf.if %cond3A_14 {
      %mul3A_15 = arith.constant 1000 : i32
      %mul3A_16 = arith.muli %arg1, %mul3A_15 : i32
      %mul3A_17 = arith.constant 1000 : i32
      %mul3A_18 = arith.muli %arg1, %mul3A_17 : i32
      "tpu.region"() ({
        %run_scoped3A = tpu.sem_alloc : memref<!tpu.dma_semaphore, #tpu.memory_space<semaphore_mem>>
        %dma_start3A = arith.constant 0 : i32
        %dma_start3A_19 = tpu.memref_slice %arg5[%arg0, %mul3A_18, %dma_start3A] : memref<2x10000x128xf32, #tpu.memory_space<hbm>> -> memref<1x1000x128xf32, #tpu.memory_space<hbm>>
        %dma_start3A_20 = tpu.memref_squeeze %dma_start3A_19 : memref<1x1000x128xf32, #tpu.memory_space<hbm>> -> memref<1000x128xf32, #tpu.memory_space<hbm>>
        %dma_start3A_21 = arith.constant 0 : i32
        %dma_start3A_22 = tpu.memref_slice %arg8[%mul3A_16, %dma_start3A_21] : memref<10000x128xf32, #tpu.memory_space<vmem_shared>> -> memref<1000x128xf32, #tpu.memory_space<vmem_shared>>
        tpu.enqueue_dma source(%dma_start3A_22 : memref<1000x128xf32, #tpu.memory_space<vmem_shared>>) target(%dma_start3A_20 : memref<1000x128xf32, #tpu.memory_space<hbm>>) target_semaphore(%run_scoped3A : memref<!tpu.dma_semaphore, #tpu.memory_space<semaphore_mem>>)
        %dma_wait3A = arith.constant 0 : i32
        %dma_wait3A_23 = tpu.memref_slice %arg5[%arg0, %mul3A_18, %dma_wait3A] : memref<2x10000x128xf32, #tpu.memory_space<hbm>> -> memref<1x1000x128xf32, #tpu.memory_space<hbm>>
        %dma_wait3A_24 = tpu.memref_squeeze %dma_wait3A_23 : memref<1x1000x128xf32, #tpu.memory_space<hbm>> -> memref<1000x128xf32, #tpu.memory_space<hbm>>
        %dma_wait3A_25 = arith.constant 0 : i32
        %dma_wait3A_26 = tpu.memref_slice %arg8[%mul3A_16, %dma_wait3A_25] : memref<10000x128xf32, #tpu.memory_space<vmem_shared>> -> memref<1000x128xf32, #tpu.memory_space<vmem_shared>>
        tpu.wait_dma2 semaphore(%run_scoped3A : memref<!tpu.dma_semaphore, #tpu.memory_space<semaphore_mem>>) src(%dma_wait3A_26 : memref<1000x128xf32, #tpu.memory_space<vmem_shared>>) dst(%dma_wait3A_24 : memref<1000x128xf32, #tpu.memory_space<hbm>>)
        tpu.yield
      }) : () -> ()
    } else {
    }
    return
  }
}

#map = affine_map<(d0, d1) -> (0, 0)>
#map1 = affine_map<(d0, d1) -> (0, 0, 0)>
module attributes {stable_mosaic.version = 14 : i64} {
  func.func @sk(%arg0: i32, %arg1: i32, %arg2: memref<160000x128xf32, #tpu.memory_space<hbm>>, %arg3: memref<32x125x40xi32, #tpu.memory_space<hbm>>, %arg4: memref<10000x128xf32, #tpu.memory_space<hbm>>, %arg5: memref<2x10000x128xf32, #tpu.memory_space<hbm>>, %arg6: memref<125x40xi32, #tpu.memory_space<vmem>>, %arg7: memref<40x128xf32, #tpu.memory_space<vmem>>, %arg8: memref<40x128xf32, #tpu.memory_space<vmem>>, %arg9: memref<10000x128xf32, #tpu.memory_space<vmem_shared>>, %arg10: memref<!tpu.dma_semaphore, #tpu.memory_space<semaphore_mem>>, %arg11: memref<!tpu.dma_semaphore, #tpu.memory_space<semaphore_mem>>) attributes {dimension_semantics = [#tpu.dimension_semantics<core_parallel>, #tpu.dimension_semantics<subcore_parallel>], iteration_bounds = array<i64: 2, 16>, scalar_prefetch = 0 : i64, scratch_operands = 6 : i64, tpu.core_type = #tpu.core_type<sc_vector_subcore>, window_params = [{transform_indices = #map}, {transform_indices = #map1}, {transform_indices = #map}, {transform_indices = #map1}]} {
    %mul3A = arith.constant 2 : i32
    %mul3A_0 = arith.muli %arg1, %mul3A : i32
    %add3A = arith.addi %mul3A_0, %arg0 : i32
    %mul3A_1 = arith.constant 5000 : i32
    %mul3A_2 = arith.muli %add3A, %mul3A_1 : i32
    %lt3A = arith.constant 10 : i32
    %lt3A_3 = arith.cmpi slt, %arg1, %lt3A : i32
    %convert_element_type3A = arith.extui %lt3A_3 : i1 to i32
    %cond3A = arith.constant 0 : i32
    %cond3A_4 = arith.cmpi ne, %convert_element_type3A, %cond3A : i32
    scf.if %cond3A_4 {
      %mul3A_31 = arith.constant 1000 : i32
      %mul3A_32 = arith.muli %arg1, %mul3A_31 : i32
      %mul3A_33 = arith.constant 1000 : i32
      %mul3A_34 = arith.muli %arg1, %mul3A_33 : i32
      "tpu.region"() ({
        %run_scoped3A_35 = tpu.sem_alloc : memref<!tpu.dma_semaphore, #tpu.memory_space<semaphore_mem>>
        %dma_start3A_36 = arith.constant 0 : i32
        %dma_start3A_37 = tpu.memref_slice %arg9[%mul3A_34, %dma_start3A_36] : memref<10000x128xf32, #tpu.memory_space<vmem_shared>> -> memref<1000x128xf32, #tpu.memory_space<vmem_shared>>
        %dma_start3A_38 = arith.constant 0 : i32
        %dma_start3A_39 = tpu.memref_slice %arg4[%mul3A_32, %dma_start3A_38] : memref<10000x128xf32, #tpu.memory_space<hbm>> -> memref<1000x128xf32, #tpu.memory_space<hbm>>
        tpu.enqueue_dma source(%dma_start3A_39 : memref<1000x128xf32, #tpu.memory_space<hbm>>) target(%dma_start3A_37 : memref<1000x128xf32, #tpu.memory_space<vmem_shared>>) target_semaphore(%run_scoped3A_35 : memref<!tpu.dma_semaphore, #tpu.memory_space<semaphore_mem>>)
        %dma_wait3A_40 = arith.constant 0 : i32
        %dma_wait3A_41 = tpu.memref_slice %arg9[%mul3A_34, %dma_wait3A_40] : memref<10000x128xf32, #tpu.memory_space<vmem_shared>> -> memref<1000x128xf32, #tpu.memory_space<vmem_shared>>
        %dma_wait3A_42 = arith.constant 0 : i32
        %dma_wait3A_43 = tpu.memref_slice %arg4[%mul3A_32, %dma_wait3A_42] : memref<10000x128xf32, #tpu.memory_space<hbm>> -> memref<1000x128xf32, #tpu.memory_space<hbm>>
        tpu.wait_dma2 semaphore(%run_scoped3A_35 : memref<!tpu.dma_semaphore, #tpu.memory_space<semaphore_mem>>) src(%dma_wait3A_43 : memref<1000x128xf32, #tpu.memory_space<hbm>>) dst(%dma_wait3A_41 : memref<1000x128xf32, #tpu.memory_space<vmem_shared>>)
        tpu.yield
      }) : () -> ()
    } else {
    }
    "tpu.region"() ({
      %run_scoped3A_31 = tpu.sem_alloc : memref<!tpu.dma_semaphore, #tpu.memory_space<semaphore_mem>>
      %dma_start3A_32 = arith.constant 0 : i32
      %dma_start3A_33 = arith.constant 0 : i32
      %dma_start3A_34 = tpu.memref_slice %arg3[%add3A, %dma_start3A_32, %dma_start3A_33] : memref<32x125x40xi32, #tpu.memory_space<hbm>> -> memref<1x125x40xi32, #tpu.memory_space<hbm>>
      %dma_start3A_35 = tpu.memref_squeeze %dma_start3A_34 : memref<1x125x40xi32, #tpu.memory_space<hbm>> -> memref<125x40xi32, #tpu.memory_space<hbm>>
      %dma_start3A_36 = arith.constant 0 : i32
      %dma_start3A_37 = arith.constant 0 : i32
      %dma_start3A_38 = tpu.memref_slice %arg3[%add3A, %dma_start3A_36, %dma_start3A_37] : memref<32x125x40xi32, #tpu.memory_space<hbm>> -> memref<1x125x40xi32, #tpu.memory_space<hbm>>
      %dma_start3A_39 = tpu.memref_squeeze %dma_start3A_38 : memref<1x125x40xi32, #tpu.memory_space<hbm>> -> memref<125x40xi32, #tpu.memory_space<hbm>>
      tpu.enqueue_dma source(%dma_start3A_39 : memref<125x40xi32, #tpu.memory_space<hbm>>) target(%arg6 : memref<125x40xi32, #tpu.memory_space<vmem>>) target_semaphore(%run_scoped3A_31 : memref<!tpu.dma_semaphore, #tpu.memory_space<semaphore_mem>>)
      %dma_wait3A_40 = arith.constant 0 : i32
      %dma_wait3A_41 = arith.constant 0 : i32
      %dma_wait3A_42 = tpu.memref_slice %arg3[%add3A, %dma_wait3A_40, %dma_wait3A_41] : memref<32x125x40xi32, #tpu.memory_space<hbm>> -> memref<1x125x40xi32, #tpu.memory_space<hbm>>
      %dma_wait3A_43 = tpu.memref_squeeze %dma_wait3A_42 : memref<1x125x40xi32, #tpu.memory_space<hbm>> -> memref<125x40xi32, #tpu.memory_space<hbm>>
      %dma_wait3A_44 = arith.constant 0 : i32
      %dma_wait3A_45 = arith.constant 0 : i32
      %dma_wait3A_46 = tpu.memref_slice %arg3[%add3A, %dma_wait3A_44, %dma_wait3A_45] : memref<32x125x40xi32, #tpu.memory_space<hbm>> -> memref<1x125x40xi32, #tpu.memory_space<hbm>>
      %dma_wait3A_47 = tpu.memref_squeeze %dma_wait3A_46 : memref<1x125x40xi32, #tpu.memory_space<hbm>> -> memref<125x40xi32, #tpu.memory_space<hbm>>
      tpu.wait_dma2 semaphore(%run_scoped3A_31 : memref<!tpu.dma_semaphore, #tpu.memory_space<semaphore_mem>>) src(%dma_wait3A_47 : memref<125x40xi32, #tpu.memory_space<hbm>>) dst(%arg6 : memref<125x40xi32, #tpu.memory_space<vmem>>)
      tpu.yield
    }) : () -> ()
    %barrier3A = arith.constant 0 : index
    tpu.barrier barrier_id(%barrier3A)
    %dma_start3A = arith.constant 0 : i32
    %dma_start3A_5 = tpu.memref_slice %arg2[%mul3A_2, %dma_start3A] : memref<160000x128xf32, #tpu.memory_space<hbm>> -> memref<40x128xf32, #tpu.memory_space<hbm>>
    %dma_start3A_6 = arith.constant 0 : i32
    %dma_start3A_7 = tpu.memref_slice %arg2[%mul3A_2, %dma_start3A_6] : memref<160000x128xf32, #tpu.memory_space<hbm>> -> memref<40x128xf32, #tpu.memory_space<hbm>>
    tpu.enqueue_dma source(%dma_start3A_7 : memref<40x128xf32, #tpu.memory_space<hbm>>) target(%arg7 : memref<40x128xf32, #tpu.memory_space<vmem>>) target_semaphore(%arg10 : memref<!tpu.dma_semaphore, #tpu.memory_space<semaphore_mem>>)
    %add3A_8 = arith.constant 40 : i32
    %add3A_9 = arith.addi %mul3A_2, %add3A_8 : i32
    %dma_start3A_10 = arith.constant 0 : i32
    %dma_start3A_11 = tpu.memref_slice %arg2[%add3A_9, %dma_start3A_10] : memref<160000x128xf32, #tpu.memory_space<hbm>> -> memref<40x128xf32, #tpu.memory_space<hbm>>
    %dma_start3A_12 = arith.constant 0 : i32
    %dma_start3A_13 = tpu.memref_slice %arg2[%add3A_9, %dma_start3A_12] : memref<160000x128xf32, #tpu.memory_space<hbm>> -> memref<40x128xf32, #tpu.memory_space<hbm>>
    tpu.enqueue_dma source(%dma_start3A_13 : memref<40x128xf32, #tpu.memory_space<hbm>>) target(%arg8 : memref<40x128xf32, #tpu.memory_space<vmem>>) target_semaphore(%arg11 : memref<!tpu.dma_semaphore, #tpu.memory_space<semaphore_mem>>)
    %scan3A = arith.constant 0 : i32
    %scan3A_14 = arith.constant 0 : i32
    %scan3A_15 = arith.constant 62 : i32
    %scan3A_16 = arith.addi %scan3A_14, %scan3A_15 : i32
    %scan3A_17 = arith.constant 1 : i32
    %scan3A_18 = scf.for %scan3A_31 = %scan3A_14 to %scan3A_16 step %scan3A_17 iter_args(%scan3A_32 = %scan3A) -> (i32)  : i32 {
      %mul3A_33 = arith.constant 2 : i32
      %mul3A_34 = arith.muli %mul3A_33, %scan3A_31 : i32
      %mul3A_35 = arith.constant 40 : i32
      %mul3A_36 = arith.muli %mul3A_34, %mul3A_35 : i32
      %add3A_37 = arith.addi %mul3A_2, %mul3A_36 : i32
      %dma_wait3A_38 = arith.constant 0 : i32
      %dma_wait3A_39 = tpu.memref_slice %arg2[%add3A_37, %dma_wait3A_38] : memref<160000x128xf32, #tpu.memory_space<hbm>> -> memref<40x128xf32, #tpu.memory_space<hbm>>
      %dma_wait3A_40 = arith.constant 0 : i32
      %dma_wait3A_41 = tpu.memref_slice %arg2[%add3A_37, %dma_wait3A_40] : memref<160000x128xf32, #tpu.memory_space<hbm>> -> memref<40x128xf32, #tpu.memory_space<hbm>>
      tpu.wait_dma2 semaphore(%arg10 : memref<!tpu.dma_semaphore, #tpu.memory_space<semaphore_mem>>) src(%dma_wait3A_41 : memref<40x128xf32, #tpu.memory_space<hbm>>) dst(%arg7 : memref<40x128xf32, #tpu.memory_space<vmem>>)
      "tpu.region"() ({
        %run_scoped3A_68 = tpu.sem_alloc : memref<!tpu.dma_semaphore, #tpu.memory_space<semaphore_mem>>
        %dma_start3A_69 = arith.constant 0 : i32
        %dma_start3A_70 = tpu.memref_slice %arg6[%mul3A_34, %dma_start3A_69] : memref<125x40xi32, #tpu.memory_space<vmem>> -> memref<1x40xi32, #tpu.memory_space<vmem>>
        %dma_start3A_71 = tpu.memref_squeeze %dma_start3A_70 : memref<1x40xi32, #tpu.memory_space<vmem>> -> memref<40xi32, #tpu.memory_space<vmem>>
        %dma_start3A_72 = arith.constant 0 : i32
        %dma_start3A_73 = arith.constant 0 : i32
        %dma_start3A_74 = tpu.memref_slice %arg9[%dma_start3A_72, %dma_start3A_73] : memref<10000x128xf32, #tpu.memory_space<vmem_shared>> -> memref<10000x128xf32, #tpu.memory_space<vmem_shared>>
        tpu.enqueue_indirect_dma source(%arg7 : memref<40x128xf32, #tpu.memory_space<vmem>>) target(%dma_start3A_74 : memref<10000x128xf32, #tpu.memory_space<vmem_shared>>) offsets(%dma_start3A_71 : memref<40xi32, #tpu.memory_space<vmem>>) semaphore(%run_scoped3A_68 : memref<!tpu.dma_semaphore, #tpu.memory_space<semaphore_mem>>) {add = true}
        %dma_wait3A_75 = arith.constant 0 : i32
        %dma_wait3A_76 = tpu.memref_slice %arg6[%mul3A_34, %dma_wait3A_75] : memref<125x40xi32, #tpu.memory_space<vmem>> -> memref<1x40xi32, #tpu.memory_space<vmem>>
        %dma_wait3A_77 = tpu.memref_squeeze %dma_wait3A_76 : memref<1x40xi32, #tpu.memory_space<vmem>> -> memref<40xi32, #tpu.memory_space<vmem>>
        %dma_wait3A_78 = arith.constant 0 : i32
        %dma_wait3A_79 = arith.constant 0 : i32
        %dma_wait3A_80 = tpu.memref_slice %arg9[%dma_wait3A_78, %dma_wait3A_79] : memref<10000x128xf32, #tpu.memory_space<vmem_shared>> -> memref<10000x128xf32, #tpu.memory_space<vmem_shared>>
        tpu.wait_indirect_dma semaphore(%run_scoped3A_68 : memref<!tpu.dma_semaphore, #tpu.memory_space<semaphore_mem>>) src(%arg7 : memref<40x128xf32, #tpu.memory_space<vmem>>) dst(%dma_wait3A_80 : memref<10000x128xf32, #tpu.memory_space<vmem_shared>>)
        tpu.yield
      }) : () -> ()
      %add3A_42 = arith.constant 2 : i32
      %add3A_43 = arith.addi %mul3A_34, %add3A_42 : i32
      %lt3A_44 = arith.constant 125 : i32
      %lt3A_45 = arith.cmpi slt, %add3A_43, %lt3A_44 : i32
      %convert_element_type3A_46 = arith.extui %lt3A_45 : i1 to i32
      %cond3A_47 = arith.constant 0 : i32
      %cond3A_48 = arith.cmpi ne, %convert_element_type3A_46, %cond3A_47 : i32
      scf.if %cond3A_48 {
        %add3A_68 = arith.constant 2 : i32
        %add3A_69 = arith.addi %mul3A_34, %add3A_68 : i32
        %mul3A_70 = arith.constant 40 : i32
        %mul3A_71 = arith.muli %add3A_69, %mul3A_70 : i32
        %add3A_72 = arith.addi %mul3A_2, %mul3A_71 : i32
        %dma_start3A_73 = arith.constant 0 : i32
        %dma_start3A_74 = tpu.memref_slice %arg2[%add3A_72, %dma_start3A_73] : memref<160000x128xf32, #tpu.memory_space<hbm>> -> memref<40x128xf32, #tpu.memory_space<hbm>>
        %dma_start3A_75 = arith.constant 0 : i32
        %dma_start3A_76 = tpu.memref_slice %arg2[%add3A_72, %dma_start3A_75] : memref<160000x128xf32, #tpu.memory_space<hbm>> -> memref<40x128xf32, #tpu.memory_space<hbm>>
        tpu.enqueue_dma source(%dma_start3A_76 : memref<40x128xf32, #tpu.memory_space<hbm>>) target(%arg7 : memref<40x128xf32, #tpu.memory_space<vmem>>) target_semaphore(%arg10 : memref<!tpu.dma_semaphore, #tpu.memory_space<semaphore_mem>>)
      } else {
      }
      %add3A_49 = arith.constant 1 : i32
      %add3A_50 = arith.addi %mul3A_34, %add3A_49 : i32
      %mul3A_51 = arith.constant 40 : i32
      %mul3A_52 = arith.muli %add3A_50, %mul3A_51 : i32
      %add3A_53 = arith.addi %mul3A_2, %mul3A_52 : i32
      %dma_wait3A_54 = arith.constant 0 : i32
      %dma_wait3A_55 = tpu.memref_slice %arg2[%add3A_53, %dma_wait3A_54] : memref<160000x128xf32, #tpu.memory_space<hbm>> -> memref<40x128xf32, #tpu.memory_space<hbm>>
      %dma_wait3A_56 = arith.constant 0 : i32
      %dma_wait3A_57 = tpu.memref_slice %arg2[%add3A_53, %dma_wait3A_56] : memref<160000x128xf32, #tpu.memory_space<hbm>> -> memref<40x128xf32, #tpu.memory_space<hbm>>
      tpu.wait_dma2 semaphore(%arg11 : memref<!tpu.dma_semaphore, #tpu.memory_space<semaphore_mem>>) src(%dma_wait3A_57 : memref<40x128xf32, #tpu.memory_space<hbm>>) dst(%arg8 : memref<40x128xf32, #tpu.memory_space<vmem>>)
      %add3A_58 = arith.constant 1 : i32
      %add3A_59 = arith.addi %mul3A_34, %add3A_58 : i32
      "tpu.region"() ({
        %run_scoped3A_68 = tpu.sem_alloc : memref<!tpu.dma_semaphore, #tpu.memory_space<semaphore_mem>>
        %dma_start3A_69 = arith.constant 0 : i32
        %dma_start3A_70 = tpu.memref_slice %arg6[%add3A_59, %dma_start3A_69] : memref<125x40xi32, #tpu.memory_space<vmem>> -> memref<1x40xi32, #tpu.memory_space<vmem>>
        %dma_start3A_71 = tpu.memref_squeeze %dma_start3A_70 : memref<1x40xi32, #tpu.memory_space<vmem>> -> memref<40xi32, #tpu.memory_space<vmem>>
        %dma_start3A_72 = arith.constant 0 : i32
        %dma_start3A_73 = arith.constant 0 : i32
        %dma_start3A_74 = tpu.memref_slice %arg9[%dma_start3A_72, %dma_start3A_73] : memref<10000x128xf32, #tpu.memory_space<vmem_shared>> -> memref<10000x128xf32, #tpu.memory_space<vmem_shared>>
        tpu.enqueue_indirect_dma source(%arg8 : memref<40x128xf32, #tpu.memory_space<vmem>>) target(%dma_start3A_74 : memref<10000x128xf32, #tpu.memory_space<vmem_shared>>) offsets(%dma_start3A_71 : memref<40xi32, #tpu.memory_space<vmem>>) semaphore(%run_scoped3A_68 : memref<!tpu.dma_semaphore, #tpu.memory_space<semaphore_mem>>) {add = true}
        %dma_wait3A_75 = arith.constant 0 : i32
        %dma_wait3A_76 = tpu.memref_slice %arg6[%add3A_59, %dma_wait3A_75] : memref<125x40xi32, #tpu.memory_space<vmem>> -> memref<1x40xi32, #tpu.memory_space<vmem>>
        %dma_wait3A_77 = tpu.memref_squeeze %dma_wait3A_76 : memref<1x40xi32, #tpu.memory_space<vmem>> -> memref<40xi32, #tpu.memory_space<vmem>>
        %dma_wait3A_78 = arith.constant 0 : i32
        %dma_wait3A_79 = arith.constant 0 : i32
        %dma_wait3A_80 = tpu.memref_slice %arg9[%dma_wait3A_78, %dma_wait3A_79] : memref<10000x128xf32, #tpu.memory_space<vmem_shared>> -> memref<10000x128xf32, #tpu.memory_space<vmem_shared>>
        tpu.wait_indirect_dma semaphore(%run_scoped3A_68 : memref<!tpu.dma_semaphore, #tpu.memory_space<semaphore_mem>>) src(%arg8 : memref<40x128xf32, #tpu.memory_space<vmem>>) dst(%dma_wait3A_80 : memref<10000x128xf32, #tpu.memory_space<vmem_shared>>)
        tpu.yield
      }) : () -> ()
      %add3A_60 = arith.constant 3 : i32
      %add3A_61 = arith.addi %mul3A_34, %add3A_60 : i32
      %lt3A_62 = arith.constant 125 : i32
      %lt3A_63 = arith.cmpi slt, %add3A_61, %lt3A_62 : i32
      %convert_element_type3A_64 = arith.extui %lt3A_63 : i1 to i32
      %cond3A_65 = arith.constant 0 : i32
      %cond3A_66 = arith.cmpi ne, %convert_element_type3A_64, %cond3A_65 : i32
      scf.if %cond3A_66 {
        %add3A_68 = arith.constant 3 : i32
        %add3A_69 = arith.addi %mul3A_34, %add3A_68 : i32
        %mul3A_70 = arith.constant 40 : i32
        %mul3A_71 = arith.muli %add3A_69, %mul3A_70 : i32
        %add3A_72 = arith.addi %mul3A_2, %mul3A_71 : i32
        %dma_start3A_73 = arith.constant 0 : i32
        %dma_start3A_74 = tpu.memref_slice %arg2[%add3A_72, %dma_start3A_73] : memref<160000x128xf32, #tpu.memory_space<hbm>> -> memref<40x128xf32, #tpu.memory_space<hbm>>
        %dma_start3A_75 = arith.constant 0 : i32
        %dma_start3A_76 = tpu.memref_slice %arg2[%add3A_72, %dma_start3A_75] : memref<160000x128xf32, #tpu.memory_space<hbm>> -> memref<40x128xf32, #tpu.memory_space<hbm>>
        tpu.enqueue_dma source(%dma_start3A_76 : memref<40x128xf32, #tpu.memory_space<hbm>>) target(%arg8 : memref<40x128xf32, #tpu.memory_space<vmem>>) target_semaphore(%arg11 : memref<!tpu.dma_semaphore, #tpu.memory_space<semaphore_mem>>)
      } else {
      }
      %scan3A_67 = arith.constant 0 : i32
      scf.yield %scan3A_67 : i32
    }
    %scan3A_19 = arith.constant 62 : i32
    %add3A_20 = arith.constant 4960 : i32
    %add3A_21 = arith.addi %mul3A_2, %add3A_20 : i32
    %dma_wait3A = arith.constant 0 : i32
    %dma_wait3A_22 = tpu.memref_slice %arg2[%add3A_21, %dma_wait3A] : memref<160000x128xf32, #tpu.memory_space<hbm>> -> memref<40x128xf32, #tpu.memory_space<hbm>>
    %dma_wait3A_23 = arith.constant 0 : i32
    %dma_wait3A_24 = tpu.memref_slice %arg2[%add3A_21, %dma_wait3A_23] : memref<160000x128xf32, #tpu.memory_space<hbm>> -> memref<40x128xf32, #tpu.memory_space<hbm>>
    tpu.wait_dma2 semaphore(%arg10 : memref<!tpu.dma_semaphore, #tpu.memory_space<semaphore_mem>>) src(%dma_wait3A_24 : memref<40x128xf32, #tpu.memory_space<hbm>>) dst(%arg7 : memref<40x128xf32, #tpu.memory_space<vmem>>)
    %run_scoped3A = arith.constant 124 : i32
    "tpu.region"() ({
      %run_scoped3A_31 = tpu.sem_alloc : memref<!tpu.dma_semaphore, #tpu.memory_space<semaphore_mem>>
      %dma_start3A_32 = arith.constant 0 : i32
      %dma_start3A_33 = tpu.memref_slice %arg6[%run_scoped3A, %dma_start3A_32] : memref<125x40xi32, #tpu.memory_space<vmem>> -> memref<1x40xi32, #tpu.memory_space<vmem>>
      %dma_start3A_34 = tpu.memref_squeeze %dma_start3A_33 : memref<1x40xi32, #tpu.memory_space<vmem>> -> memref<40xi32, #tpu.memory_space<vmem>>
      %dma_start3A_35 = arith.constant 0 : i32
      %dma_start3A_36 = arith.constant 0 : i32
      %dma_start3A_37 = tpu.memref_slice %arg9[%dma_start3A_35, %dma_start3A_36] : memref<10000x128xf32, #tpu.memory_space<vmem_shared>> -> memref<10000x128xf32, #tpu.memory_space<vmem_shared>>
      tpu.enqueue_indirect_dma source(%arg7 : memref<40x128xf32, #tpu.memory_space<vmem>>) target(%dma_start3A_37 : memref<10000x128xf32, #tpu.memory_space<vmem_shared>>) offsets(%dma_start3A_34 : memref<40xi32, #tpu.memory_space<vmem>>) semaphore(%run_scoped3A_31 : memref<!tpu.dma_semaphore, #tpu.memory_space<semaphore_mem>>) {add = true}
      %dma_wait3A_38 = arith.constant 0 : i32
      %dma_wait3A_39 = tpu.memref_slice %arg6[%run_scoped3A, %dma_wait3A_38] : memref<125x40xi32, #tpu.memory_space<vmem>> -> memref<1x40xi32, #tpu.memory_space<vmem>>
      %dma_wait3A_40 = tpu.memref_squeeze %dma_wait3A_39 : memref<1x40xi32, #tpu.memory_space<vmem>> -> memref<40xi32, #tpu.memory_space<vmem>>
      %dma_wait3A_41 = arith.constant 0 : i32
      %dma_wait3A_42 = arith.constant 0 : i32
      %dma_wait3A_43 = tpu.memref_slice %arg9[%dma_wait3A_41, %dma_wait3A_42] : memref<10000x128xf32, #tpu.memory_space<vmem_shared>> -> memref<10000x128xf32, #tpu.memory_space<vmem_shared>>
      tpu.wait_indirect_dma semaphore(%run_scoped3A_31 : memref<!tpu.dma_semaphore, #tpu.memory_space<semaphore_mem>>) src(%arg7 : memref<40x128xf32, #tpu.memory_space<vmem>>) dst(%dma_wait3A_43 : memref<10000x128xf32, #tpu.memory_space<vmem_shared>>)
      tpu.yield
    }) : () -> ()
    %barrier3A_25 = arith.constant 0 : index
    tpu.barrier barrier_id(%barrier3A_25)
    %lt3A_26 = arith.constant 10 : i32
    %lt3A_27 = arith.cmpi slt, %arg1, %lt3A_26 : i32
    %convert_element_type3A_28 = arith.extui %lt3A_27 : i1 to i32
    %cond3A_29 = arith.constant 0 : i32
    %cond3A_30 = arith.cmpi ne, %convert_element_type3A_28, %cond3A_29 : i32
    scf.if %cond3A_30 {
      %mul3A_31 = arith.constant 1000 : i32
      %mul3A_32 = arith.muli %arg1, %mul3A_31 : i32
      %mul3A_33 = arith.constant 1000 : i32
      %mul3A_34 = arith.muli %arg1, %mul3A_33 : i32
      "tpu.region"() ({
        %run_scoped3A_35 = tpu.sem_alloc : memref<!tpu.dma_semaphore, #tpu.memory_space<semaphore_mem>>
        %dma_start3A_36 = arith.constant 0 : i32
        %dma_start3A_37 = tpu.memref_slice %arg5[%arg0, %mul3A_34, %dma_start3A_36] : memref<2x10000x128xf32, #tpu.memory_space<hbm>> -> memref<1x1000x128xf32, #tpu.memory_space<hbm>>
        %dma_start3A_38 = tpu.memref_squeeze %dma_start3A_37 : memref<1x1000x128xf32, #tpu.memory_space<hbm>> -> memref<1000x128xf32, #tpu.memory_space<hbm>>
        %dma_start3A_39 = arith.constant 0 : i32
        %dma_start3A_40 = tpu.memref_slice %arg9[%mul3A_32, %dma_start3A_39] : memref<10000x128xf32, #tpu.memory_space<vmem_shared>> -> memref<1000x128xf32, #tpu.memory_space<vmem_shared>>
        tpu.enqueue_dma source(%dma_start3A_40 : memref<1000x128xf32, #tpu.memory_space<vmem_shared>>) target(%dma_start3A_38 : memref<1000x128xf32, #tpu.memory_space<hbm>>) target_semaphore(%run_scoped3A_35 : memref<!tpu.dma_semaphore, #tpu.memory_space<semaphore_mem>>)
        %dma_wait3A_41 = arith.constant 0 : i32
        %dma_wait3A_42 = tpu.memref_slice %arg5[%arg0, %mul3A_34, %dma_wait3A_41] : memref<2x10000x128xf32, #tpu.memory_space<hbm>> -> memref<1x1000x128xf32, #tpu.memory_space<hbm>>
        %dma_wait3A_43 = tpu.memref_squeeze %dma_wait3A_42 : memref<1x1000x128xf32, #tpu.memory_space<hbm>> -> memref<1000x128xf32, #tpu.memory_space<hbm>>
        %dma_wait3A_44 = arith.constant 0 : i32
        %dma_wait3A_45 = tpu.memref_slice %arg9[%mul3A_32, %dma_wait3A_44] : memref<10000x128xf32, #tpu.memory_space<vmem_shared>> -> memref<1000x128xf32, #tpu.memory_space<vmem_shared>>
        tpu.wait_dma2 semaphore(%run_scoped3A_35 : memref<!tpu.dma_semaphore, #tpu.memory_space<semaphore_mem>>) src(%dma_wait3A_45 : memref<1000x128xf32, #tpu.memory_space<vmem_shared>>) dst(%dma_wait3A_43 : memref<1000x128xf32, #tpu.memory_space<hbm>>)
        tpu.yield
      }) : () -> ()
    } else {
    }
    return
  }
}

#map = affine_map<(d0, d1) -> (0, 0)>
#map1 = affine_map<(d0, d1) -> (0, 0, 0)>
module attributes {stable_mosaic.version = 14 : i64} {
  func.func @gk(%arg0: i32, %arg1: i32, %arg2: memref<10000x128xf32, #tpu.memory_space<hbm>>, %arg3: memref<32x125x40xi32, #tpu.memory_space<hbm>>, %arg4: memref<160000x128xf32, #tpu.memory_space<hbm>>, %arg5: memref<125x40xi32, #tpu.memory_space<vmem>>, %arg6: memref<5x40x128xf32, #tpu.memory_space<vmem>>, %arg7: memref<!tpu.dma_semaphore, #tpu.memory_space<semaphore_mem>>) attributes {dimension_semantics = [#tpu.dimension_semantics<core_parallel>, #tpu.dimension_semantics<subcore_parallel>], iteration_bounds = array<i64: 2, 16>, scalar_prefetch = 0 : i64, scratch_operands = 3 : i64, tpu.core_type = #tpu.core_type<sc_vector_subcore>, window_params = [{transform_indices = #map}, {transform_indices = #map1}, {transform_indices = #map}]} {
    %mul3A = arith.constant 2 : i32
    %mul3A_0 = arith.muli %arg1, %mul3A : i32
    %add3A = arith.addi %mul3A_0, %arg0 : i32
    %mul3A_1 = arith.constant 5000 : i32
    %mul3A_2 = arith.muli %add3A, %mul3A_1 : i32
    "tpu.region"() ({
      %run_scoped3A = tpu.sem_alloc : memref<!tpu.dma_semaphore, #tpu.memory_space<semaphore_mem>>
      %dma_start3A = arith.constant 0 : i32
      %dma_start3A_9 = arith.constant 0 : i32
      %dma_start3A_10 = tpu.memref_slice %arg3[%add3A, %dma_start3A, %dma_start3A_9] : memref<32x125x40xi32, #tpu.memory_space<hbm>> -> memref<1x125x40xi32, #tpu.memory_space<hbm>>
      %dma_start3A_11 = tpu.memref_squeeze %dma_start3A_10 : memref<1x125x40xi32, #tpu.memory_space<hbm>> -> memref<125x40xi32, #tpu.memory_space<hbm>>
      %dma_start3A_12 = arith.constant 0 : i32
      %dma_start3A_13 = arith.constant 0 : i32
      %dma_start3A_14 = tpu.memref_slice %arg3[%add3A, %dma_start3A_12, %dma_start3A_13] : memref<32x125x40xi32, #tpu.memory_space<hbm>> -> memref<1x125x40xi32, #tpu.memory_space<hbm>>
      %dma_start3A_15 = tpu.memref_squeeze %dma_start3A_14 : memref<1x125x40xi32, #tpu.memory_space<hbm>> -> memref<125x40xi32, #tpu.memory_space<hbm>>
      tpu.enqueue_dma source(%dma_start3A_15 : memref<125x40xi32, #tpu.memory_space<hbm>>) target(%arg5 : memref<125x40xi32, #tpu.memory_space<vmem>>) target_semaphore(%run_scoped3A : memref<!tpu.dma_semaphore, #tpu.memory_space<semaphore_mem>>)
      %dma_wait3A = arith.constant 0 : i32
      %dma_wait3A_16 = arith.constant 0 : i32
      %dma_wait3A_17 = tpu.memref_slice %arg3[%add3A, %dma_wait3A, %dma_wait3A_16] : memref<32x125x40xi32, #tpu.memory_space<hbm>> -> memref<1x125x40xi32, #tpu.memory_space<hbm>>
      %dma_wait3A_18 = tpu.memref_squeeze %dma_wait3A_17 : memref<1x125x40xi32, #tpu.memory_space<hbm>> -> memref<125x40xi32, #tpu.memory_space<hbm>>
      %dma_wait3A_19 = arith.constant 0 : i32
      %dma_wait3A_20 = arith.constant 0 : i32
      %dma_wait3A_21 = tpu.memref_slice %arg3[%add3A, %dma_wait3A_19, %dma_wait3A_20] : memref<32x125x40xi32, #tpu.memory_space<hbm>> -> memref<1x125x40xi32, #tpu.memory_space<hbm>>
      %dma_wait3A_22 = tpu.memref_squeeze %dma_wait3A_21 : memref<1x125x40xi32, #tpu.memory_space<hbm>> -> memref<125x40xi32, #tpu.memory_space<hbm>>
      tpu.wait_dma2 semaphore(%run_scoped3A : memref<!tpu.dma_semaphore, #tpu.memory_space<semaphore_mem>>) src(%dma_wait3A_22 : memref<125x40xi32, #tpu.memory_space<hbm>>) dst(%arg5 : memref<125x40xi32, #tpu.memory_space<vmem>>)
      tpu.yield
    }) : () -> ()
    %scan3A = arith.constant 0 : i32
    %scan3A_3 = arith.constant 0 : i32
    %scan3A_4 = arith.constant 25 : i32
    %scan3A_5 = arith.addi %scan3A_3, %scan3A_4 : i32
    %scan3A_6 = arith.constant 1 : i32
    %scan3A_7 = scf.for %scan3A_9 = %scan3A_3 to %scan3A_5 step %scan3A_6 iter_args(%scan3A_10 = %scan3A) -> (i32)  : i32 {
      %mul3A_11 = arith.constant 5 : i32
      %mul3A_12 = arith.muli %scan3A_9, %mul3A_11 : i32
      %add3A_13 = arith.constant 0 : i32
      %add3A_14 = arith.addi %mul3A_12, %add3A_13 : i32
      %dma_start3A = arith.constant 0 : i32
      %dma_start3A_15 = arith.constant 0 : i32
      %dma_start3A_16 = arith.constant 0 : i32
      %dma_start3A_17 = tpu.memref_slice %arg6[%dma_start3A, %dma_start3A_15, %dma_start3A_16] : memref<5x40x128xf32, #tpu.memory_space<vmem>> -> memref<1x40x128xf32, #tpu.memory_space<vmem>>
      %dma_start3A_18 = tpu.memref_squeeze %dma_start3A_17 : memref<1x40x128xf32, #tpu.memory_space<vmem>> -> memref<40x128xf32, #tpu.memory_space<vmem>>
      %dma_start3A_19 = arith.constant 0 : i32
      %dma_start3A_20 = tpu.memref_slice %arg5[%add3A_14, %dma_start3A_19] : memref<125x40xi32, #tpu.memory_space<vmem>> -> memref<1x40xi32, #tpu.memory_space<vmem>>
      %dma_start3A_21 = tpu.memref_squeeze %dma_start3A_20 : memref<1x40xi32, #tpu.memory_space<vmem>> -> memref<40xi32, #tpu.memory_space<vmem>>
      %dma_start3A_22 = arith.constant 0 : i32
      %dma_start3A_23 = arith.constant 0 : i32
      %dma_start3A_24 = tpu.memref_slice %arg2[%dma_start3A_22, %dma_start3A_23] : memref<10000x128xf32, #tpu.memory_space<hbm>> -> memref<10000x128xf32, #tpu.memory_space<hbm>>
      tpu.enqueue_indirect_dma source(%dma_start3A_24 : memref<10000x128xf32, #tpu.memory_space<hbm>>) target(%dma_start3A_18 : memref<40x128xf32, #tpu.memory_space<vmem>>) offsets(%dma_start3A_21 : memref<40xi32, #tpu.memory_space<vmem>>) semaphore(%arg7 : memref<!tpu.dma_semaphore, #tpu.memory_space<semaphore_mem>>)
      %add3A_25 = arith.constant 1 : i32
      %add3A_26 = arith.addi %mul3A_12, %add3A_25 : i32
      %dma_start3A_27 = arith.constant 1 : i32
      %dma_start3A_28 = arith.constant 0 : i32
      %dma_start3A_29 = arith.constant 0 : i32
      %dma_start3A_30 = tpu.memref_slice %arg6[%dma_start3A_27, %dma_start3A_28, %dma_start3A_29] : memref<5x40x128xf32, #tpu.memory_space<vmem>> -> memref<1x40x128xf32, #tpu.memory_space<vmem>>
      %dma_start3A_31 = tpu.memref_squeeze %dma_start3A_30 : memref<1x40x128xf32, #tpu.memory_space<vmem>> -> memref<40x128xf32, #tpu.memory_space<vmem>>
      %dma_start3A_32 = arith.constant 0 : i32
      %dma_start3A_33 = tpu.memref_slice %arg5[%add3A_26, %dma_start3A_32] : memref<125x40xi32, #tpu.memory_space<vmem>> -> memref<1x40xi32, #tpu.memory_space<vmem>>
      %dma_start3A_34 = tpu.memref_squeeze %dma_start3A_33 : memref<1x40xi32, #tpu.memory_space<vmem>> -> memref<40xi32, #tpu.memory_space<vmem>>
      %dma_start3A_35 = arith.constant 0 : i32
      %dma_start3A_36 = arith.constant 0 : i32
      %dma_start3A_37 = tpu.memref_slice %arg2[%dma_start3A_35, %dma_start3A_36] : memref<10000x128xf32, #tpu.memory_space<hbm>> -> memref<10000x128xf32, #tpu.memory_space<hbm>>
      tpu.enqueue_indirect_dma source(%dma_start3A_37 : memref<10000x128xf32, #tpu.memory_space<hbm>>) target(%dma_start3A_31 : memref<40x128xf32, #tpu.memory_space<vmem>>) offsets(%dma_start3A_34 : memref<40xi32, #tpu.memory_space<vmem>>) semaphore(%arg7 : memref<!tpu.dma_semaphore, #tpu.memory_space<semaphore_mem>>)
      %add3A_38 = arith.constant 2 : i32
      %add3A_39 = arith.addi %mul3A_12, %add3A_38 : i32
      %dma_start3A_40 = arith.constant 2 : i32
      %dma_start3A_41 = arith.constant 0 : i32
      %dma_start3A_42 = arith.constant 0 : i32
      %dma_start3A_43 = tpu.memref_slice %arg6[%dma_start3A_40, %dma_start3A_41, %dma_start3A_42] : memref<5x40x128xf32, #tpu.memory_space<vmem>> -> memref<1x40x128xf32, #tpu.memory_space<vmem>>
      %dma_start3A_44 = tpu.memref_squeeze %dma_start3A_43 : memref<1x40x128xf32, #tpu.memory_space<vmem>> -> memref<40x128xf32, #tpu.memory_space<vmem>>
      %dma_start3A_45 = arith.constant 0 : i32
      %dma_start3A_46 = tpu.memref_slice %arg5[%add3A_39, %dma_start3A_45] : memref<125x40xi32, #tpu.memory_space<vmem>> -> memref<1x40xi32, #tpu.memory_space<vmem>>
      %dma_start3A_47 = tpu.memref_squeeze %dma_start3A_46 : memref<1x40xi32, #tpu.memory_space<vmem>> -> memref<40xi32, #tpu.memory_space<vmem>>
      %dma_start3A_48 = arith.constant 0 : i32
      %dma_start3A_49 = arith.constant 0 : i32
      %dma_start3A_50 = tpu.memref_slice %arg2[%dma_start3A_48, %dma_start3A_49] : memref<10000x128xf32, #tpu.memory_space<hbm>> -> memref<10000x128xf32, #tpu.memory_space<hbm>>
      tpu.enqueue_indirect_dma source(%dma_start3A_50 : memref<10000x128xf32, #tpu.memory_space<hbm>>) target(%dma_start3A_44 : memref<40x128xf32, #tpu.memory_space<vmem>>) offsets(%dma_start3A_47 : memref<40xi32, #tpu.memory_space<vmem>>) semaphore(%arg7 : memref<!tpu.dma_semaphore, #tpu.memory_space<semaphore_mem>>)
      %add3A_51 = arith.constant 3 : i32
      %add3A_52 = arith.addi %mul3A_12, %add3A_51 : i32
      %dma_start3A_53 = arith.constant 3 : i32
      %dma_start3A_54 = arith.constant 0 : i32
      %dma_start3A_55 = arith.constant 0 : i32
      %dma_start3A_56 = tpu.memref_slice %arg6[%dma_start3A_53, %dma_start3A_54, %dma_start3A_55] : memref<5x40x128xf32, #tpu.memory_space<vmem>> -> memref<1x40x128xf32, #tpu.memory_space<vmem>>
      %dma_start3A_57 = tpu.memref_squeeze %dma_start3A_56 : memref<1x40x128xf32, #tpu.memory_space<vmem>> -> memref<40x128xf32, #tpu.memory_space<vmem>>
      %dma_start3A_58 = arith.constant 0 : i32
      %dma_start3A_59 = tpu.memref_slice %arg5[%add3A_52, %dma_start3A_58] : memref<125x40xi32, #tpu.memory_space<vmem>> -> memref<1x40xi32, #tpu.memory_space<vmem>>
      %dma_start3A_60 = tpu.memref_squeeze %dma_start3A_59 : memref<1x40xi32, #tpu.memory_space<vmem>> -> memref<40xi32, #tpu.memory_space<vmem>>
      %dma_start3A_61 = arith.constant 0 : i32
      %dma_start3A_62 = arith.constant 0 : i32
      %dma_start3A_63 = tpu.memref_slice %arg2[%dma_start3A_61, %dma_start3A_62] : memref<10000x128xf32, #tpu.memory_space<hbm>> -> memref<10000x128xf32, #tpu.memory_space<hbm>>
      tpu.enqueue_indirect_dma source(%dma_start3A_63 : memref<10000x128xf32, #tpu.memory_space<hbm>>) target(%dma_start3A_57 : memref<40x128xf32, #tpu.memory_space<vmem>>) offsets(%dma_start3A_60 : memref<40xi32, #tpu.memory_space<vmem>>) semaphore(%arg7 : memref<!tpu.dma_semaphore, #tpu.memory_space<semaphore_mem>>)
      %add3A_64 = arith.constant 4 : i32
      %add3A_65 = arith.addi %mul3A_12, %add3A_64 : i32
      %dma_start3A_66 = arith.constant 4 : i32
      %dma_start3A_67 = arith.constant 0 : i32
      %dma_start3A_68 = arith.constant 0 : i32
      %dma_start3A_69 = tpu.memref_slice %arg6[%dma_start3A_66, %dma_start3A_67, %dma_start3A_68] : memref<5x40x128xf32, #tpu.memory_space<vmem>> -> memref<1x40x128xf32, #tpu.memory_space<vmem>>
      %dma_start3A_70 = tpu.memref_squeeze %dma_start3A_69 : memref<1x40x128xf32, #tpu.memory_space<vmem>> -> memref<40x128xf32, #tpu.memory_space<vmem>>
      %dma_start3A_71 = arith.constant 0 : i32
      %dma_start3A_72 = tpu.memref_slice %arg5[%add3A_65, %dma_start3A_71] : memref<125x40xi32, #tpu.memory_space<vmem>> -> memref<1x40xi32, #tpu.memory_space<vmem>>
      %dma_start3A_73 = tpu.memref_squeeze %dma_start3A_72 : memref<1x40xi32, #tpu.memory_space<vmem>> -> memref<40xi32, #tpu.memory_space<vmem>>
      %dma_start3A_74 = arith.constant 0 : i32
      %dma_start3A_75 = arith.constant 0 : i32
      %dma_start3A_76 = tpu.memref_slice %arg2[%dma_start3A_74, %dma_start3A_75] : memref<10000x128xf32, #tpu.memory_space<hbm>> -> memref<10000x128xf32, #tpu.memory_space<hbm>>
      tpu.enqueue_indirect_dma source(%dma_start3A_76 : memref<10000x128xf32, #tpu.memory_space<hbm>>) target(%dma_start3A_70 : memref<40x128xf32, #tpu.memory_space<vmem>>) offsets(%dma_start3A_73 : memref<40xi32, #tpu.memory_space<vmem>>) semaphore(%arg7 : memref<!tpu.dma_semaphore, #tpu.memory_space<semaphore_mem>>)
      %dma_wait3A = arith.constant 0 : i32
      %dma_wait3A_77 = arith.constant 0 : i32
      %dma_wait3A_78 = arith.constant 0 : i32
      %dma_wait3A_79 = tpu.memref_slice %arg6[%dma_wait3A, %dma_wait3A_77, %dma_wait3A_78] : memref<5x40x128xf32, #tpu.memory_space<vmem>> -> memref<1x40x128xf32, #tpu.memory_space<vmem>>
      %dma_wait3A_80 = tpu.memref_squeeze %dma_wait3A_79 : memref<1x40x128xf32, #tpu.memory_space<vmem>> -> memref<40x128xf32, #tpu.memory_space<vmem>>
      %dma_wait3A_81 = arith.constant 0 : i32
      %dma_wait3A_82 = tpu.memref_slice %arg5[%add3A_14, %dma_wait3A_81] : memref<125x40xi32, #tpu.memory_space<vmem>> -> memref<1x40xi32, #tpu.memory_space<vmem>>
      %dma_wait3A_83 = tpu.memref_squeeze %dma_wait3A_82 : memref<1x40xi32, #tpu.memory_space<vmem>> -> memref<40xi32, #tpu.memory_space<vmem>>
      %dma_wait3A_84 = arith.constant 0 : i32
      %dma_wait3A_85 = arith.constant 0 : i32
      %dma_wait3A_86 = tpu.memref_slice %arg2[%dma_wait3A_84, %dma_wait3A_85] : memref<10000x128xf32, #tpu.memory_space<hbm>> -> memref<10000x128xf32, #tpu.memory_space<hbm>>
      tpu.wait_indirect_dma semaphore(%arg7 : memref<!tpu.dma_semaphore, #tpu.memory_space<semaphore_mem>>) src(%dma_wait3A_86 : memref<10000x128xf32, #tpu.memory_space<hbm>>) dst(%dma_wait3A_80 : memref<40x128xf32, #tpu.memory_space<vmem>>)
      %add3A_87 = arith.constant 0 : i32
      %add3A_88 = arith.addi %mul3A_12, %add3A_87 : i32
      %mul3A_89 = arith.constant 40 : i32
      %mul3A_90 = arith.muli %add3A_88, %mul3A_89 : i32
      %add3A_91 = arith.addi %mul3A_2, %mul3A_90 : i32
      %run_scoped3A = arith.constant 0 : i32
      "tpu.region"() ({
        %run_scoped3A_161 = tpu.sem_alloc : memref<!tpu.dma_semaphore, #tpu.memory_space<semaphore_mem>>
        %dma_start3A_162 = arith.constant 0 : i32
        %dma_start3A_163 = arith.constant 0 : i32
        %dma_start3A_164 = tpu.memref_slice %arg6[%run_scoped3A, %dma_start3A_162, %dma_start3A_163] : memref<5x40x128xf32, #tpu.memory_space<vmem>> -> memref<1x40x128xf32, #tpu.memory_space<vmem>>
        %dma_start3A_165 = tpu.memref_squeeze %dma_start3A_164 : memref<1x40x128xf32, #tpu.memory_space<vmem>> -> memref<40x128xf32, #tpu.memory_space<vmem>>
        %dma_start3A_166 = arith.constant 0 : i32
        %dma_start3A_167 = tpu.memref_slice %arg4[%add3A_91, %dma_start3A_166] : memref<160000x128xf32, #tpu.memory_space<hbm>> -> memref<40x128xf32, #tpu.memory_space<hbm>>
        %dma_start3A_168 = arith.constant 0 : i32
        %dma_start3A_169 = tpu.memref_slice %arg4[%add3A_91, %dma_start3A_168] : memref<160000x128xf32, #tpu.memory_space<hbm>> -> memref<40x128xf32, #tpu.memory_space<hbm>>
        %dma_start3A_170 = arith.constant 0 : i32
        %dma_start3A_171 = arith.constant 0 : i32
        %dma_start3A_172 = tpu.memref_slice %arg6[%run_scoped3A, %dma_start3A_170, %dma_start3A_171] : memref<5x40x128xf32, #tpu.memory_space<vmem>> -> memref<1x40x128xf32, #tpu.memory_space<vmem>>
        %dma_start3A_173 = tpu.memref_squeeze %dma_start3A_172 : memref<1x40x128xf32, #tpu.memory_space<vmem>> -> memref<40x128xf32, #tpu.memory_space<vmem>>
        tpu.enqueue_dma source(%dma_start3A_173 : memref<40x128xf32, #tpu.memory_space<vmem>>) target(%dma_start3A_169 : memref<40x128xf32, #tpu.memory_space<hbm>>) target_semaphore(%run_scoped3A_161 : memref<!tpu.dma_semaphore, #tpu.memory_space<semaphore_mem>>)
        %dma_wait3A_174 = arith.constant 0 : i32
        %dma_wait3A_175 = arith.constant 0 : i32
        %dma_wait3A_176 = tpu.memref_slice %arg6[%run_scoped3A, %dma_wait3A_174, %dma_wait3A_175] : memref<5x40x128xf32, #tpu.memory_space<vmem>> -> memref<1x40x128xf32, #tpu.memory_space<vmem>>
        %dma_wait3A_177 = tpu.memref_squeeze %dma_wait3A_176 : memref<1x40x128xf32, #tpu.memory_space<vmem>> -> memref<40x128xf32, #tpu.memory_space<vmem>>
        %dma_wait3A_178 = arith.constant 0 : i32
        %dma_wait3A_179 = tpu.memref_slice %arg4[%add3A_91, %dma_wait3A_178] : memref<160000x128xf32, #tpu.memory_space<hbm>> -> memref<40x128xf32, #tpu.memory_space<hbm>>
        %dma_wait3A_180 = arith.constant 0 : i32
        %dma_wait3A_181 = tpu.memref_slice %arg4[%add3A_91, %dma_wait3A_180] : memref<160000x128xf32, #tpu.memory_space<hbm>> -> memref<40x128xf32, #tpu.memory_space<hbm>>
        %dma_wait3A_182 = arith.constant 0 : i32
        %dma_wait3A_183 = arith.constant 0 : i32
        %dma_wait3A_184 = tpu.memref_slice %arg6[%run_scoped3A, %dma_wait3A_182, %dma_wait3A_183] : memref<5x40x128xf32, #tpu.memory_space<vmem>> -> memref<1x40x128xf32, #tpu.memory_space<vmem>>
        %dma_wait3A_185 = tpu.memref_squeeze %dma_wait3A_184 : memref<1x40x128xf32, #tpu.memory_space<vmem>> -> memref<40x128xf32, #tpu.memory_space<vmem>>
        tpu.wait_dma2 semaphore(%run_scoped3A_161 : memref<!tpu.dma_semaphore, #tpu.memory_space<semaphore_mem>>) src(%dma_wait3A_185 : memref<40x128xf32, #tpu.memory_space<vmem>>) dst(%dma_wait3A_181 : memref<40x128xf32, #tpu.memory_space<hbm>>)
        tpu.yield
      }) : () -> ()
      %dma_wait3A_92 = arith.constant 1 : i32
      %dma_wait3A_93 = arith.constant 0 : i32
      %dma_wait3A_94 = arith.constant 0 : i32
      %dma_wait3A_95 = tpu.memref_slice %arg6[%dma_wait3A_92, %dma_wait3A_93, %dma_wait3A_94] : memref<5x40x128xf32, #tpu.memory_space<vmem>> -> memref<1x40x128xf32, #tpu.memory_space<vmem>>
      %dma_wait3A_96 = tpu.memref_squeeze %dma_wait3A_95 : memref<1x40x128xf32, #tpu.memory_space<vmem>> -> memref<40x128xf32, #tpu.memory_space<vmem>>
      %dma_wait3A_97 = arith.constant 0 : i32
      %dma_wait3A_98 = tpu.memref_slice %arg5[%add3A_26, %dma_wait3A_97] : memref<125x40xi32, #tpu.memory_space<vmem>> -> memref<1x40xi32, #tpu.memory_space<vmem>>
      %dma_wait3A_99 = tpu.memref_squeeze %dma_wait3A_98 : memref<1x40xi32, #tpu.memory_space<vmem>> -> memref<40xi32, #tpu.memory_space<vmem>>
      %dma_wait3A_100 = arith.constant 0 : i32
      %dma_wait3A_101 = arith.constant 0 : i32
      %dma_wait3A_102 = tpu.memref_slice %arg2[%dma_wait3A_100, %dma_wait3A_101] : memref<10000x128xf32, #tpu.memory_space<hbm>> -> memref<10000x128xf32, #tpu.memory_space<hbm>>
      tpu.wait_indirect_dma semaphore(%arg7 : memref<!tpu.dma_semaphore, #tpu.memory_space<semaphore_mem>>) src(%dma_wait3A_102 : memref<10000x128xf32, #tpu.memory_space<hbm>>) dst(%dma_wait3A_96 : memref<40x128xf32, #tpu.memory_space<vmem>>)
      %add3A_103 = arith.constant 1 : i32
      %add3A_104 = arith.addi %mul3A_12, %add3A_103 : i32
      %mul3A_105 = arith.constant 40 : i32
      %mul3A_106 = arith.muli %add3A_104, %mul3A_105 : i32
      %add3A_107 = arith.addi %mul3A_2, %mul3A_106 : i32
      %run_scoped3A_108 = arith.constant 1 : i32
      "tpu.region"() ({
        %run_scoped3A_161 = tpu.sem_alloc : memref<!tpu.dma_semaphore, #tpu.memory_space<semaphore_mem>>
        %dma_start3A_162 = arith.constant 0 : i32
        %dma_start3A_163 = arith.constant 0 : i32
        %dma_start3A_164 = tpu.memref_slice %arg6[%run_scoped3A_108, %dma_start3A_162, %dma_start3A_163] : memref<5x40x128xf32, #tpu.memory_space<vmem>> -> memref<1x40x128xf32, #tpu.memory_space<vmem>>
        %dma_start3A_165 = tpu.memref_squeeze %dma_start3A_164 : memref<1x40x128xf32, #tpu.memory_space<vmem>> -> memref<40x128xf32, #tpu.memory_space<vmem>>
        %dma_start3A_166 = arith.constant 0 : i32
        %dma_start3A_167 = tpu.memref_slice %arg4[%add3A_107, %dma_start3A_166] : memref<160000x128xf32, #tpu.memory_space<hbm>> -> memref<40x128xf32, #tpu.memory_space<hbm>>
        %dma_start3A_168 = arith.constant 0 : i32
        %dma_start3A_169 = tpu.memref_slice %arg4[%add3A_107, %dma_start3A_168] : memref<160000x128xf32, #tpu.memory_space<hbm>> -> memref<40x128xf32, #tpu.memory_space<hbm>>
        %dma_start3A_170 = arith.constant 0 : i32
        %dma_start3A_171 = arith.constant 0 : i32
        %dma_start3A_172 = tpu.memref_slice %arg6[%run_scoped3A_108, %dma_start3A_170, %dma_start3A_171] : memref<5x40x128xf32, #tpu.memory_space<vmem>> -> memref<1x40x128xf32, #tpu.memory_space<vmem>>
        %dma_start3A_173 = tpu.memref_squeeze %dma_start3A_172 : memref<1x40x128xf32, #tpu.memory_space<vmem>> -> memref<40x128xf32, #tpu.memory_space<vmem>>
        tpu.enqueue_dma source(%dma_start3A_173 : memref<40x128xf32, #tpu.memory_space<vmem>>) target(%dma_start3A_169 : memref<40x128xf32, #tpu.memory_space<hbm>>) target_semaphore(%run_scoped3A_161 : memref<!tpu.dma_semaphore, #tpu.memory_space<semaphore_mem>>)
        %dma_wait3A_174 = arith.constant 0 : i32
        %dma_wait3A_175 = arith.constant 0 : i32
        %dma_wait3A_176 = tpu.memref_slice %arg6[%run_scoped3A_108, %dma_wait3A_174, %dma_wait3A_175] : memref<5x40x128xf32, #tpu.memory_space<vmem>> -> memref<1x40x128xf32, #tpu.memory_space<vmem>>
        %dma_wait3A_177 = tpu.memref_squeeze %dma_wait3A_176 : memref<1x40x128xf32, #tpu.memory_space<vmem>> -> memref<40x128xf32, #tpu.memory_space<vmem>>
        %dma_wait3A_178 = arith.constant 0 : i32
        %dma_wait3A_179 = tpu.memref_slice %arg4[%add3A_107, %dma_wait3A_178] : memref<160000x128xf32, #tpu.memory_space<hbm>> -> memref<40x128xf32, #tpu.memory_space<hbm>>
        %dma_wait3A_180 = arith.constant 0 : i32
        %dma_wait3A_181 = tpu.memref_slice %arg4[%add3A_107, %dma_wait3A_180] : memref<160000x128xf32, #tpu.memory_space<hbm>> -> memref<40x128xf32, #tpu.memory_space<hbm>>
        %dma_wait3A_182 = arith.constant 0 : i32
        %dma_wait3A_183 = arith.constant 0 : i32
        %dma_wait3A_184 = tpu.memref_slice %arg6[%run_scoped3A_108, %dma_wait3A_182, %dma_wait3A_183] : memref<5x40x128xf32, #tpu.memory_space<vmem>> -> memref<1x40x128xf32, #tpu.memory_space<vmem>>
        %dma_wait3A_185 = tpu.memref_squeeze %dma_wait3A_184 : memref<1x40x128xf32, #tpu.memory_space<vmem>> -> memref<40x128xf32, #tpu.memory_space<vmem>>
        tpu.wait_dma2 semaphore(%run_scoped3A_161 : memref<!tpu.dma_semaphore, #tpu.memory_space<semaphore_mem>>) src(%dma_wait3A_185 : memref<40x128xf32, #tpu.memory_space<vmem>>) dst(%dma_wait3A_181 : memref<40x128xf32, #tpu.memory_space<hbm>>)
        tpu.yield
      }) : () -> ()
      %dma_wait3A_109 = arith.constant 2 : i32
      %dma_wait3A_110 = arith.constant 0 : i32
      %dma_wait3A_111 = arith.constant 0 : i32
      %dma_wait3A_112 = tpu.memref_slice %arg6[%dma_wait3A_109, %dma_wait3A_110, %dma_wait3A_111] : memref<5x40x128xf32, #tpu.memory_space<vmem>> -> memref<1x40x128xf32, #tpu.memory_space<vmem>>
      %dma_wait3A_113 = tpu.memref_squeeze %dma_wait3A_112 : memref<1x40x128xf32, #tpu.memory_space<vmem>> -> memref<40x128xf32, #tpu.memory_space<vmem>>
      %dma_wait3A_114 = arith.constant 0 : i32
      %dma_wait3A_115 = tpu.memref_slice %arg5[%add3A_39, %dma_wait3A_114] : memref<125x40xi32, #tpu.memory_space<vmem>> -> memref<1x40xi32, #tpu.memory_space<vmem>>
      %dma_wait3A_116 = tpu.memref_squeeze %dma_wait3A_115 : memref<1x40xi32, #tpu.memory_space<vmem>> -> memref<40xi32, #tpu.memory_space<vmem>>
      %dma_wait3A_117 = arith.constant 0 : i32
      %dma_wait3A_118 = arith.constant 0 : i32
      %dma_wait3A_119 = tpu.memref_slice %arg2[%dma_wait3A_117, %dma_wait3A_118] : memref<10000x128xf32, #tpu.memory_space<hbm>> -> memref<10000x128xf32, #tpu.memory_space<hbm>>
      tpu.wait_indirect_dma semaphore(%arg7 : memref<!tpu.dma_semaphore, #tpu.memory_space<semaphore_mem>>) src(%dma_wait3A_119 : memref<10000x128xf32, #tpu.memory_space<hbm>>) dst(%dma_wait3A_113 : memref<40x128xf32, #tpu.memory_space<vmem>>)
      %add3A_120 = arith.constant 2 : i32
      %add3A_121 = arith.addi %mul3A_12, %add3A_120 : i32
      %mul3A_122 = arith.constant 40 : i32
      %mul3A_123 = arith.muli %add3A_121, %mul3A_122 : i32
      %add3A_124 = arith.addi %mul3A_2, %mul3A_123 : i32
      %run_scoped3A_125 = arith.constant 2 : i32
      "tpu.region"() ({
        %run_scoped3A_161 = tpu.sem_alloc : memref<!tpu.dma_semaphore, #tpu.memory_space<semaphore_mem>>
        %dma_start3A_162 = arith.constant 0 : i32
        %dma_start3A_163 = arith.constant 0 : i32
        %dma_start3A_164 = tpu.memref_slice %arg6[%run_scoped3A_125, %dma_start3A_162, %dma_start3A_163] : memref<5x40x128xf32, #tpu.memory_space<vmem>> -> memref<1x40x128xf32, #tpu.memory_space<vmem>>
        %dma_start3A_165 = tpu.memref_squeeze %dma_start3A_164 : memref<1x40x128xf32, #tpu.memory_space<vmem>> -> memref<40x128xf32, #tpu.memory_space<vmem>>
        %dma_start3A_166 = arith.constant 0 : i32
        %dma_start3A_167 = tpu.memref_slice %arg4[%add3A_124, %dma_start3A_166] : memref<160000x128xf32, #tpu.memory_space<hbm>> -> memref<40x128xf32, #tpu.memory_space<hbm>>
        %dma_start3A_168 = arith.constant 0 : i32
        %dma_start3A_169 = tpu.memref_slice %arg4[%add3A_124, %dma_start3A_168] : memref<160000x128xf32, #tpu.memory_space<hbm>> -> memref<40x128xf32, #tpu.memory_space<hbm>>
        %dma_start3A_170 = arith.constant 0 : i32
        %dma_start3A_171 = arith.constant 0 : i32
        %dma_start3A_172 = tpu.memref_slice %arg6[%run_scoped3A_125, %dma_start3A_170, %dma_start3A_171] : memref<5x40x128xf32, #tpu.memory_space<vmem>> -> memref<1x40x128xf32, #tpu.memory_space<vmem>>
        %dma_start3A_173 = tpu.memref_squeeze %dma_start3A_172 : memref<1x40x128xf32, #tpu.memory_space<vmem>> -> memref<40x128xf32, #tpu.memory_space<vmem>>
        tpu.enqueue_dma source(%dma_start3A_173 : memref<40x128xf32, #tpu.memory_space<vmem>>) target(%dma_start3A_169 : memref<40x128xf32, #tpu.memory_space<hbm>>) target_semaphore(%run_scoped3A_161 : memref<!tpu.dma_semaphore, #tpu.memory_space<semaphore_mem>>)
        %dma_wait3A_174 = arith.constant 0 : i32
        %dma_wait3A_175 = arith.constant 0 : i32
        %dma_wait3A_176 = tpu.memref_slice %arg6[%run_scoped3A_125, %dma_wait3A_174, %dma_wait3A_175] : memref<5x40x128xf32, #tpu.memory_space<vmem>> -> memref<1x40x128xf32, #tpu.memory_space<vmem>>
        %dma_wait3A_177 = tpu.memref_squeeze %dma_wait3A_176 : memref<1x40x128xf32, #tpu.memory_space<vmem>> -> memref<40x128xf32, #tpu.memory_space<vmem>>
        %dma_wait3A_178 = arith.constant 0 : i32
        %dma_wait3A_179 = tpu.memref_slice %arg4[%add3A_124, %dma_wait3A_178] : memref<160000x128xf32, #tpu.memory_space<hbm>> -> memref<40x128xf32, #tpu.memory_space<hbm>>
        %dma_wait3A_180 = arith.constant 0 : i32
        %dma_wait3A_181 = tpu.memref_slice %arg4[%add3A_124, %dma_wait3A_180] : memref<160000x128xf32, #tpu.memory_space<hbm>> -> memref<40x128xf32, #tpu.memory_space<hbm>>
        %dma_wait3A_182 = arith.constant 0 : i32
        %dma_wait3A_183 = arith.constant 0 : i32
        %dma_wait3A_184 = tpu.memref_slice %arg6[%run_scoped3A_125, %dma_wait3A_182, %dma_wait3A_183] : memref<5x40x128xf32, #tpu.memory_space<vmem>> -> memref<1x40x128xf32, #tpu.memory_space<vmem>>
        %dma_wait3A_185 = tpu.memref_squeeze %dma_wait3A_184 : memref<1x40x128xf32, #tpu.memory_space<vmem>> -> memref<40x128xf32, #tpu.memory_space<vmem>>
        tpu.wait_dma2 semaphore(%run_scoped3A_161 : memref<!tpu.dma_semaphore, #tpu.memory_space<semaphore_mem>>) src(%dma_wait3A_185 : memref<40x128xf32, #tpu.memory_space<vmem>>) dst(%dma_wait3A_181 : memref<40x128xf32, #tpu.memory_space<hbm>>)
        tpu.yield
      }) : () -> ()
      %dma_wait3A_126 = arith.constant 3 : i32
      %dma_wait3A_127 = arith.constant 0 : i32
      %dma_wait3A_128 = arith.constant 0 : i32
      %dma_wait3A_129 = tpu.memref_slice %arg6[%dma_wait3A_126, %dma_wait3A_127, %dma_wait3A_128] : memref<5x40x128xf32, #tpu.memory_space<vmem>> -> memref<1x40x128xf32, #tpu.memory_space<vmem>>
      %dma_wait3A_130 = tpu.memref_squeeze %dma_wait3A_129 : memref<1x40x128xf32, #tpu.memory_space<vmem>> -> memref<40x128xf32, #tpu.memory_space<vmem>>
      %dma_wait3A_131 = arith.constant 0 : i32
      %dma_wait3A_132 = tpu.memref_slice %arg5[%add3A_52, %dma_wait3A_131] : memref<125x40xi32, #tpu.memory_space<vmem>> -> memref<1x40xi32, #tpu.memory_space<vmem>>
      %dma_wait3A_133 = tpu.memref_squeeze %dma_wait3A_132 : memref<1x40xi32, #tpu.memory_space<vmem>> -> memref<40xi32, #tpu.memory_space<vmem>>
      %dma_wait3A_134 = arith.constant 0 : i32
      %dma_wait3A_135 = arith.constant 0 : i32
      %dma_wait3A_136 = tpu.memref_slice %arg2[%dma_wait3A_134, %dma_wait3A_135] : memref<10000x128xf32, #tpu.memory_space<hbm>> -> memref<10000x128xf32, #tpu.memory_space<hbm>>
      tpu.wait_indirect_dma semaphore(%arg7 : memref<!tpu.dma_semaphore, #tpu.memory_space<semaphore_mem>>) src(%dma_wait3A_136 : memref<10000x128xf32, #tpu.memory_space<hbm>>) dst(%dma_wait3A_130 : memref<40x128xf32, #tpu.memory_space<vmem>>)
      %add3A_137 = arith.constant 3 : i32
      %add3A_138 = arith.addi %mul3A_12, %add3A_137 : i32
      %mul3A_139 = arith.constant 40 : i32
      %mul3A_140 = arith.muli %add3A_138, %mul3A_139 : i32
      %add3A_141 = arith.addi %mul3A_2, %mul3A_140 : i32
      %run_scoped3A_142 = arith.constant 3 : i32
      "tpu.region"() ({
        %run_scoped3A_161 = tpu.sem_alloc : memref<!tpu.dma_semaphore, #tpu.memory_space<semaphore_mem>>
        %dma_start3A_162 = arith.constant 0 : i32
        %dma_start3A_163 = arith.constant 0 : i32
        %dma_start3A_164 = tpu.memref_slice %arg6[%run_scoped3A_142, %dma_start3A_162, %dma_start3A_163] : memref<5x40x128xf32, #tpu.memory_space<vmem>> -> memref<1x40x128xf32, #tpu.memory_space<vmem>>
        %dma_start3A_165 = tpu.memref_squeeze %dma_start3A_164 : memref<1x40x128xf32, #tpu.memory_space<vmem>> -> memref<40x128xf32, #tpu.memory_space<vmem>>
        %dma_start3A_166 = arith.constant 0 : i32
        %dma_start3A_167 = tpu.memref_slice %arg4[%add3A_141, %dma_start3A_166] : memref<160000x128xf32, #tpu.memory_space<hbm>> -> memref<40x128xf32, #tpu.memory_space<hbm>>
        %dma_start3A_168 = arith.constant 0 : i32
        %dma_start3A_169 = tpu.memref_slice %arg4[%add3A_141, %dma_start3A_168] : memref<160000x128xf32, #tpu.memory_space<hbm>> -> memref<40x128xf32, #tpu.memory_space<hbm>>
        %dma_start3A_170 = arith.constant 0 : i32
        %dma_start3A_171 = arith.constant 0 : i32
        %dma_start3A_172 = tpu.memref_slice %arg6[%run_scoped3A_142, %dma_start3A_170, %dma_start3A_171] : memref<5x40x128xf32, #tpu.memory_space<vmem>> -> memref<1x40x128xf32, #tpu.memory_space<vmem>>
        %dma_start3A_173 = tpu.memref_squeeze %dma_start3A_172 : memref<1x40x128xf32, #tpu.memory_space<vmem>> -> memref<40x128xf32, #tpu.memory_space<vmem>>
        tpu.enqueue_dma source(%dma_start3A_173 : memref<40x128xf32, #tpu.memory_space<vmem>>) target(%dma_start3A_169 : memref<40x128xf32, #tpu.memory_space<hbm>>) target_semaphore(%run_scoped3A_161 : memref<!tpu.dma_semaphore, #tpu.memory_space<semaphore_mem>>)
        %dma_wait3A_174 = arith.constant 0 : i32
        %dma_wait3A_175 = arith.constant 0 : i32
        %dma_wait3A_176 = tpu.memref_slice %arg6[%run_scoped3A_142, %dma_wait3A_174, %dma_wait3A_175] : memref<5x40x128xf32, #tpu.memory_space<vmem>> -> memref<1x40x128xf32, #tpu.memory_space<vmem>>
        %dma_wait3A_177 = tpu.memref_squeeze %dma_wait3A_176 : memref<1x40x128xf32, #tpu.memory_space<vmem>> -> memref<40x128xf32, #tpu.memory_space<vmem>>
        %dma_wait3A_178 = arith.constant 0 : i32
        %dma_wait3A_179 = tpu.memref_slice %arg4[%add3A_141, %dma_wait3A_178] : memref<160000x128xf32, #tpu.memory_space<hbm>> -> memref<40x128xf32, #tpu.memory_space<hbm>>
        %dma_wait3A_180 = arith.constant 0 : i32
        %dma_wait3A_181 = tpu.memref_slice %arg4[%add3A_141, %dma_wait3A_180] : memref<160000x128xf32, #tpu.memory_space<hbm>> -> memref<40x128xf32, #tpu.memory_space<hbm>>
        %dma_wait3A_182 = arith.constant 0 : i32
        %dma_wait3A_183 = arith.constant 0 : i32
        %dma_wait3A_184 = tpu.memref_slice %arg6[%run_scoped3A_142, %dma_wait3A_182, %dma_wait3A_183] : memref<5x40x128xf32, #tpu.memory_space<vmem>> -> memref<1x40x128xf32, #tpu.memory_space<vmem>>
        %dma_wait3A_185 = tpu.memref_squeeze %dma_wait3A_184 : memref<1x40x128xf32, #tpu.memory_space<vmem>> -> memref<40x128xf32, #tpu.memory_space<vmem>>
        tpu.wait_dma2 semaphore(%run_scoped3A_161 : memref<!tpu.dma_semaphore, #tpu.memory_space<semaphore_mem>>) src(%dma_wait3A_185 : memref<40x128xf32, #tpu.memory_space<vmem>>) dst(%dma_wait3A_181 : memref<40x128xf32, #tpu.memory_space<hbm>>)
        tpu.yield
      }) : () -> ()
      %dma_wait3A_143 = arith.constant 4 : i32
      %dma_wait3A_144 = arith.constant 0 : i32
      %dma_wait3A_145 = arith.constant 0 : i32
      %dma_wait3A_146 = tpu.memref_slice %arg6[%dma_wait3A_143, %dma_wait3A_144, %dma_wait3A_145] : memref<5x40x128xf32, #tpu.memory_space<vmem>> -> memref<1x40x128xf32, #tpu.memory_space<vmem>>
      %dma_wait3A_147 = tpu.memref_squeeze %dma_wait3A_146 : memref<1x40x128xf32, #tpu.memory_space<vmem>> -> memref<40x128xf32, #tpu.memory_space<vmem>>
      %dma_wait3A_148 = arith.constant 0 : i32
      %dma_wait3A_149 = tpu.memref_slice %arg5[%add3A_65, %dma_wait3A_148] : memref<125x40xi32, #tpu.memory_space<vmem>> -> memref<1x40xi32, #tpu.memory_space<vmem>>
      %dma_wait3A_150 = tpu.memref_squeeze %dma_wait3A_149 : memref<1x40xi32, #tpu.memory_space<vmem>> -> memref<40xi32, #tpu.memory_space<vmem>>
      %dma_wait3A_151 = arith.constant 0 : i32
      %dma_wait3A_152 = arith.constant 0 : i32
      %dma_wait3A_153 = tpu.memref_slice %arg2[%dma_wait3A_151, %dma_wait3A_152] : memref<10000x128xf32, #tpu.memory_space<hbm>> -> memref<10000x128xf32, #tpu.memory_space<hbm>>
      tpu.wait_indirect_dma semaphore(%arg7 : memref<!tpu.dma_semaphore, #tpu.memory_space<semaphore_mem>>) src(%dma_wait3A_153 : memref<10000x128xf32, #tpu.memory_space<hbm>>) dst(%dma_wait3A_147 : memref<40x128xf32, #tpu.memory_space<vmem>>)
      %add3A_154 = arith.constant 4 : i32
      %add3A_155 = arith.addi %mul3A_12, %add3A_154 : i32
      %mul3A_156 = arith.constant 40 : i32
      %mul3A_157 = arith.muli %add3A_155, %mul3A_156 : i32
      %add3A_158 = arith.addi %mul3A_2, %mul3A_157 : i32
      %run_scoped3A_159 = arith.constant 4 : i32
      "tpu.region"() ({
        %run_scoped3A_161 = tpu.sem_alloc : memref<!tpu.dma_semaphore, #tpu.memory_space<semaphore_mem>>
        %dma_start3A_162 = arith.constant 0 : i32
        %dma_start3A_163 = arith.constant 0 : i32
        %dma_start3A_164 = tpu.memref_slice %arg6[%run_scoped3A_159, %dma_start3A_162, %dma_start3A_163] : memref<5x40x128xf32, #tpu.memory_space<vmem>> -> memref<1x40x128xf32, #tpu.memory_space<vmem>>
        %dma_start3A_165 = tpu.memref_squeeze %dma_start3A_164 : memref<1x40x128xf32, #tpu.memory_space<vmem>> -> memref<40x128xf32, #tpu.memory_space<vmem>>
        %dma_start3A_166 = arith.constant 0 : i32
        %dma_start3A_167 = tpu.memref_slice %arg4[%add3A_158, %dma_start3A_166] : memref<160000x128xf32, #tpu.memory_space<hbm>> -> memref<40x128xf32, #tpu.memory_space<hbm>>
        %dma_start3A_168 = arith.constant 0 : i32
        %dma_start3A_169 = tpu.memref_slice %arg4[%add3A_158, %dma_start3A_168] : memref<160000x128xf32, #tpu.memory_space<hbm>> -> memref<40x128xf32, #tpu.memory_space<hbm>>
        %dma_start3A_170 = arith.constant 0 : i32
        %dma_start3A_171 = arith.constant 0 : i32
        %dma_start3A_172 = tpu.memref_slice %arg6[%run_scoped3A_159, %dma_start3A_170, %dma_start3A_171] : memref<5x40x128xf32, #tpu.memory_space<vmem>> -> memref<1x40x128xf32, #tpu.memory_space<vmem>>
        %dma_start3A_173 = tpu.memref_squeeze %dma_start3A_172 : memref<1x40x128xf32, #tpu.memory_space<vmem>> -> memref<40x128xf32, #tpu.memory_space<vmem>>
        tpu.enqueue_dma source(%dma_start3A_173 : memref<40x128xf32, #tpu.memory_space<vmem>>) target(%dma_start3A_169 : memref<40x128xf32, #tpu.memory_space<hbm>>) target_semaphore(%run_scoped3A_161 : memref<!tpu.dma_semaphore, #tpu.memory_space<semaphore_mem>>)
        %dma_wait3A_174 = arith.constant 0 : i32
        %dma_wait3A_175 = arith.constant 0 : i32
        %dma_wait3A_176 = tpu.memref_slice %arg6[%run_scoped3A_159, %dma_wait3A_174, %dma_wait3A_175] : memref<5x40x128xf32, #tpu.memory_space<vmem>> -> memref<1x40x128xf32, #tpu.memory_space<vmem>>
        %dma_wait3A_177 = tpu.memref_squeeze %dma_wait3A_176 : memref<1x40x128xf32, #tpu.memory_space<vmem>> -> memref<40x128xf32, #tpu.memory_space<vmem>>
        %dma_wait3A_178 = arith.constant 0 : i32
        %dma_wait3A_179 = tpu.memref_slice %arg4[%add3A_158, %dma_wait3A_178] : memref<160000x128xf32, #tpu.memory_space<hbm>> -> memref<40x128xf32, #tpu.memory_space<hbm>>
        %dma_wait3A_180 = arith.constant 0 : i32
        %dma_wait3A_181 = tpu.memref_slice %arg4[%add3A_158, %dma_wait3A_180] : memref<160000x128xf32, #tpu.memory_space<hbm>> -> memref<40x128xf32, #tpu.memory_space<hbm>>
        %dma_wait3A_182 = arith.constant 0 : i32
        %dma_wait3A_183 = arith.constant 0 : i32
        %dma_wait3A_184 = tpu.memref_slice %arg6[%run_scoped3A_159, %dma_wait3A_182, %dma_wait3A_183] : memref<5x40x128xf32, #tpu.memory_space<vmem>> -> memref<1x40x128xf32, #tpu.memory_space<vmem>>
        %dma_wait3A_185 = tpu.memref_squeeze %dma_wait3A_184 : memref<1x40x128xf32, #tpu.memory_space<vmem>> -> memref<40x128xf32, #tpu.memory_space<vmem>>
        tpu.wait_dma2 semaphore(%run_scoped3A_161 : memref<!tpu.dma_semaphore, #tpu.memory_space<semaphore_mem>>) src(%dma_wait3A_185 : memref<40x128xf32, #tpu.memory_space<vmem>>) dst(%dma_wait3A_181 : memref<40x128xf32, #tpu.memory_space<hbm>>)
        tpu.yield
      }) : () -> ()
      %scan3A_160 = arith.constant 0 : i32
      scf.yield %scan3A_160 : i32
    }
    %scan3A_8 = arith.constant 25 : i32
    return
  }
}

#map = affine_map<(d0, d1) -> (0, 0)>
#map1 = affine_map<(d0, d1) -> (0, 0, 0)>
module attributes {stable_mosaic.version = 14 : i64} {
  func.func @sk(%arg0: i32, %arg1: i32, %arg2: memref<160000x128xf32, #tpu.memory_space<hbm>>, %arg3: memref<32x125x40xi32, #tpu.memory_space<hbm>>, %arg4: memref<10000x128xf32, #tpu.memory_space<hbm>>, %arg5: memref<2x10000x128xf32, #tpu.memory_space<hbm>>, %arg6: memref<125x40xi32, #tpu.memory_space<vmem>>, %arg7: memref<40x128xf32, #tpu.memory_space<vmem>>, %arg8: memref<40x128xf32, #tpu.memory_space<vmem>>, %arg9: memref<10000x128xf32, #tpu.memory_space<vmem_shared>>, %arg10: memref<!tpu.dma_semaphore, #tpu.memory_space<semaphore_mem>>, %arg11: memref<!tpu.dma_semaphore, #tpu.memory_space<semaphore_mem>>) attributes {dimension_semantics = [#tpu.dimension_semantics<core_parallel>, #tpu.dimension_semantics<subcore_parallel>], iteration_bounds = array<i64: 2, 16>, scalar_prefetch = 0 : i64, scratch_operands = 6 : i64, tpu.core_type = #tpu.core_type<sc_vector_subcore>, window_params = [{transform_indices = #map}, {transform_indices = #map1}, {transform_indices = #map}, {transform_indices = #map1}]} {
    %mul3A = arith.constant 2 : i32
    %mul3A_0 = arith.muli %arg1, %mul3A : i32
    %add3A = arith.addi %mul3A_0, %arg0 : i32
    %mul3A_1 = arith.constant 5000 : i32
    %mul3A_2 = arith.muli %add3A, %mul3A_1 : i32
    %lt3A = arith.constant 10 : i32
    %lt3A_3 = arith.cmpi slt, %arg1, %lt3A : i32
    %convert_element_type3A = arith.extui %lt3A_3 : i1 to i32
    %cond3A = arith.constant 0 : i32
    %cond3A_4 = arith.cmpi ne, %convert_element_type3A, %cond3A : i32
    scf.if %cond3A_4 {
      %mul3A_31 = arith.constant 1000 : i32
      %mul3A_32 = arith.muli %arg1, %mul3A_31 : i32
      %mul3A_33 = arith.constant 1000 : i32
      %mul3A_34 = arith.muli %arg1, %mul3A_33 : i32
      "tpu.region"() ({
        %run_scoped3A_35 = tpu.sem_alloc : memref<!tpu.dma_semaphore, #tpu.memory_space<semaphore_mem>>
        %dma_start3A_36 = arith.constant 0 : i32
        %dma_start3A_37 = tpu.memref_slice %arg9[%mul3A_34, %dma_start3A_36] : memref<10000x128xf32, #tpu.memory_space<vmem_shared>> -> memref<1000x128xf32, #tpu.memory_space<vmem_shared>>
        %dma_start3A_38 = arith.constant 0 : i32
        %dma_start3A_39 = tpu.memref_slice %arg4[%mul3A_32, %dma_start3A_38] : memref<10000x128xf32, #tpu.memory_space<hbm>> -> memref<1000x128xf32, #tpu.memory_space<hbm>>
        tpu.enqueue_dma source(%dma_start3A_39 : memref<1000x128xf32, #tpu.memory_space<hbm>>) target(%dma_start3A_37 : memref<1000x128xf32, #tpu.memory_space<vmem_shared>>) target_semaphore(%run_scoped3A_35 : memref<!tpu.dma_semaphore, #tpu.memory_space<semaphore_mem>>)
        %dma_wait3A_40 = arith.constant 0 : i32
        %dma_wait3A_41 = tpu.memref_slice %arg9[%mul3A_34, %dma_wait3A_40] : memref<10000x128xf32, #tpu.memory_space<vmem_shared>> -> memref<1000x128xf32, #tpu.memory_space<vmem_shared>>
        %dma_wait3A_42 = arith.constant 0 : i32
        %dma_wait3A_43 = tpu.memref_slice %arg4[%mul3A_32, %dma_wait3A_42] : memref<10000x128xf32, #tpu.memory_space<hbm>> -> memref<1000x128xf32, #tpu.memory_space<hbm>>
        tpu.wait_dma2 semaphore(%run_scoped3A_35 : memref<!tpu.dma_semaphore, #tpu.memory_space<semaphore_mem>>) src(%dma_wait3A_43 : memref<1000x128xf32, #tpu.memory_space<hbm>>) dst(%dma_wait3A_41 : memref<1000x128xf32, #tpu.memory_space<vmem_shared>>)
        tpu.yield
      }) : () -> ()
    } else {
    }
    "tpu.region"() ({
      %run_scoped3A_31 = tpu.sem_alloc : memref<!tpu.dma_semaphore, #tpu.memory_space<semaphore_mem>>
      %dma_start3A_32 = arith.constant 0 : i32
      %dma_start3A_33 = arith.constant 0 : i32
      %dma_start3A_34 = tpu.memref_slice %arg3[%add3A, %dma_start3A_32, %dma_start3A_33] : memref<32x125x40xi32, #tpu.memory_space<hbm>> -> memref<1x125x40xi32, #tpu.memory_space<hbm>>
      %dma_start3A_35 = tpu.memref_squeeze %dma_start3A_34 : memref<1x125x40xi32, #tpu.memory_space<hbm>> -> memref<125x40xi32, #tpu.memory_space<hbm>>
      %dma_start3A_36 = arith.constant 0 : i32
      %dma_start3A_37 = arith.constant 0 : i32
      %dma_start3A_38 = tpu.memref_slice %arg3[%add3A, %dma_start3A_36, %dma_start3A_37] : memref<32x125x40xi32, #tpu.memory_space<hbm>> -> memref<1x125x40xi32, #tpu.memory_space<hbm>>
      %dma_start3A_39 = tpu.memref_squeeze %dma_start3A_38 : memref<1x125x40xi32, #tpu.memory_space<hbm>> -> memref<125x40xi32, #tpu.memory_space<hbm>>
      tpu.enqueue_dma source(%dma_start3A_39 : memref<125x40xi32, #tpu.memory_space<hbm>>) target(%arg6 : memref<125x40xi32, #tpu.memory_space<vmem>>) target_semaphore(%run_scoped3A_31 : memref<!tpu.dma_semaphore, #tpu.memory_space<semaphore_mem>>)
      %dma_wait3A_40 = arith.constant 0 : i32
      %dma_wait3A_41 = arith.constant 0 : i32
      %dma_wait3A_42 = tpu.memref_slice %arg3[%add3A, %dma_wait3A_40, %dma_wait3A_41] : memref<32x125x40xi32, #tpu.memory_space<hbm>> -> memref<1x125x40xi32, #tpu.memory_space<hbm>>
      %dma_wait3A_43 = tpu.memref_squeeze %dma_wait3A_42 : memref<1x125x40xi32, #tpu.memory_space<hbm>> -> memref<125x40xi32, #tpu.memory_space<hbm>>
      %dma_wait3A_44 = arith.constant 0 : i32
      %dma_wait3A_45 = arith.constant 0 : i32
      %dma_wait3A_46 = tpu.memref_slice %arg3[%add3A, %dma_wait3A_44, %dma_wait3A_45] : memref<32x125x40xi32, #tpu.memory_space<hbm>> -> memref<1x125x40xi32, #tpu.memory_space<hbm>>
      %dma_wait3A_47 = tpu.memref_squeeze %dma_wait3A_46 : memref<1x125x40xi32, #tpu.memory_space<hbm>> -> memref<125x40xi32, #tpu.memory_space<hbm>>
      tpu.wait_dma2 semaphore(%run_scoped3A_31 : memref<!tpu.dma_semaphore, #tpu.memory_space<semaphore_mem>>) src(%dma_wait3A_47 : memref<125x40xi32, #tpu.memory_space<hbm>>) dst(%arg6 : memref<125x40xi32, #tpu.memory_space<vmem>>)
      tpu.yield
    }) : () -> ()
    %barrier3A = arith.constant 0 : index
    tpu.barrier barrier_id(%barrier3A)
    %dma_start3A = arith.constant 0 : i32
    %dma_start3A_5 = tpu.memref_slice %arg2[%mul3A_2, %dma_start3A] : memref<160000x128xf32, #tpu.memory_space<hbm>> -> memref<40x128xf32, #tpu.memory_space<hbm>>
    %dma_start3A_6 = arith.constant 0 : i32
    %dma_start3A_7 = tpu.memref_slice %arg2[%mul3A_2, %dma_start3A_6] : memref<160000x128xf32, #tpu.memory_space<hbm>> -> memref<40x128xf32, #tpu.memory_space<hbm>>
    tpu.enqueue_dma source(%dma_start3A_7 : memref<40x128xf32, #tpu.memory_space<hbm>>) target(%arg7 : memref<40x128xf32, #tpu.memory_space<vmem>>) target_semaphore(%arg10 : memref<!tpu.dma_semaphore, #tpu.memory_space<semaphore_mem>>)
    %add3A_8 = arith.constant 40 : i32
    %add3A_9 = arith.addi %mul3A_2, %add3A_8 : i32
    %dma_start3A_10 = arith.constant 0 : i32
    %dma_start3A_11 = tpu.memref_slice %arg2[%add3A_9, %dma_start3A_10] : memref<160000x128xf32, #tpu.memory_space<hbm>> -> memref<40x128xf32, #tpu.memory_space<hbm>>
    %dma_start3A_12 = arith.constant 0 : i32
    %dma_start3A_13 = tpu.memref_slice %arg2[%add3A_9, %dma_start3A_12] : memref<160000x128xf32, #tpu.memory_space<hbm>> -> memref<40x128xf32, #tpu.memory_space<hbm>>
    tpu.enqueue_dma source(%dma_start3A_13 : memref<40x128xf32, #tpu.memory_space<hbm>>) target(%arg8 : memref<40x128xf32, #tpu.memory_space<vmem>>) target_semaphore(%arg11 : memref<!tpu.dma_semaphore, #tpu.memory_space<semaphore_mem>>)
    %scan3A = arith.constant 0 : i32
    %scan3A_14 = arith.constant 0 : i32
    %scan3A_15 = arith.constant 62 : i32
    %scan3A_16 = arith.addi %scan3A_14, %scan3A_15 : i32
    %scan3A_17 = arith.constant 1 : i32
    %scan3A_18 = scf.for %scan3A_31 = %scan3A_14 to %scan3A_16 step %scan3A_17 iter_args(%scan3A_32 = %scan3A) -> (i32)  : i32 {
      %mul3A_33 = arith.constant 2 : i32
      %mul3A_34 = arith.muli %mul3A_33, %scan3A_31 : i32
      %mul3A_35 = arith.constant 40 : i32
      %mul3A_36 = arith.muli %mul3A_34, %mul3A_35 : i32
      %add3A_37 = arith.addi %mul3A_2, %mul3A_36 : i32
      %dma_wait3A_38 = arith.constant 0 : i32
      %dma_wait3A_39 = tpu.memref_slice %arg2[%add3A_37, %dma_wait3A_38] : memref<160000x128xf32, #tpu.memory_space<hbm>> -> memref<40x128xf32, #tpu.memory_space<hbm>>
      %dma_wait3A_40 = arith.constant 0 : i32
      %dma_wait3A_41 = tpu.memref_slice %arg2[%add3A_37, %dma_wait3A_40] : memref<160000x128xf32, #tpu.memory_space<hbm>> -> memref<40x128xf32, #tpu.memory_space<hbm>>
      tpu.wait_dma2 semaphore(%arg10 : memref<!tpu.dma_semaphore, #tpu.memory_space<semaphore_mem>>) src(%dma_wait3A_41 : memref<40x128xf32, #tpu.memory_space<hbm>>) dst(%arg7 : memref<40x128xf32, #tpu.memory_space<vmem>>)
      "tpu.region"() ({
        %run_scoped3A_68 = tpu.sem_alloc : memref<!tpu.dma_semaphore, #tpu.memory_space<semaphore_mem>>
        %dma_start3A_69 = arith.constant 0 : i32
        %dma_start3A_70 = tpu.memref_slice %arg6[%mul3A_34, %dma_start3A_69] : memref<125x40xi32, #tpu.memory_space<vmem>> -> memref<1x40xi32, #tpu.memory_space<vmem>>
        %dma_start3A_71 = tpu.memref_squeeze %dma_start3A_70 : memref<1x40xi32, #tpu.memory_space<vmem>> -> memref<40xi32, #tpu.memory_space<vmem>>
        %dma_start3A_72 = arith.constant 0 : i32
        %dma_start3A_73 = arith.constant 0 : i32
        %dma_start3A_74 = tpu.memref_slice %arg9[%dma_start3A_72, %dma_start3A_73] : memref<10000x128xf32, #tpu.memory_space<vmem_shared>> -> memref<10000x128xf32, #tpu.memory_space<vmem_shared>>
        tpu.enqueue_indirect_dma source(%arg7 : memref<40x128xf32, #tpu.memory_space<vmem>>) target(%dma_start3A_74 : memref<10000x128xf32, #tpu.memory_space<vmem_shared>>) offsets(%dma_start3A_71 : memref<40xi32, #tpu.memory_space<vmem>>) semaphore(%run_scoped3A_68 : memref<!tpu.dma_semaphore, #tpu.memory_space<semaphore_mem>>) {add = true}
        %dma_wait3A_75 = arith.constant 0 : i32
        %dma_wait3A_76 = tpu.memref_slice %arg6[%mul3A_34, %dma_wait3A_75] : memref<125x40xi32, #tpu.memory_space<vmem>> -> memref<1x40xi32, #tpu.memory_space<vmem>>
        %dma_wait3A_77 = tpu.memref_squeeze %dma_wait3A_76 : memref<1x40xi32, #tpu.memory_space<vmem>> -> memref<40xi32, #tpu.memory_space<vmem>>
        %dma_wait3A_78 = arith.constant 0 : i32
        %dma_wait3A_79 = arith.constant 0 : i32
        %dma_wait3A_80 = tpu.memref_slice %arg9[%dma_wait3A_78, %dma_wait3A_79] : memref<10000x128xf32, #tpu.memory_space<vmem_shared>> -> memref<10000x128xf32, #tpu.memory_space<vmem_shared>>
        tpu.wait_indirect_dma semaphore(%run_scoped3A_68 : memref<!tpu.dma_semaphore, #tpu.memory_space<semaphore_mem>>) src(%arg7 : memref<40x128xf32, #tpu.memory_space<vmem>>) dst(%dma_wait3A_80 : memref<10000x128xf32, #tpu.memory_space<vmem_shared>>)
        tpu.yield
      }) : () -> ()
      %add3A_42 = arith.constant 2 : i32
      %add3A_43 = arith.addi %mul3A_34, %add3A_42 : i32
      %lt3A_44 = arith.constant 125 : i32
      %lt3A_45 = arith.cmpi slt, %add3A_43, %lt3A_44 : i32
      %convert_element_type3A_46 = arith.extui %lt3A_45 : i1 to i32
      %cond3A_47 = arith.constant 0 : i32
      %cond3A_48 = arith.cmpi ne, %convert_element_type3A_46, %cond3A_47 : i32
      scf.if %cond3A_48 {
        %add3A_68 = arith.constant 2 : i32
        %add3A_69 = arith.addi %mul3A_34, %add3A_68 : i32
        %mul3A_70 = arith.constant 40 : i32
        %mul3A_71 = arith.muli %add3A_69, %mul3A_70 : i32
        %add3A_72 = arith.addi %mul3A_2, %mul3A_71 : i32
        %dma_start3A_73 = arith.constant 0 : i32
        %dma_start3A_74 = tpu.memref_slice %arg2[%add3A_72, %dma_start3A_73] : memref<160000x128xf32, #tpu.memory_space<hbm>> -> memref<40x128xf32, #tpu.memory_space<hbm>>
        %dma_start3A_75 = arith.constant 0 : i32
        %dma_start3A_76 = tpu.memref_slice %arg2[%add3A_72, %dma_start3A_75] : memref<160000x128xf32, #tpu.memory_space<hbm>> -> memref<40x128xf32, #tpu.memory_space<hbm>>
        tpu.enqueue_dma source(%dma_start3A_76 : memref<40x128xf32, #tpu.memory_space<hbm>>) target(%arg7 : memref<40x128xf32, #tpu.memory_space<vmem>>) target_semaphore(%arg10 : memref<!tpu.dma_semaphore, #tpu.memory_space<semaphore_mem>>)
      } else {
      }
      %add3A_49 = arith.constant 1 : i32
      %add3A_50 = arith.addi %mul3A_34, %add3A_49 : i32
      %mul3A_51 = arith.constant 40 : i32
      %mul3A_52 = arith.muli %add3A_50, %mul3A_51 : i32
      %add3A_53 = arith.addi %mul3A_2, %mul3A_52 : i32
      %dma_wait3A_54 = arith.constant 0 : i32
      %dma_wait3A_55 = tpu.memref_slice %arg2[%add3A_53, %dma_wait3A_54] : memref<160000x128xf32, #tpu.memory_space<hbm>> -> memref<40x128xf32, #tpu.memory_space<hbm>>
      %dma_wait3A_56 = arith.constant 0 : i32
      %dma_wait3A_57 = tpu.memref_slice %arg2[%add3A_53, %dma_wait3A_56] : memref<160000x128xf32, #tpu.memory_space<hbm>> -> memref<40x128xf32, #tpu.memory_space<hbm>>
      tpu.wait_dma2 semaphore(%arg11 : memref<!tpu.dma_semaphore, #tpu.memory_space<semaphore_mem>>) src(%dma_wait3A_57 : memref<40x128xf32, #tpu.memory_space<hbm>>) dst(%arg8 : memref<40x128xf32, #tpu.memory_space<vmem>>)
      %add3A_58 = arith.constant 1 : i32
      %add3A_59 = arith.addi %mul3A_34, %add3A_58 : i32
      "tpu.region"() ({
        %run_scoped3A_68 = tpu.sem_alloc : memref<!tpu.dma_semaphore, #tpu.memory_space<semaphore_mem>>
        %dma_start3A_69 = arith.constant 0 : i32
        %dma_start3A_70 = tpu.memref_slice %arg6[%add3A_59, %dma_start3A_69] : memref<125x40xi32, #tpu.memory_space<vmem>> -> memref<1x40xi32, #tpu.memory_space<vmem>>
        %dma_start3A_71 = tpu.memref_squeeze %dma_start3A_70 : memref<1x40xi32, #tpu.memory_space<vmem>> -> memref<40xi32, #tpu.memory_space<vmem>>
        %dma_start3A_72 = arith.constant 0 : i32
        %dma_start3A_73 = arith.constant 0 : i32
        %dma_start3A_74 = tpu.memref_slice %arg9[%dma_start3A_72, %dma_start3A_73] : memref<10000x128xf32, #tpu.memory_space<vmem_shared>> -> memref<10000x128xf32, #tpu.memory_space<vmem_shared>>
        tpu.enqueue_indirect_dma source(%arg8 : memref<40x128xf32, #tpu.memory_space<vmem>>) target(%dma_start3A_74 : memref<10000x128xf32, #tpu.memory_space<vmem_shared>>) offsets(%dma_start3A_71 : memref<40xi32, #tpu.memory_space<vmem>>) semaphore(%run_scoped3A_68 : memref<!tpu.dma_semaphore, #tpu.memory_space<semaphore_mem>>) {add = true}
        %dma_wait3A_75 = arith.constant 0 : i32
        %dma_wait3A_76 = tpu.memref_slice %arg6[%add3A_59, %dma_wait3A_75] : memref<125x40xi32, #tpu.memory_space<vmem>> -> memref<1x40xi32, #tpu.memory_space<vmem>>
        %dma_wait3A_77 = tpu.memref_squeeze %dma_wait3A_76 : memref<1x40xi32, #tpu.memory_space<vmem>> -> memref<40xi32, #tpu.memory_space<vmem>>
        %dma_wait3A_78 = arith.constant 0 : i32
        %dma_wait3A_79 = arith.constant 0 : i32
        %dma_wait3A_80 = tpu.memref_slice %arg9[%dma_wait3A_78, %dma_wait3A_79] : memref<10000x128xf32, #tpu.memory_space<vmem_shared>> -> memref<10000x128xf32, #tpu.memory_space<vmem_shared>>
        tpu.wait_indirect_dma semaphore(%run_scoped3A_68 : memref<!tpu.dma_semaphore, #tpu.memory_space<semaphore_mem>>) src(%arg8 : memref<40x128xf32, #tpu.memory_space<vmem>>) dst(%dma_wait3A_80 : memref<10000x128xf32, #tpu.memory_space<vmem_shared>>)
        tpu.yield
      }) : () -> ()
      %add3A_60 = arith.constant 3 : i32
      %add3A_61 = arith.addi %mul3A_34, %add3A_60 : i32
      %lt3A_62 = arith.constant 125 : i32
      %lt3A_63 = arith.cmpi slt, %add3A_61, %lt3A_62 : i32
      %convert_element_type3A_64 = arith.extui %lt3A_63 : i1 to i32
      %cond3A_65 = arith.constant 0 : i32
      %cond3A_66 = arith.cmpi ne, %convert_element_type3A_64, %cond3A_65 : i32
      scf.if %cond3A_66 {
        %add3A_68 = arith.constant 3 : i32
        %add3A_69 = arith.addi %mul3A_34, %add3A_68 : i32
        %mul3A_70 = arith.constant 40 : i32
        %mul3A_71 = arith.muli %add3A_69, %mul3A_70 : i32
        %add3A_72 = arith.addi %mul3A_2, %mul3A_71 : i32
        %dma_start3A_73 = arith.constant 0 : i32
        %dma_start3A_74 = tpu.memref_slice %arg2[%add3A_72, %dma_start3A_73] : memref<160000x128xf32, #tpu.memory_space<hbm>> -> memref<40x128xf32, #tpu.memory_space<hbm>>
        %dma_start3A_75 = arith.constant 0 : i32
        %dma_start3A_76 = tpu.memref_slice %arg2[%add3A_72, %dma_start3A_75] : memref<160000x128xf32, #tpu.memory_space<hbm>> -> memref<40x128xf32, #tpu.memory_space<hbm>>
        tpu.enqueue_dma source(%dma_start3A_76 : memref<40x128xf32, #tpu.memory_space<hbm>>) target(%arg8 : memref<40x128xf32, #tpu.memory_space<vmem>>) target_semaphore(%arg11 : memref<!tpu.dma_semaphore, #tpu.memory_space<semaphore_mem>>)
      } else {
      }
      %scan3A_67 = arith.constant 0 : i32
      scf.yield %scan3A_67 : i32
    }
    %scan3A_19 = arith.constant 62 : i32
    %add3A_20 = arith.constant 4960 : i32
    %add3A_21 = arith.addi %mul3A_2, %add3A_20 : i32
    %dma_wait3A = arith.constant 0 : i32
    %dma_wait3A_22 = tpu.memref_slice %arg2[%add3A_21, %dma_wait3A] : memref<160000x128xf32, #tpu.memory_space<hbm>> -> memref<40x128xf32, #tpu.memory_space<hbm>>
    %dma_wait3A_23 = arith.constant 0 : i32
    %dma_wait3A_24 = tpu.memref_slice %arg2[%add3A_21, %dma_wait3A_23] : memref<160000x128xf32, #tpu.memory_space<hbm>> -> memref<40x128xf32, #tpu.memory_space<hbm>>
    tpu.wait_dma2 semaphore(%arg10 : memref<!tpu.dma_semaphore, #tpu.memory_space<semaphore_mem>>) src(%dma_wait3A_24 : memref<40x128xf32, #tpu.memory_space<hbm>>) dst(%arg7 : memref<40x128xf32, #tpu.memory_space<vmem>>)
    %run_scoped3A = arith.constant 124 : i32
    "tpu.region"() ({
      %run_scoped3A_31 = tpu.sem_alloc : memref<!tpu.dma_semaphore, #tpu.memory_space<semaphore_mem>>
      %dma_start3A_32 = arith.constant 0 : i32
      %dma_start3A_33 = tpu.memref_slice %arg6[%run_scoped3A, %dma_start3A_32] : memref<125x40xi32, #tpu.memory_space<vmem>> -> memref<1x40xi32, #tpu.memory_space<vmem>>
      %dma_start3A_34 = tpu.memref_squeeze %dma_start3A_33 : memref<1x40xi32, #tpu.memory_space<vmem>> -> memref<40xi32, #tpu.memory_space<vmem>>
      %dma_start3A_35 = arith.constant 0 : i32
      %dma_start3A_36 = arith.constant 0 : i32
      %dma_start3A_37 = tpu.memref_slice %arg9[%dma_start3A_35, %dma_start3A_36] : memref<10000x128xf32, #tpu.memory_space<vmem_shared>> -> memref<10000x128xf32, #tpu.memory_space<vmem_shared>>
      tpu.enqueue_indirect_dma source(%arg7 : memref<40x128xf32, #tpu.memory_space<vmem>>) target(%dma_start3A_37 : memref<10000x128xf32, #tpu.memory_space<vmem_shared>>) offsets(%dma_start3A_34 : memref<40xi32, #tpu.memory_space<vmem>>) semaphore(%run_scoped3A_31 : memref<!tpu.dma_semaphore, #tpu.memory_space<semaphore_mem>>) {add = true}
      %dma_wait3A_38 = arith.constant 0 : i32
      %dma_wait3A_39 = tpu.memref_slice %arg6[%run_scoped3A, %dma_wait3A_38] : memref<125x40xi32, #tpu.memory_space<vmem>> -> memref<1x40xi32, #tpu.memory_space<vmem>>
      %dma_wait3A_40 = tpu.memref_squeeze %dma_wait3A_39 : memref<1x40xi32, #tpu.memory_space<vmem>> -> memref<40xi32, #tpu.memory_space<vmem>>
      %dma_wait3A_41 = arith.constant 0 : i32
      %dma_wait3A_42 = arith.constant 0 : i32
      %dma_wait3A_43 = tpu.memref_slice %arg9[%dma_wait3A_41, %dma_wait3A_42] : memref<10000x128xf32, #tpu.memory_space<vmem_shared>> -> memref<10000x128xf32, #tpu.memory_space<vmem_shared>>
      tpu.wait_indirect_dma semaphore(%run_scoped3A_31 : memref<!tpu.dma_semaphore, #tpu.memory_space<semaphore_mem>>) src(%arg7 : memref<40x128xf32, #tpu.memory_space<vmem>>) dst(%dma_wait3A_43 : memref<10000x128xf32, #tpu.memory_space<vmem_shared>>)
      tpu.yield
    }) : () -> ()
    %barrier3A_25 = arith.constant 0 : index
    tpu.barrier barrier_id(%barrier3A_25)
    %lt3A_26 = arith.constant 10 : i32
    %lt3A_27 = arith.cmpi slt, %arg1, %lt3A_26 : i32
    %convert_element_type3A_28 = arith.extui %lt3A_27 : i1 to i32
    %cond3A_29 = arith.constant 0 : i32
    %cond3A_30 = arith.cmpi ne, %convert_element_type3A_28, %cond3A_29 : i32
    scf.if %cond3A_30 {
      %mul3A_31 = arith.constant 1000 : i32
      %mul3A_32 = arith.muli %arg1, %mul3A_31 : i32
      %mul3A_33 = arith.constant 1000 : i32
      %mul3A_34 = arith.muli %arg1, %mul3A_33 : i32
      "tpu.region"() ({
        %run_scoped3A_35 = tpu.sem_alloc : memref<!tpu.dma_semaphore, #tpu.memory_space<semaphore_mem>>
        %dma_start3A_36 = arith.constant 0 : i32
        %dma_start3A_37 = tpu.memref_slice %arg5[%arg0, %mul3A_34, %dma_start3A_36] : memref<2x10000x128xf32, #tpu.memory_space<hbm>> -> memref<1x1000x128xf32, #tpu.memory_space<hbm>>
        %dma_start3A_38 = tpu.memref_squeeze %dma_start3A_37 : memref<1x1000x128xf32, #tpu.memory_space<hbm>> -> memref<1000x128xf32, #tpu.memory_space<hbm>>
        %dma_start3A_39 = arith.constant 0 : i32
        %dma_start3A_40 = tpu.memref_slice %arg9[%mul3A_32, %dma_start3A_39] : memref<10000x128xf32, #tpu.memory_space<vmem_shared>> -> memref<1000x128xf32, #tpu.memory_space<vmem_shared>>
        tpu.enqueue_dma source(%dma_start3A_40 : memref<1000x128xf32, #tpu.memory_space<vmem_shared>>) target(%dma_start3A_38 : memref<1000x128xf32, #tpu.memory_space<hbm>>) target_semaphore(%run_scoped3A_35 : memref<!tpu.dma_semaphore, #tpu.memory_space<semaphore_mem>>)
        %dma_wait3A_41 = arith.constant 0 : i32
        %dma_wait3A_42 = tpu.memref_slice %arg5[%arg0, %mul3A_34, %dma_wait3A_41] : memref<2x10000x128xf32, #tpu.memory_space<hbm>> -> memref<1x1000x128xf32, #tpu.memory_space<hbm>>
        %dma_wait3A_43 = tpu.memref_squeeze %dma_wait3A_42 : memref<1x1000x128xf32, #tpu.memory_space<hbm>> -> memref<1000x128xf32, #tpu.memory_space<hbm>>
        %dma_wait3A_44 = arith.constant 0 : i32
        %dma_wait3A_45 = tpu.memref_slice %arg9[%mul3A_32, %dma_wait3A_44] : memref<10000x128xf32, #tpu.memory_space<vmem_shared>> -> memref<1000x128xf32, #tpu.memory_space<vmem_shared>>
        tpu.wait_dma2 semaphore(%run_scoped3A_35 : memref<!tpu.dma_semaphore, #tpu.memory_space<semaphore_mem>>) src(%dma_wait3A_45 : memref<1000x128xf32, #tpu.memory_space<vmem_shared>>) dst(%dma_wait3A_43 : memref<1000x128xf32, #tpu.memory_space<hbm>>)
        tpu.yield
      }) : () -> ()
    } else {
    }
    return
  }
}

module attributes {stable_mosaic.version = 14 : i64} {
  func.func @_xa_body(%arg0: i32, %arg1: memref<2000x128xf32, #tpu.memory_space<vmem>>, %arg2: memref<128x128xf32, #tpu.memory_space<vmem>>, %arg3: memref<2000x128xf32, #tpu.memory_space<vmem>>) attributes {dimension_semantics = [#tpu.dimension_semantics<arbitrary>], iteration_bounds = array<i64: 5>, scalar_prefetch = 0 : i64, scratch_operands = 0 : i64, tpu.core_type = #tpu.core_type<tc>, window_params = [{transform_indices = @transform_0, window_bounds = array<i64: 2000, 128>}, {pipeline_mode = #tpu.pipeline_mode<synchronous>, transform_indices = @transform_1, window_bounds = array<i64: 128, 128>}, {transform_indices = @transform_2, window_bounds = array<i64: 2000, 128>}]} {
    %get3A = arith.constant 0 : index
    %get3A_0 = arith.constant 0 : index
    %get3A_1 = vector.load %arg1[%get3A, %get3A_0] : memref<2000x128xf32, #tpu.memory_space<vmem>>, vector<2000x128xf32>
    %get3A_2 = arith.constant 0 : index
    %get3A_3 = arith.constant 0 : index
    %get3A_4 = vector.load %arg2[%get3A_2, %get3A_3] : memref<128x128xf32, #tpu.memory_space<vmem>>, vector<128x128xf32>
    %dot_general3A = arith.constant dense<0.000000e+00> : vector<2000x128xf32>
    %dot_general3A_5 = tpu.matmul %get3A_1, %get3A_4, %dot_general3A {dimension_numbers = #tpu.dot_dimension_numbers<[1], [0], [0], [1], [0, 0, 1, 1], [], []>, transpose_lhs_hint = false} : vector<2000x128xf32>, vector<128x128xf32>, vector<2000x128xf32> -> vector<2000x128xf32>
    %swap3A = arith.constant 0 : index
    %swap3A_6 = arith.constant 0 : index
    %swap3A_7 = vector.load %arg3[%swap3A, %swap3A_6] : memref<2000x128xf32, #tpu.memory_space<vmem>>, vector<2000x128xf32>
    tpu.vector_store %arg3[%swap3A, %swap3A_6], %dot_general3A_5 {strides = array<i32>} : memref<2000x128xf32, #tpu.memory_space<vmem>>, vector<2000x128xf32>,
    return
  }
  func.func @transform_0(%arg0: i32) -> (i32, i32) {
    %c0_i32 = arith.constant 0 : i32
    %c0_i32_0 = arith.constant 0 : i32
    return %arg0, %c0_i32 : i32, i32
  }
  func.func @transform_1(%arg0: i32) -> (i32, i32) {
    %c0_i32 = arith.constant 0 : i32
    %c0_i32_0 = arith.constant 0 : i32
    %c0_i32_1 = arith.constant 0 : i32
    return %c0_i32, %c0_i32_0 : i32, i32
  }
  func.func @transform_2(%arg0: i32) -> (i32, i32) {
    %c0_i32 = arith.constant 0 : i32
    %c0_i32_0 = arith.constant 0 : i32
    return %arg0, %c0_i32 : i32, i32
  }
}

module attributes {stable_mosaic.version = 14 : i64} {
  func.func @_edge_body_dep(%arg0: i32, %arg1: memref<4000x128xf32, #tpu.memory_space<vmem>>, %arg2: memref<4000x128xf32, #tpu.memory_space<vmem>>, %arg3: memref<128x128xf32, #tpu.memory_space<vmem>>, %arg4: memref<1x128xf32, #tpu.memory_space<vmem>>, %arg5: memref<1x8x128xf32, #tpu.memory_space<vmem>>, %arg6: memref<4000x128xf32, #tpu.memory_space<vmem>>) attributes {dimension_semantics = [#tpu.dimension_semantics<arbitrary>], iteration_bounds = array<i64: 40>, scalar_prefetch = 0 : i64, scratch_operands = 0 : i64, tpu.core_type = #tpu.core_type<tc>, window_params = [{transform_indices = @transform_0, window_bounds = array<i64: 4000, 128>}, {transform_indices = @transform_1, window_bounds = array<i64: 4000, 128>}, {pipeline_mode = #tpu.pipeline_mode<synchronous>, transform_indices = @transform_2, window_bounds = array<i64: 128, 128>}, {pipeline_mode = #tpu.pipeline_mode<synchronous>, transform_indices = @transform_3, window_bounds = array<i64: 1, 128>}, {transform_indices = @transform_4, window_bounds = array<i64: 1, 8, 128>}, {transform_indices = @transform_5, window_bounds = array<i64: 4000, 128>}]} {
    %get3A = arith.constant 0 : index
    %get3A_0 = arith.constant 0 : index
    %get3A_1 = vector.load %arg1[%get3A, %get3A_0] : memref<4000x128xf32, #tpu.memory_space<vmem>>, vector<4000x128xf32>
    %get3A_2 = arith.constant 0 : index
    %get3A_3 = arith.constant 0 : index
    %get3A_4 = vector.load %arg3[%get3A_2, %get3A_3] : memref<128x128xf32, #tpu.memory_space<vmem>>, vector<128x128xf32>
    %dot_general3A = arith.constant dense<0.000000e+00> : vector<4000x128xf32>
    %dot_general3A_5 = tpu.matmul %get3A_1, %get3A_4, %dot_general3A {dimension_numbers = #tpu.dot_dimension_numbers<[1], [0], [0], [1], [0, 0, 1, 1], [], []>, transpose_lhs_hint = false} : vector<4000x128xf32>, vector<128x128xf32>, vector<4000x128xf32> -> vector<4000x128xf32>
    %get3A_6 = arith.constant 0 : index
    %get3A_7 = arith.constant 0 : index
    %get3A_8 = vector.load %arg4[%get3A_6, %get3A_7] : memref<1x128xf32, #tpu.memory_space<vmem>>, vector<1x128xf32>
    %add3A = vector.broadcast %get3A_8 : vector<1x128xf32> to vector<4000x128xf32>
    %add3A_9 = arith.addf %dot_general3A_5, %add3A : vector<4000x128xf32>
    %get3A_10 = arith.constant 0 : index
    %get3A_11 = arith.constant 0 : index
    %get3A_12 = vector.load %arg2[%get3A_10, %get3A_11] : memref<4000x128xf32, #tpu.memory_space<vmem>>, vector<4000x128xf32>
    %add3A_13 = arith.addf %add3A_9, %get3A_12 : vector<4000x128xf32>
    %mul3A = arith.constant 5.000000e-01 : f32
    %mul3A_14 = vector.broadcast %mul3A : f32 to vector<4000x128xf32>
    %mul3A_15 = arith.mulf %mul3A_14, %add3A_13 : vector<4000x128xf32>
    %mul3A_16 = arith.constant 0.707106769 : f32
    %mul3A_17 = vector.broadcast %mul3A_16 : f32 to vector<4000x128xf32>
    %mul3A_18 = arith.mulf %add3A_13, %mul3A_17 : vector<4000x128xf32>
    %erf3A = math.erf %mul3A_18 : vector<4000x128xf32>
    %add3A_19 = arith.constant 1.000000e+00 : f32
    %add3A_20 = vector.broadcast %add3A_19 : f32 to vector<4000x128xf32>
    %add3A_21 = arith.addf %add3A_20, %erf3A : vector<4000x128xf32>
    %mul3A_22 = arith.mulf %mul3A_15, %add3A_21 : vector<4000x128xf32>
    %swap3A = arith.constant 0 : index
    %swap3A_23 = arith.constant 0 : index
    %swap3A_24 = vector.load %arg6[%swap3A, %swap3A_23] : memref<4000x128xf32, #tpu.memory_space<vmem>>, vector<4000x128xf32>
    tpu.vector_store %arg6[%swap3A, %swap3A_23], %mul3A_22 {strides = array<i32>} : memref<4000x128xf32, #tpu.memory_space<vmem>>, vector<4000x128xf32>,
    return
  }
  func.func @transform_0(%arg0: i32) -> (i32, i32) {
    %add3A = arith.constant 40 : i32
    %add3A_0 = arith.addi %arg0, %add3A : i32
    %c0_i32 = arith.constant 0 : i32
    %c0_i32_1 = arith.constant 0 : i32
    return %add3A_0, %c0_i32 : i32, i32
  }
  func.func @transform_1(%arg0: i32) -> (i32, i32) {
    %c0_i32 = arith.constant 0 : i32
    %c0_i32_0 = arith.constant 0 : i32
    return %arg0, %c0_i32 : i32, i32
  }
  func.func @transform_2(%arg0: i32) -> (i32, i32) {
    %c0_i32 = arith.constant 0 : i32
    %c0_i32_0 = arith.constant 0 : i32
    %c0_i32_1 = arith.constant 0 : i32
    return %c0_i32, %c0_i32_0 : i32, i32
  }
  func.func @transform_3(%arg0: i32) -> (i32, i32) {
    %c0_i32 = arith.constant 0 : i32
    %c0_i32_0 = arith.constant 0 : i32
    %c0_i32_1 = arith.constant 0 : i32
    return %c0_i32, %c0_i32_0 : i32, i32
  }
  func.func @transform_4(%arg0: i32) -> (i32, i32, i32) {
    %c0_i32 = arith.constant 0 : i32
    %c0_i32_0 = arith.constant 0 : i32
    %c0_i32_1 = arith.constant 0 : i32
    %c0_i32_2 = arith.constant 0 : i32
    return %c0_i32, %c0_i32_0, %c0_i32_1 : i32, i32, i32
  }
  func.func @transform_5(%arg0: i32) -> (i32, i32) {
    %c0_i32 = arith.constant 0 : i32
    %c0_i32_0 = arith.constant 0 : i32
    return %arg0, %c0_i32 : i32, i32
  }
}

module attributes {stable_mosaic.version = 14 : i64} {
  func.func @_edge_body(%arg0: i32, %arg1: memref<4000x128xf32, #tpu.memory_space<vmem>>, %arg2: memref<4000x128xf32, #tpu.memory_space<vmem>>, %arg3: memref<128x128xf32, #tpu.memory_space<vmem>>, %arg4: memref<1x128xf32, #tpu.memory_space<vmem>>, %arg5: memref<4000x128xf32, #tpu.memory_space<vmem>>) attributes {dimension_semantics = [#tpu.dimension_semantics<arbitrary>], iteration_bounds = array<i64: 40>, scalar_prefetch = 0 : i64, scratch_operands = 0 : i64, tpu.core_type = #tpu.core_type<tc>, window_params = [{transform_indices = @transform_0, window_bounds = array<i64: 4000, 128>}, {transform_indices = @transform_1, window_bounds = array<i64: 4000, 128>}, {pipeline_mode = #tpu.pipeline_mode<synchronous>, transform_indices = @transform_2, window_bounds = array<i64: 128, 128>}, {pipeline_mode = #tpu.pipeline_mode<synchronous>, transform_indices = @transform_3, window_bounds = array<i64: 1, 128>}, {transform_indices = @transform_4, window_bounds = array<i64: 4000, 128>}]} {
    %get3A = arith.constant 0 : index
    %get3A_0 = arith.constant 0 : index
    %get3A_1 = vector.load %arg1[%get3A, %get3A_0] : memref<4000x128xf32, #tpu.memory_space<vmem>>, vector<4000x128xf32>
    %get3A_2 = arith.constant 0 : index
    %get3A_3 = arith.constant 0 : index
    %get3A_4 = vector.load %arg3[%get3A_2, %get3A_3] : memref<128x128xf32, #tpu.memory_space<vmem>>, vector<128x128xf32>
    %dot_general3A = arith.constant dense<0.000000e+00> : vector<4000x128xf32>
    %dot_general3A_5 = tpu.matmul %get3A_1, %get3A_4, %dot_general3A {dimension_numbers = #tpu.dot_dimension_numbers<[1], [0], [0], [1], [0, 0, 1, 1], [], []>, transpose_lhs_hint = false} : vector<4000x128xf32>, vector<128x128xf32>, vector<4000x128xf32> -> vector<4000x128xf32>
    %get3A_6 = arith.constant 0 : index
    %get3A_7 = arith.constant 0 : index
    %get3A_8 = vector.load %arg4[%get3A_6, %get3A_7] : memref<1x128xf32, #tpu.memory_space<vmem>>, vector<1x128xf32>
    %add3A = vector.broadcast %get3A_8 : vector<1x128xf32> to vector<4000x128xf32>
    %add3A_9 = arith.addf %dot_general3A_5, %add3A : vector<4000x128xf32>
    %get3A_10 = arith.constant 0 : index
    %get3A_11 = arith.constant 0 : index
    %get3A_12 = vector.load %arg2[%get3A_10, %get3A_11] : memref<4000x128xf32, #tpu.memory_space<vmem>>, vector<4000x128xf32>
    %add3A_13 = arith.addf %add3A_9, %get3A_12 : vector<4000x128xf32>
    %mul3A = arith.constant 5.000000e-01 : f32
    %mul3A_14 = vector.broadcast %mul3A : f32 to vector<4000x128xf32>
    %mul3A_15 = arith.mulf %mul3A_14, %add3A_13 : vector<4000x128xf32>
    %mul3A_16 = arith.constant 0.707106769 : f32
    %mul3A_17 = vector.broadcast %mul3A_16 : f32 to vector<4000x128xf32>
    %mul3A_18 = arith.mulf %add3A_13, %mul3A_17 : vector<4000x128xf32>
    %erf3A = math.erf %mul3A_18 : vector<4000x128xf32>
    %add3A_19 = arith.constant 1.000000e+00 : f32
    %add3A_20 = vector.broadcast %add3A_19 : f32 to vector<4000x128xf32>
    %add3A_21 = arith.addf %add3A_20, %erf3A : vector<4000x128xf32>
    %mul3A_22 = arith.mulf %mul3A_15, %add3A_21 : vector<4000x128xf32>
    %swap3A = arith.constant 0 : index
    %swap3A_23 = arith.constant 0 : index
    %swap3A_24 = vector.load %arg5[%swap3A, %swap3A_23] : memref<4000x128xf32, #tpu.memory_space<vmem>>, vector<4000x128xf32>
    tpu.vector_store %arg5[%swap3A, %swap3A_23], %mul3A_22 {strides = array<i32>} : memref<4000x128xf32, #tpu.memory_space<vmem>>, vector<4000x128xf32>,
    return
  }
  func.func @transform_0(%arg0: i32) -> (i32, i32) {
    %add3A = arith.constant 0 : i32
    %add3A_0 = arith.addi %arg0, %add3A : i32
    %c0_i32 = arith.constant 0 : i32
    %c0_i32_1 = arith.constant 0 : i32
    return %add3A_0, %c0_i32 : i32, i32
  }
  func.func @transform_1(%arg0: i32) -> (i32, i32) {
    %c0_i32 = arith.constant 0 : i32
    %c0_i32_0 = arith.constant 0 : i32
    return %arg0, %c0_i32 : i32, i32
  }
  func.func @transform_2(%arg0: i32) -> (i32, i32) {
    %c0_i32 = arith.constant 0 : i32
    %c0_i32_0 = arith.constant 0 : i32
    %c0_i32_1 = arith.constant 0 : i32
    return %c0_i32, %c0_i32_0 : i32, i32
  }
  func.func @transform_3(%arg0: i32) -> (i32, i32) {
    %c0_i32 = arith.constant 0 : i32
    %c0_i32_0 = arith.constant 0 : i32
    %c0_i32_1 = arith.constant 0 : i32
    return %c0_i32, %c0_i32_0 : i32, i32
  }
  func.func @transform_4(%arg0: i32) -> (i32, i32) {
    %c0_i32 = arith.constant 0 : i32
    %c0_i32_0 = arith.constant 0 : i32
    return %arg0, %c0_i32 : i32, i32
  }
}

module attributes {stable_mosaic.version = 14 : i64} {
  func.func @_node_body(%arg0: i32, %arg1: memref<2000x128xf32, #tpu.memory_space<vmem>>, %arg2: memref<2000x128xf32, #tpu.memory_space<vmem>>, %arg3: memref<2000x128xf32, #tpu.memory_space<vmem>>, %arg4: memref<2000x128xf32, #tpu.memory_space<vmem>>, %arg5: memref<2000x128xf32, #tpu.memory_space<vmem>>, %arg6: memref<2000x128xf32, #tpu.memory_space<vmem>>, %arg7: memref<2000x128xf32, #tpu.memory_space<vmem>>, %arg8: memref<128x128xf32, #tpu.memory_space<vmem>>, %arg9: memref<1x128xf32, #tpu.memory_space<vmem>>, %arg10: memref<128x512xf32, #tpu.memory_space<vmem>>, %arg11: memref<128x512xf32, #tpu.memory_space<vmem>>, %arg12: memref<1x512xf32, #tpu.memory_space<vmem>>, %arg13: memref<512x128xf32, #tpu.memory_space<vmem>>, %arg14: memref<1x128xf32, #tpu.memory_space<vmem>>, %arg15: memref<1x128xf32, #tpu.memory_space<vmem>>, %arg16: memref<1x128xf32, #tpu.memory_space<vmem>>, %arg17: memref<2000x128xf32, #tpu.memory_space<vmem>>) attributes {dimension_semantics = [#tpu.dimension_semantics<arbitrary>], iteration_bounds = array<i64: 5>, scalar_prefetch = 0 : i64, scratch_operands = 0 : i64, tpu.core_type = #tpu.core_type<tc>, window_params = [{transform_indices = @transform_0, window_bounds = array<i64: 2000, 128>}, {transform_indices = @transform_1, window_bounds = array<i64: 2000, 128>}, {transform_indices = @transform_2, window_bounds = array<i64: 2000, 128>}, {transform_indices = @transform_3, window_bounds = array<i64: 2000, 128>}, {transform_indices = @transform_4, window_bounds = array<i64: 2000, 128>}, {transform_indices = @transform_5, window_bounds = array<i64: 2000, 128>}, {transform_indices = @transform_6, window_bounds = array<i64: 2000, 128>}, {pipeline_mode = #tpu.pipeline_mode<synchronous>, transform_indices = @transform_7, window_bounds = array<i64: 128, 128>}, {pipeline_mode = #tpu.pipeline_mode<synchronous>, transform_indices = @transform_8, window_bounds = array<i64: 1, 128>}, {pipeline_mode = #tpu.pipeline_mode<synchronous>, transform_indices = @transform_9, window_bounds = array<i64: 128, 512>}, {pipeline_mode = #tpu.pipeline_mode<synchronous>, transform_indices = @transform_10, window_bounds = array<i64: 128, 512>}, {pipeline_mode = #tpu.pipeline_mode<synchronous>, transform_indices = @transform_11, window_bounds = array<i64: 1, 512>}, {pipeline_mode = #tpu.pipeline_mode<synchronous>, transform_indices = @transform_12, window_bounds = array<i64: 512, 128>}, {pipeline_mode = #tpu.pipeline_mode<synchronous>, transform_indices = @transform_13, window_bounds = array<i64: 1, 128>}, {pipeline_mode = #tpu.pipeline_mode<synchronous>, transform_indices = @transform_14, window_bounds = array<i64: 1, 128>}, {pipeline_mode = #tpu.pipeline_mode<synchronous>, transform_indices = @transform_15, window_bounds = array<i64: 1, 128>}, {transform_indices = @transform_16, window_bounds = array<i64: 2000, 128>}]} {
    %get3A = arith.constant 0 : index
    %get3A_0 = arith.constant 0 : index
    %get3A_1 = vector.load %arg2[%get3A, %get3A_0] : memref<2000x128xf32, #tpu.memory_space<vmem>>, vector<2000x128xf32>
    %get3A_2 = arith.constant 0 : index
    %get3A_3 = arith.constant 0 : index
    %get3A_4 = vector.load %arg3[%get3A_2, %get3A_3] : memref<2000x128xf32, #tpu.memory_space<vmem>>, vector<2000x128xf32>
    %add3A = arith.addf %get3A_1, %get3A_4 : vector<2000x128xf32>
    %get3A_5 = arith.constant 0 : index
    %get3A_6 = arith.constant 0 : index
    %get3A_7 = vector.load %arg4[%get3A_5, %get3A_6] : memref<2000x128xf32, #tpu.memory_space<vmem>>, vector<2000x128xf32>
    %get3A_8 = arith.constant 0 : index
    %get3A_9 = arith.constant 0 : index
    %get3A_10 = vector.load %arg5[%get3A_8, %get3A_9] : memref<2000x128xf32, #tpu.memory_space<vmem>>, vector<2000x128xf32>
    %add3A_11 = arith.addf %get3A_7, %get3A_10 : vector<2000x128xf32>
    %add3A_12 = arith.addf %add3A, %add3A_11 : vector<2000x128xf32>
    %get3A_13 = arith.constant 0 : index
    %get3A_14 = arith.constant 0 : index
    %get3A_15 = vector.load %arg6[%get3A_13, %get3A_14] : memref<2000x128xf32, #tpu.memory_space<vmem>>, vector<2000x1xf32>
    %get3A_16 = arith.constant 0 : index
    %get3A_17 = arith.constant 0 : index
    %get3A_18 = vector.load %arg7[%get3A_16, %get3A_17] : memref<2000x128xf32, #tpu.memory_space<vmem>>, vector<2000x1xf32>
    %add3A_19 = arith.addf %get3A_15, %get3A_18 : vector<2000x1xf32>
    %get3A_20 = arith.constant 0 : index
    %get3A_21 = arith.constant 0 : index
    %get3A_22 = vector.load %arg8[%get3A_20, %get3A_21] : memref<128x128xf32, #tpu.memory_space<vmem>>, vector<128x128xf32>
    %dot_general3A = arith.constant dense<0.000000e+00> : vector<2000x128xf32>
    %dot_general3A_23 = tpu.matmul %add3A_12, %get3A_22, %dot_general3A {dimension_numbers = #tpu.dot_dimension_numbers<[1], [0], [0], [1], [0, 0, 1, 1], [], []>, transpose_lhs_hint = false} : vector<2000x128xf32>, vector<128x128xf32>, vector<2000x128xf32> -> vector<2000x128xf32>
    %max3A = arith.constant 1.000000e+00 : f32
    %max3A_24 = vector.broadcast %max3A : f32 to vector<2000x1xf32>
    %max3A_25 = arith.maximumf %add3A_19, %max3A_24 : vector<2000x1xf32>
    %div3A = vector.broadcast %max3A_25 : vector<2000x1xf32> to vector<2000x128xf32>
    %div3A_26 = arith.divf %dot_general3A_23, %div3A : vector<2000x128xf32>
    %gt3A = arith.constant 0.000000e+00 : f32
    %gt3A_27 = vector.broadcast %gt3A : f32 to vector<2000x1xf32>
    %gt3A_28 = arith.cmpf ogt, %add3A_19, %gt3A_27 : vector<2000x1xf32>
    %jit3A = arith.constant 1.000000e+00 : f32
    %jit3A_29 = arith.constant 0.000000e+00 : f32
    %broadcast_in_dim3A = vector.broadcast %jit3A : f32 to vector<2000x1xf32>
    %broadcast_in_dim3A_30 = vector.broadcast %jit3A_29 : f32 to vector<2000x1xf32>
    %select_n3A = arith.select %gt3A_28, %broadcast_in_dim3A, %broadcast_in_dim3A_30 : vector<2000x1xi1>, vector<2000x1xf32>
    %get3A_31 = arith.constant 0 : index
    %get3A_32 = arith.constant 0 : index
    %get3A_33 = vector.load %arg9[%get3A_31, %get3A_32] : memref<1x128xf32, #tpu.memory_space<vmem>>, vector<1x128xf32>
    %mul3A = vector.broadcast %select_n3A : vector<2000x1xf32> to vector<2000x128xf32>
    %mul3A_34 = vector.broadcast %get3A_33 : vector<1x128xf32> to vector<2000x128xf32>
    %mul3A_35 = arith.mulf %mul3A, %mul3A_34 : vector<2000x128xf32>
    %add3A_36 = arith.addf %div3A_26, %mul3A_35 : vector<2000x128xf32>
    %get3A_37 = arith.constant 0 : index
    %get3A_38 = arith.constant 0 : index
    %get3A_39 = vector.load %arg1[%get3A_37, %get3A_38] : memref<2000x128xf32, #tpu.memory_space<vmem>>, vector<2000x128xf32>
    %get3A_40 = arith.constant 0 : index
    %get3A_41 = arith.constant 0 : index
    %get3A_42 = vector.load %arg10[%get3A_40, %get3A_41] : memref<128x512xf32, #tpu.memory_space<vmem>>, vector<128x512xf32>
    %dot_general3A_43 = arith.constant dense<0.000000e+00> : vector<2000x512xf32>
    %dot_general3A_44 = tpu.matmul %get3A_39, %get3A_42, %dot_general3A_43 {dimension_numbers = #tpu.dot_dimension_numbers<[1], [0], [0], [1], [0, 0, 1, 1], [], []>, transpose_lhs_hint = false} : vector<2000x128xf32>, vector<128x512xf32>, vector<2000x512xf32> -> vector<2000x512xf32>
    %get3A_45 = arith.constant 0 : index
    %get3A_46 = arith.constant 0 : index
    %get3A_47 = vector.load %arg11[%get3A_45, %get3A_46] : memref<128x512xf32, #tpu.memory_space<vmem>>, vector<128x512xf32>
    %dot_general3A_48 = arith.constant dense<0.000000e+00> : vector<2000x512xf32>
    %dot_general3A_49 = tpu.matmul %add3A_36, %get3A_47, %dot_general3A_48 {dimension_numbers = #tpu.dot_dimension_numbers<[1], [0], [0], [1], [0, 0, 1, 1], [], []>, transpose_lhs_hint = false} : vector<2000x128xf32>, vector<128x512xf32>, vector<2000x512xf32> -> vector<2000x512xf32>
    %add3A_50 = arith.addf %dot_general3A_44, %dot_general3A_49 : vector<2000x512xf32>
    %get3A_51 = arith.constant 0 : index
    %get3A_52 = arith.constant 0 : index
    %get3A_53 = vector.load %arg12[%get3A_51, %get3A_52] : memref<1x512xf32, #tpu.memory_space<vmem>>, vector<1x512xf32>
    %add3A_54 = vector.broadcast %get3A_53 : vector<1x512xf32> to vector<2000x512xf32>
    %add3A_55 = arith.addf %add3A_50, %add3A_54 : vector<2000x512xf32>
    %mul3A_56 = arith.constant 5.000000e-01 : f32
    %mul3A_57 = vector.broadcast %mul3A_56 : f32 to vector<2000x512xf32>
    %mul3A_58 = arith.mulf %mul3A_57, %add3A_55 : vector<2000x512xf32>
    %mul3A_59 = arith.constant 0.707106769 : f32
    %mul3A_60 = vector.broadcast %mul3A_59 : f32 to vector<2000x512xf32>
    %mul3A_61 = arith.mulf %add3A_55, %mul3A_60 : vector<2000x512xf32>
    %erf3A = math.erf %mul3A_61 : vector<2000x512xf32>
    %add3A_62 = arith.constant 1.000000e+00 : f32
    %add3A_63 = vector.broadcast %add3A_62 : f32 to vector<2000x512xf32>
    %add3A_64 = arith.addf %add3A_63, %erf3A : vector<2000x512xf32>
    %mul3A_65 = arith.mulf %mul3A_58, %add3A_64 : vector<2000x512xf32>
    %get3A_66 = arith.constant 0 : index
    %get3A_67 = arith.constant 0 : index
    %get3A_68 = vector.load %arg13[%get3A_66, %get3A_67] : memref<512x128xf32, #tpu.memory_space<vmem>>, vector<512x128xf32>
    %dot_general3A_69 = arith.constant dense<0.000000e+00> : vector<2000x128xf32>
    %dot_general3A_70 = tpu.matmul %mul3A_65, %get3A_68, %dot_general3A_69 {dimension_numbers = #tpu.dot_dimension_numbers<[1], [0], [0], [1], [0, 0, 1, 1], [], []>, transpose_lhs_hint = false} : vector<2000x512xf32>, vector<512x128xf32>, vector<2000x128xf32> -> vector<2000x128xf32>
    %get3A_71 = arith.constant 0 : index
    %get3A_72 = arith.constant 0 : index
    %get3A_73 = vector.load %arg14[%get3A_71, %get3A_72] : memref<1x128xf32, #tpu.memory_space<vmem>>, vector<1x128xf32>
    %add3A_74 = vector.broadcast %get3A_73 : vector<1x128xf32> to vector<2000x128xf32>
    %add3A_75 = arith.addf %dot_general3A_70, %add3A_74 : vector<2000x128xf32>
    %get3A_76 = arith.constant 0 : index
    %get3A_77 = arith.constant 0 : index
    %get3A_78 = vector.load %arg1[%get3A_76, %get3A_77] : memref<2000x128xf32, #tpu.memory_space<vmem>>, vector<2000x128xf32>
    %add3A_79 = arith.addf %get3A_78, %add3A_75 : vector<2000x128xf32>
    %reduce_sum3A = arith.constant dense<0.000000e+00> : vector<2000xf32>
    %reduce_sum3A_80 = vector.multi_reduction <add>, %add3A_79, %reduce_sum3A [1] : vector<2000x128xf32> to vector<2000xf32>
    %broadcast_in_dim3A_81 = vector.shape_cast %reduce_sum3A_80 : vector<2000xf32> to vector<2000x1xf32>
    %div3A_82 = arith.constant 1.280000e+02 : f32
    %div3A_83 = vector.broadcast %div3A_82 : f32 to vector<2000x1xf32>
    %div3A_84 = arith.divf %broadcast_in_dim3A_81, %div3A_83 : vector<2000x1xf32>
    %sub3A = vector.broadcast %div3A_84 : vector<2000x1xf32> to vector<2000x128xf32>
    %sub3A_85 = arith.subf %add3A_79, %sub3A : vector<2000x128xf32>
    %mul3A_86 = arith.mulf %sub3A_85, %sub3A_85 : vector<2000x128xf32>
    %reduce_sum3A_87 = arith.constant dense<0.000000e+00> : vector<2000xf32>
    %reduce_sum3A_88 = vector.multi_reduction <add>, %mul3A_86, %reduce_sum3A_87 [1] : vector<2000x128xf32> to vector<2000xf32>
    %broadcast_in_dim3A_89 = vector.shape_cast %reduce_sum3A_88 : vector<2000xf32> to vector<2000x1xf32>
    %div3A_90 = arith.constant 1.280000e+02 : f32
    %div3A_91 = vector.broadcast %div3A_90 : f32 to vector<2000x1xf32>
    %div3A_92 = arith.divf %broadcast_in_dim3A_89, %div3A_91 : vector<2000x1xf32>
    %add3A_93 = arith.constant 9.99999974E-6 : f32
    %add3A_94 = vector.broadcast %add3A_93 : f32 to vector<2000x1xf32>
    %add3A_95 = arith.addf %div3A_92, %add3A_94 : vector<2000x1xf32>
    %rsqrt3A = math.rsqrt %add3A_95 : vector<2000x1xf32>
    %mul3A_96 = vector.broadcast %rsqrt3A : vector<2000x1xf32> to vector<2000x128xf32>
    %mul3A_97 = arith.mulf %sub3A_85, %mul3A_96 : vector<2000x128xf32>
    %get3A_98 = arith.constant 0 : index
    %get3A_99 = arith.constant 0 : index
    %get3A_100 = vector.load %arg15[%get3A_98, %get3A_99] : memref<1x128xf32, #tpu.memory_space<vmem>>, vector<1x128xf32>
    %mul3A_101 = vector.broadcast %get3A_100 : vector<1x128xf32> to vector<2000x128xf32>
    %mul3A_102 = arith.mulf %mul3A_97, %mul3A_101 : vector<2000x128xf32>
    %get3A_103 = arith.constant 0 : index
    %get3A_104 = arith.constant 0 : index
    %get3A_105 = vector.load %arg16[%get3A_103, %get3A_104] : memref<1x128xf32, #tpu.memory_space<vmem>>, vector<1x128xf32>
    %add3A_106 = vector.broadcast %get3A_105 : vector<1x128xf32> to vector<2000x128xf32>
    %add3A_107 = arith.addf %mul3A_102, %add3A_106 : vector<2000x128xf32>
    %swap3A = arith.constant 0 : index
    %swap3A_108 = arith.constant 0 : index
    %swap3A_109 = vector.load %arg17[%swap3A, %swap3A_108] : memref<2000x128xf32, #tpu.memory_space<vmem>>, vector<2000x128xf32>
    tpu.vector_store %arg17[%swap3A, %swap3A_108], %add3A_107 {strides = array<i32>} : memref<2000x128xf32, #tpu.memory_space<vmem>>, vector<2000x128xf32>,
    return
  }
  func.func @transform_0(%arg0: i32) -> (i32, i32) {
    %c0_i32 = arith.constant 0 : i32
    %c0_i32_0 = arith.constant 0 : i32
    return %arg0, %c0_i32 : i32, i32
  }
  func.func @transform_1(%arg0: i32) -> (i32, i32) {
    %c0_i32 = arith.constant 0 : i32
    %c0_i32_0 = arith.constant 0 : i32
    return %arg0, %c0_i32 : i32, i32
  }
  func.func @transform_2(%arg0: i32) -> (i32, i32) {
    %c0_i32 = arith.constant 0 : i32
    %c0_i32_0 = arith.constant 0 : i32
    return %arg0, %c0_i32 : i32, i32
  }
  func.func @transform_3(%arg0: i32) -> (i32, i32) {
    %c0_i32 = arith.constant 0 : i32
    %c0_i32_0 = arith.constant 0 : i32
    return %arg0, %c0_i32 : i32, i32
  }
  func.func @transform_4(%arg0: i32) -> (i32, i32) {
    %c0_i32 = arith.constant 0 : i32
    %c0_i32_0 = arith.constant 0 : i32
    return %arg0, %c0_i32 : i32, i32
  }
  func.func @transform_5(%arg0: i32) -> (i32, i32) {
    %c0_i32 = arith.constant 0 : i32
    %c0_i32_0 = arith.constant 0 : i32
    return %arg0, %c0_i32 : i32, i32
  }
  func.func @transform_6(%arg0: i32) -> (i32, i32) {
    %c0_i32 = arith.constant 0 : i32
    %c0_i32_0 = arith.constant 0 : i32
    return %arg0, %c0_i32 : i32, i32
  }
  func.func @transform_7(%arg0: i32) -> (i32, i32) {
    %c0_i32 = arith.constant 0 : i32
    %c0_i32_0 = arith.constant 0 : i32
    %c0_i32_1 = arith.constant 0 : i32
    return %c0_i32, %c0_i32_0 : i32, i32
  }
  func.func @transform_8(%arg0: i32) -> (i32, i32) {
    %c0_i32 = arith.constant 0 : i32
    %c0_i32_0 = arith.constant 0 : i32
    %c0_i32_1 = arith.constant 0 : i32
    return %c0_i32, %c0_i32_0 : i32, i32
  }
  func.func @transform_9(%arg0: i32) -> (i32, i32) {
    %c0_i32 = arith.constant 0 : i32
    %c0_i32_0 = arith.constant 0 : i32
    %c0_i32_1 = arith.constant 0 : i32
    return %c0_i32, %c0_i32_0 : i32, i32
  }
  func.func @transform_10(%arg0: i32) -> (i32, i32) {
    %c0_i32 = arith.constant 0 : i32
    %c0_i32_0 = arith.constant 0 : i32
    %c0_i32_1 = arith.constant 0 : i32
    return %c0_i32, %c0_i32_0 : i32, i32
  }
  func.func @transform_11(%arg0: i32) -> (i32, i32) {
    %c0_i32 = arith.constant 0 : i32
    %c0_i32_0 = arith.constant 0 : i32
    %c0_i32_1 = arith.constant 0 : i32
    return %c0_i32, %c0_i32_0 : i32, i32
  }
  func.func @transform_12(%arg0: i32) -> (i32, i32) {
    %c0_i32 = arith.constant 0 : i32
    %c0_i32_0 = arith.constant 0 : i32
    %c0_i32_1 = arith.constant 0 : i32
    return %c0_i32, %c0_i32_0 : i32, i32
  }
  func.func @transform_13(%arg0: i32) -> (i32, i32) {
    %c0_i32 = arith.constant 0 : i32
    %c0_i32_0 = arith.constant 0 : i32
    %c0_i32_1 = arith.constant 0 : i32
    return %c0_i32, %c0_i32_0 : i32, i32
  }
  func.func @transform_14(%arg0: i32) -> (i32, i32) {
    %c0_i32 = arith.constant 0 : i32
    %c0_i32_0 = arith.constant 0 : i32
    %c0_i32_1 = arith.constant 0 : i32
    return %c0_i32, %c0_i32_0 : i32, i32
  }
  func.func @transform_15(%arg0: i32) -> (i32, i32) {
    %c0_i32 = arith.constant 0 : i32
    %c0_i32_0 = arith.constant 0 : i32
    %c0_i32_1 = arith.constant 0 : i32
    return %c0_i32, %c0_i32_0 : i32, i32
  }
  func.func @transform_16(%arg0: i32) -> (i32, i32) {
    %c0_i32 = arith.constant 0 : i32
    %c0_i32_0 = arith.constant 0 : i32
    return %arg0, %c0_i32 : i32, i32
  }
}

</mosaic_0001>

<sc_bundles>
// kernel: kernel.11.cloned.1.call-start
scs
__scs_entry_jumppad:
0x0: {  	(pc) =	sbr.rel $0x88, $3  }
0x1: {  	(tag) =	ssettag $0x0;
	lr =	simm.s32 $0x1  }
0x2: {  	[smem:$0x3F93] =	sst lr;
	_ =	strace $0xD0000000  }
0x3: {  	_ = 	snop  }
0x4: {  	_ = 	snop  }
0x5: {  	_ = 	snop  }
0x6: {  	_ = 	snop  }
0x7: {  	_ = 	snop  }
__scs_overlays_trampoline_lowered:
0x8: {  	[smem:$0x3FA2] =	sst s0  }
0x9: {  	[smem:$0x3FA3] =	sst s1  }
0xa: {  	[smem:$0x3FA4] =	sst s2  }
0xb: {  	[smem:$0x3FA5] =	sst s3  }
0xc: {  	[smem:$0x3FA6] =	sst s4  }
0xd: {  	[smem:$0x3FA7] =	sst s5  }
0xe: {  	[smem:$0x3FA8] =	sst s6  }
0xf: {  	[smem:$0x3FA9] =	sst s7  }
0x10: {  	[smem:$0x3FAA] =	sst s8  }
0x11: {  	[smem:$0x3FAB] =	sst s9;
	s0 =	simm.s32 @!p0 $0x0  }
0x12: {  	s1 =	sld [smem:$0x3F91];
	s0 =	simm.s32 @p0 $0x1  }
0x13: {  	[smem:$0x3FAC] =	sst s0;
	s0 =	simm.s32 @!p1 $0x0  }
0x14: {  	s2 =	sld [smem:$0x3F90];
	s0 =	simm.s32 @p1 $0x1  }
0x15: {  	[smem:$0x3FAD] =	sst s0;
	s0 =	simm.s32 @!p2 $0x0  }
0x16: {  	s3 =	sld [smem:$0x3FDB];
	s0 =	simm.s32 @p2 $0x1  }
0x17: {  	s4 =	simm.s32 $0x1BF5;
	[smem:$0x3FAF] =	sst s0  }
0x18: {  	s0 =	sld [smem:$0x3F92];
	_ =	swait.ge [sflag:s4], $0x0  }
0x19: {  	s7 =	sld [smem:$0x3F93]  }
0x1a: {  	s8 =	sadd.s32 $0xFFFFE003, lr  }
0x1b: {  	s9 =	sadd.s32 $0xFFFFFEF7, lr;
	s5 =	simm.s32 $0xFFFFFFFF;
	p2 =	slt.u32 s8, $0xFFFFF086  }
0x1c: {  	p1 =	slt.u32 s9, $0xF7A;
	s5 =	simm.s32 @!p2 $0x0  }
0x1d: {  	s5 =	simm.s32 @p1 $0x1;
	p0 =	seq.s32 s7, s2  }
0x1e: {  	s7 =	smul.u32 @!p0 $0xF7A, s2;
	p2 =	seq.s32 @!p0 s5, $0x0  }
0x1f: {  	s9 =	smul.u32 $0xF7A, s1;
	s8 =	simm.s32 @!p0 $0x1BF5;
	p2 =	por !p2, p0  }
0x20: {  	[sflag:s8] =	ssyncset.s32 @!p0 $0xFFFFF086;
	s6 =	sadd.s32 @!p0 s3, s7;
	s7 =	simm.s32 @!p0 $0x108  }
0x21: {  	s3 =	sadd.s32 s3, s9;
	s6 =	sadd.s32 @!p0 $0x88, s6;
	s7 =	simm.s32 @p2 $0x1082  }
0x22: {  	[simem:s7], [sflag:s8] =	dma.local @!p0 [hbm:s6], $0xF7A  }
0x23: {  	s9 =	sor.u32 $0xD0000000, s2;
	s6 =	simm.s32 $0x108;
	_ =	swait.ge @!p0 [sflag:s8], $0x0  }
0x24: {  	s3 =	sadd.s32 $0x88, s3;
	s6 =	simm.s32 @!p1 $0x1082;
	[sflag:s4] =	ssyncset.s32 $0xFFFFF086  }
0x25: {  	[simem:s6], [sflag:s4] =	dma.local [hbm:s3], $0xF7A  }
0x26: {  	[smem:$0x3F93] =	sst s1;
	(tag) =	ssettag s2;
	_ =	strace s9  }
0x27: {  	s1 =	sld [smem:$0x3FA3]  }
0x28: {  	s2 =	sld [smem:$0x3FA4]  }
0x29: {  	s4 =	sld [smem:$0x3FA6]  }
0x2a: {  	p0 =	seq.s32 s5, $0x0;
	s5 =	sld [smem:$0x3FA7]  }
0x2b: {  	s6 =	sld [smem:$0x3FA8]  }
0x2c: {  	s7 =	sld [smem:$0x3FA9]  }
0x2d: {  	s3 =	simm.s32 $0x108;
	s8 =	sld [smem:$0x3FAA]  }
0x2e: {  	s3 =	simm.s32 @!p0 $0x1082;
	s9 =	sld [smem:$0x3FAB]  }
0x2f: {  	lr =	sadd.s32 s0, s3;
	s0 =	sld [smem:$0x3FA2]  }
0x30: {  	s3 =	sld [smem:$0x3FA5]  }
0x31: {  	[smem:$0x3FAE] =	sst s10  }
0x32: {  	s10 =	sld [smem:$0x3FAC];
	_ =	sdelay $0x3  }
0x33: {  	p0 =	seq.s32 s10, $0x1;
	s10 =	sld [smem:$0x3FAE];
	_ =	sdelay $0x3  }
0x34: {  	[smem:$0x3FAE] =	sst s10  }
0x35: {  	s10 =	sld [smem:$0x3FAD];
	_ =	sdelay $0x3  }
0x36: {  	p1 =	seq.s32 s10, $0x1;
	s10 =	sld [smem:$0x3FAE];
	_ =	sdelay $0x3  }
0x37: {  	[smem:$0x3FAE] =	sst s10  }
0x38: {  	s10 =	sld [smem:$0x3FAF]  }
0x39: {  	_ = 	snop;
	(pc) =	sbr.ind lr, $3  }
0x3a: {  	_ = 	snop  }
0x3b: {  	_ = 	snop  }
0x3c: {  	p2 =	seq.s32 s10, $0x1;
	s10 =	sld [smem:$0x3FAE]  }
0x3d: {  	_ =	shalt  }
0x3e: {  	_ =	shalt  }
0x3f: {  	_ =	shalt  }
0x40: {  	_ =	shalt  }
0x41: {  	_ =	shalt  }
0x42: {  	_ =	shalt  }
0x43: {  	_ =	shalt  }
0x44: {  	_ =	shalt  }
0x45: {  	_ =	shalt  }
0x46: {  	_ =	shalt  }
0x47: {  	_ =	shalt  }
0x48: {  	_ =	shalt  }
0x49: {  	_ =	shalt  }
0x4a: {  	_ =	shalt  }
0x4b: {  	_ =	shalt  }
0x4c: {  	_ =	shalt  }
0x4d: {  	_ =	shalt  }
0x4e: {  	_ =	shalt  }
0x4f: {  	_ =	shalt  }
0x50: {  	_ =	shalt  }
0x51: {  	_ =	shalt  }
0x52: {  	_ =	shalt  }
0x53: {  	_ =	shalt  }
0x54: {  	_ =	shalt  }
0x55: {  	_ =	shalt  }
0x56: {  	_ =	shalt  }
0x57: {  	_ =	shalt  }
0x58: {  	_ =	shalt  }
0x59: {  	_ =	shalt  }
0x5a: {  	_ =	shalt  }
0x5b: {  	_ =	shalt  }
0x5c: {  	_ =	shalt  }
0x5d: {  	_ =	shalt  }
0x5e: {  	_ =	shalt  }
0x5f: {  	_ =	shalt  }
0x60: {  	_ =	shalt  }
0x61: {  	_ =	shalt  }
0x62: {  	_ =	shalt  }
0x63: {  	_ =	shalt  }
0x64: {  	_ =	shalt  }
0x65: {  	_ =	shalt  }
0x66: {  	_ =	shalt  }
0x67: {  	_ =	shalt  }
0x68: {  	_ =	shalt  }
0x69: {  	_ =	shalt  }
0x6a: {  	_ =	shalt  }
0x6b: {  	_ =	shalt  }
0x6c: {  	_ =	shalt  }
0x6d: {  	_ =	shalt  }
0x6e: {  	_ =	shalt  }
0x6f: {  	_ =	shalt  }
0x70: {  	_ =	shalt  }
0x71: {  	_ =	shalt  }
0x72: {  	_ =	shalt  }
0x73: {  	_ =	shalt  }
0x74: {  	_ =	shalt  }
0x75: {  	_ =	shalt  }
0x76: {  	_ =	shalt  }
0x77: {  	_ =	shalt  }
0x78: {  	_ =	shalt  }
0x79: {  	_ =	shalt  }
0x7a: {  	_ =	shalt  }
0x7b: {  	_ =	shalt  }
0x7c: {  	_ =	shalt  }
0x7d: {  	_ =	shalt  }
0x7e: {  	_ =	shalt  }
0x7f: {  	_ =	shalt  }
0x80: {  	_ =	shalt  }
0x81: {  	_ =	shalt  }
0x82: {  	_ =	shalt  }
0x83: {  	_ =	shalt  }
0x84: {  	_ =	shalt  }
0x85: {  	_ =	shalt  }
0x86: {  	_ =	shalt  }
0x87: {  	_ =	shalt  }
.Lfunc_end0:
.L_simem_size_0:
called_computation_lowered:
.L_overlay_start_0:
0x88: {  	s2 =	sld [smem:$0x3FD9]  }
0x89: {  	s3 =	sld [smem:$0x3FFE];
	_ =	sdelay $0x1  }
0x8a: {  	s1 =	srdreg.scid  }
0x8b: {  	s0 =	sand.u32 $0x1, s1  }
0x8c: {  	s17 =	sshll.u32 s0, $0xA;
	s2 =	sadd.s32 s3, s2  }
0x8d: {  	s2 =	sadd.s32 s2, s17  }
0x8e: {  	[smem:$0x3FBA] =	sst s2  }
0x8f: {  	_ = 	snop  }
0x90: {  	s18 =	sld [smem:$0x3FD0];
	(tm) =	ssettm $0x1  }
0x91: {  	s19 =	sld [smem:$0x3FFB];
	_ =	sdelay $0x3  }
0x92: {  	_ =	strace s19  }
0x93: {  	s2 =	sld [smem:$0x3FFC];
	_ =	sdelay $0x3  }
0x94: {  	_ =	strace s2  }
0x95: {  	s2 =	sld [smem:$0x3FFD];
	_ =	sdelay $0x3  }
0x96: {  	_ =	strace s2  }
0x97: {  	_ =	strace $0x8FFFFFFF  }
0x98: {  	s20 =	sld [smem:$0x3FDB];
	_ =	sdelay $0x1  }
0x99: {  	s4 =	simm.s32 $_scs_section_size  }
0x9a: {  	s5 =	simm.s32 $_size__tile_overlayer_lowered;
	s6 =	simm.s32 $_tile_overlayer_lowered  }
0x9b: {  	s7 =	simm.s32 $0x1BFF;
	s21 =	sshll.u32 s6, $0x1;
	s4 =	sadd.s32 s4, s20  }
0x9c: {  	s22 =	simm.s32 $0x0;
	s5 =	sshll.u32 s5, $0x1;
	s6 =	sadd.s32 s21, s4  }
0x9d: {  	[timem:s22], [sflag:s7] =	dma.local [hbm:s6], s5  }
0x9e: {  	_ =	swait.ge [sflag:s7], s5  }
0x9f: {  	s5 =	ssub.s32 $0x0, s5;
	[sflag:s7] =	ssyncset.done $0x0  }
0xa0: {  	[sflag:s7] =	ssyncadd.s32 s5;
	_ =	sdelay $0x1  }
0xa1: {  	s23 =	simm.s32 $0x1B8B  }
0xa2: {  	_ =	swait.ge [sflag:s23], $0x1  }
0xa3: {  	[sflag:s23] =	ssyncset.done $0x0  }
0xa4: {  	[sflag:s23] =	ssyncadd.s32 $0xFFFFFFFF  }
0xa5: {  	s5 =	sld [smem:$0x0]  }
0xa6: {  	s6 =	sand.u32 $0xFFFFFFFE, s1  }
0xa7: {  	p0 =	sne.s32 s1, s6  }
0xa8: {  	s6 =	sshll.u32 @p0 s6, $0xE  }
0xa9: {  	s6 =	sadd.s32 @p0 $0x11B8D, s6;
	s7 =	sshll.u32 @p0 s5, $0x11  }
0xaa: {  	s6 =	sor.u32 @p0 s7, s6  }
0xab: {  	[sflag:s6] =	ssyncadd.remote.s32 @p0 $0x1;
	_ =	sdelay $0x1  }
0xac: {  	s6 =	simm.s32 @p0 $0x1B8D  }
0xad: {  	_ =	swait.eq @p0 [sflag:s6], $0x1  }
0xae: {  	[sflag:s6] =	ssyncadd.s32 @p0 $0xFFFFFFFF  }
0xaf: {  	s7 =	sshll.u32 @!p0 s1, $0xE  }
0xb0: {  	s7 =	sor.u32 @!p0 $0x4000, s7;
	s6 =	simm.s32 @!p0 $0x1B8D  }
0xb1: {  	s5 =	sshll.u32 @!p0 s5, $0x11;
	s7 =	sadd.s32 @!p0 $0x11B8D, s7;
	_ =	swait.eq @!p0 [sflag:s6], $0x1  }
0xb2: {  	s5 =	sor.u32 @!p0 s5, s7;
	[sflag:s6] =	ssyncadd.s32 @!p0 $0xFFFFFFFF  }
0xb3: {  	s25 =	simm.s32 $0x1B8E;
	s24 =	sld [smem:$0x3FFE];
	[sflag:s5] =	ssyncadd.remote.s32 @!p0 $0x1  }
0xb4: {  	s26 =	simm.s32 $execute0_lowered;
	[smem:$0x3FD2] =	sst s25  }
0xb5: {  	s6 =	sshll.u32 s26, $0x1;
	_ =	strace $0x8000004C;
	[dreg:$0x1] =	wrdreg $0xFFFFFFFF  }
0xb6: {  	s28 =	simm.s32 $_size_execute0_lowered;
	s4 =	sadd.s32 s4, s6;
	[dreg:$0x0] =	wrdreg $0x0  }
0xb7: {  	s6 =	sshll.u32 s28, $0x1;
	[dreg:$0x2] =	wrdreg s4  }
0xb8: {  	[dreg:$0x3] =	wrdreg s6  }
0xb9: {  	[dreg:$0x4] =	wrdreg $0xC0  }
0xba: {  	_ =	task [dreg:s22], $0x5FFFF  }
0xbb: {  	[dreg:$0x1] =	wrdreg $0xFFFFFFFF  }
0xbc: {  	[dreg:$0x0] =	wrdreg $0x60  }
0xbd: {  	[dreg:$0x2] =	wrdreg s18  }
0xbe: {  	[dreg:$0x3] =	wrdreg s24  }
0xbf: {  	[dreg:$0x4] =	wrdreg $0x9  }
0xc0: {  	_ =	task.clear_ibuf [dreg:s22], $0x5FFFF;
	_ =	strace $0x9000004C  }
0xc1: {  	s29 =	simm.s32 $0x9;
	_ =	strace $0x8000004E  }
0xc2: {  	_ =	swait.ge [sflag:s29], $0x1  }
0xc3: {  	[sflag:s29] =	ssyncadd.s32 $0xFFFFFFFF  }
0xc4: {  	_ =	strace $0x9000004E  }
0xc5: {  	_ =	sfence  }
0xc6: {  	s30 =	sld [smem:$0x0];
	_ =	sdelay $0x2  }
0xc7: {  	s31 =	sshll.u32 s1, $0xD;
	s1 =	sshrl.u32 s1, $0x2  }
0xc8: {  	s4 =	sand.u32 $0x4000, s31;
	s1 =	sadd.s32 s1, s30  }
0xc9: {  	s0 =	sor.u32 s4, s0;
	s1 =	sshll.u32 s1, $0x11  }
0xca: {  	s0 =	sor.u32 s1, s0  }
0xcb: {  	s0 =	sadd.s32 $0x8F2B, s0  }
0xcc: {  	[sflag:s0] =	ssyncadd.remote.s32 $0x1  }
0xcd: {  	_ =	sfence.sel $0xFFFF  }
0xce: {  	[dreg:$0x0] =	wrdreg $0xFFFFFFFF;
	(pc) =	sbr.abs _section_cstart, $3  }
0xcf: {  	[dreg:$0x1] =	wrdreg $0xFFFFFFFF  }
0xd0: {  	_ =	task.clear_ibuf [dreg:s22], $0x2FFFF;
	_ =	strace $0x9FFFFFFF  }
0xd1: {  	(tm) =	ssettm $0x7FFFFFFF  }
tec
execute0_lowered:
.L_overlay_start_1:
0x0: {  	(tag) =	ssettag $0x1  }
0x1: {  	s1 =	rddreg [dreg:$0x0]  }
0x2: {  	s4 =	rddreg [dreg:$0x1]  }
0x3: {  	s0 =	rddreg [dreg:$0x2];
	s3 =	simm.s32 $0x0;
	s5 =	srdreg.scid  }
0x4: {  	s2 =	stileid.u32;
	s10 =	simm.s32 $0x5400;
	s11 =	simm.s32 $0x6800  }
0x5: {  	s12 =	simm.s32 $0x7C00;
	s13 =	simm.s32 $0x9000;
	s14 =	simm.s32 $0x1  }
0x6: {  	s15 =	simm.s32 $0x0;
	[smem:$0x7FF] =	sst s3;
	s5 =	sand.u32 $0x1, s5  }
0x7: {  	s6 =	sshll.u32 s2, $0xC;
	s7 =	smul.u32 $0x27100, s2;
	_ =	strace $0x8000004D  }
0x8: {  	s8 =	sshll.u32 s5, $0xB;
	s9 =	ssub.s32 $0x2, s5;
	s5 =	smul.u32 $0x13880, s5  }
0x9: {  	s6 =	sor.u32 s8, s6;
	s7 =	sadd.s32 s7, s4;
	s30 =	sshrl.u32 s9, $0x1  }
0xa: {  	s8 =	simm.s32 $0x28;
	s4 =	sadd.s32 s6, s4;
	s31 =	ssub.s32 s9, s30  }
0xb: {  	s7 =	sadd.s32 s5, s7;
	s9 =	simm.s32 $0x4000;
	s4 =	sadd.s32 $0x30CA00, s4  }
0xc: {  	s5 =	smax.u32 s31, $0x1;
	s6 =	sadd.s32 $0x31CA00, s7;
	s7 =	simm.s32 $0x2  }
.LBB2_1:
0xd: {  	[tilespmem:s3], [sflag:$0x2] =	stream.linear.gather [hbm4b:s4+s3], $0x3E80, $0x38;
	[tilespmem:$0xA400] =	vst v63  }
0xe: {  	_ =	swait.ge [sflag:s7], $0x3E80  }
0xf: {  	[sflag:s7] =	ssyncset.done $0x0  }
0x10: {  	[sflag:s7] =	ssyncadd.s32 $0xFFFFC180  }
0x11: {  	[tilespmem:s9], [sflag:$0x1] =	stream.indirect.gather [hbm4b:s1+s8], $0x80, s3, s8, $0xb8;
	[tilespmem:$0xA400] =	vst v63  }
0x12: {  	s16 =	simm.s32 $0x80  }
0x13: {  	[tilespmem:s10], [sflag:$0x1] =	stream.indirect.gather [hbm4b:s1+s8], $0x80, s16, s8, $0xb8;
	[tilespmem:$0xA400] =	vst v63  }
0x14: {  	s25 =	simm.s32 $0x100  }
0x15: {  	[tilespmem:s11], [sflag:$0x1] =	stream.indirect.gather [hbm4b:s1+s8], $0x80, s25, s8, $0xb8;
	[tilespmem:$0xA400] =	vst v63  }
0x16: {  	s26 =	simm.s32 $0x180  }
0x17: {  	[tilespmem:s12], [sflag:$0x1] =	stream.indirect.gather [hbm4b:s1+s8], $0x80, s26, s8, $0xb8;
	[tilespmem:$0xA400] =	vst v63  }
0x18: {  	s28 =	simm.s32 $0x200  }
0x19: {  	[tilespmem:s13], [sflag:$0x1] =	stream.indirect.gather [hbm4b:s1+s8], $0x80, s28, s8, $0xb8;
	[tilespmem:$0xA400] =	vst v63  }
0x1a: {  	_ =	swait.ge [sflag:s14], $0x1400  }
0x1b: {  	[sflag:s14] =	ssyncset.done $0x0  }
0x1c: {  	s29 =	sadd.s32 $0x0, s6;
	[sflag:s14] =	ssyncadd.s32 $0xFFFFEC00  }
0x1d: {  	[hbm4b:s29+s3] =	stream.linear.scatter [tilespmem:s9], [sflag:$0x2], $0x1400, $0x38;
	[tilespmem:$0xA400] =	vst v63  }
0x1e: {  	_ =	swait.ge [sflag:s7], $0x1400  }
0x1f: {  	[sflag:s7] =	ssyncset.done $0x0  }
0x20: {  	[sflag:s7] =	ssyncadd.s32 $0xFFFFEC00  }
0x21: {  	_ =	swait.ge [sflag:s14], $0x1400  }
0x22: {  	[sflag:s14] =	ssyncset.done $0x0  }
0x23: {  	s17 =	sadd.s32 $0x280, s29;
	[sflag:s14] =	ssyncadd.s32 $0xFFFFEC00  }
0x24: {  	[hbm4b:s17+s3] =	stream.linear.scatter [tilespmem:s10], [sflag:$0x2], $0x1400, $0x38;
	[tilespmem:$0xA400] =	vst v63  }
0x25: {  	_ =	swait.ge [sflag:s7], $0x1400  }
0x26: {  	[sflag:s7] =	ssyncset.done $0x0  }
0x27: {  	[sflag:s7] =	ssyncadd.s32 $0xFFFFEC00  }
0x28: {  	_ =	swait.ge [sflag:s14], $0x1400  }
0x29: {  	[sflag:s14] =	ssyncset.done $0x0  }
0x2a: {  	s30 =	sadd.s32 $0x500, s29;
	[sflag:s14] =	ssyncadd.s32 $0xFFFFEC00  }
0x2b: {  	[hbm4b:s30+s3] =	stream.linear.scatter [tilespmem:s11], [sflag:$0x2], $0x1400, $0x38;
	[tilespmem:$0xA400] =	vst v63  }
0x2c: {  	_ =	swait.ge [sflag:s7], $0x1400  }
0x2d: {  	[sflag:s7] =	ssyncset.done $0x0  }
0x2e: {  	[sflag:s7] =	ssyncadd.s32 $0xFFFFEC00  }
0x2f: {  	_ =	swait.ge [sflag:s14], $0x1400  }
0x30: {  	[sflag:s14] =	ssyncset.done $0x0  }
0x31: {  	s31 =	sadd.s32 $0x780, s29;
	[sflag:s14] =	ssyncadd.s32 $0xFFFFEC00  }
0x32: {  	[hbm4b:s31+s3] =	stream.linear.scatter [tilespmem:s12], [sflag:$0x2], $0x1400, $0x38;
	[tilespmem:$0xA400] =	vst v63  }
0x33: {  	_ =	swait.ge [sflag:s7], $0x1400  }
0x34: {  	[sflag:s7] =	ssyncset.done $0x0  }
0x35: {  	[sflag:s7] =	ssyncadd.s32 $0xFFFFEC00  }
0x36: {  	_ =	swait.ge [sflag:s14], $0x1400  }
0x37: {  	[sflag:s14] =	ssyncset.done $0x0  }
0x38: {  	s16 =	sadd.s32 $0xA00, s29;
	[sflag:s14] =	ssyncadd.s32 $0xFFFFEC00  }
0x39: {  	[hbm4b:s16+s3] =	stream.linear.scatter [tilespmem:s13], [sflag:$0x2], $0x1400, $0x38;
	[tilespmem:$0xA400] =	vst v63  }
0x3a: {  	_ =	swait.ge [sflag:s7], $0x1400  }
0x3b: {  	s17 =	simm.s32 $0x0;
	s16 =	simm.s32 $0xC80;
	[sflag:s7] =	ssyncset.done $0x0  }
.LBB2_2:
0x3c: {  	p0 =	sne.s32 s16, $0x12C00;
	[sflag:s7] =	ssyncadd.s32 $0xFFFFEC00;
	s17 =	sadd.s32 $0x280, s17  }
0x3d: {  	[tilespmem:s9], [sflag:$0x1] =	stream.indirect.gather [hbm4b:s1+s8], $0x80, s17, s8, $0xb8;
	[tilespmem:$0xA400] =	vst v63  }
0x3e: {  	s19 =	smov.u32 s16;
	s16 =	sadd.s32 $0xC80, s16;
	s18 =	sadd.s32 $0x80, s17  }
0x3f: {  	[tilespmem:s10], [sflag:$0x1] =	stream.indirect.gather [hbm4b:s1+s8], $0x80, s18, s8, $0xb8;
	[tilespmem:$0xA400] =	vst v63  }
0x40: {  	s18 =	sadd.s32 $0x100, s17  }
0x41: {  	[tilespmem:s11], [sflag:$0x1] =	stream.indirect.gather [hbm4b:s1+s8], $0x80, s18, s8, $0xb8;
	[tilespmem:$0xA400] =	vst v63  }
0x42: {  	s18 =	sadd.s32 $0x180, s17  }
0x43: {  	[tilespmem:s12], [sflag:$0x1] =	stream.indirect.gather [hbm4b:s1+s8], $0x80, s18, s8, $0xb8;
	[tilespmem:$0xA400] =	vst v63  }
0x44: {  	s18 =	sadd.s32 $0x200, s17  }
0x45: {  	[tilespmem:s13], [sflag:$0x1] =	stream.indirect.gather [hbm4b:s1+s8], $0x80, s18, s8, $0xb8;
	[tilespmem:$0xA400] =	vst v63  }
0x46: {  	_ =	swait.ge [sflag:s14], $0x1400  }
0x47: {  	[sflag:s14] =	ssyncset.done $0x0  }
0x48: {  	s18 =	sadd.s32 s19, s6;
	[sflag:s14] =	ssyncadd.s32 $0xFFFFEC00  }
0x49: {  	[hbm4b:s18+s3] =	stream.linear.scatter [tilespmem:s9], [sflag:$0x2], $0x1400, $0x38;
	[tilespmem:$0xA400] =	vst v63  }
0x4a: {  	_ =	swait.ge [sflag:s7], $0x1400  }
0x4b: {  	[sflag:s7] =	ssyncset.done $0x0  }
0x4c: {  	[sflag:s7] =	ssyncadd.s32 $0xFFFFEC00  }
0x4d: {  	_ =	swait.ge [sflag:s14], $0x1400  }
0x4e: {  	[sflag:s14] =	ssyncset.done $0x0  }
0x4f: {  	s19 =	sadd.s32 $0x280, s18;
	[sflag:s14] =	ssyncadd.s32 $0xFFFFEC00  }
0x50: {  	[hbm4b:s19+s3] =	stream.linear.scatter [tilespmem:s10], [sflag:$0x2], $0x1400, $0x38;
	[tilespmem:$0xA400] =	vst v63  }
0x51: {  	_ =	swait.ge [sflag:s7], $0x1400  }
0x52: {  	[sflag:s7] =	ssyncset.done $0x0  }
0x53: {  	[sflag:s7] =	ssyncadd.s32 $0xFFFFEC00  }
0x54: {  	_ =	swait.ge [sflag:s14], $0x1400  }
0x55: {  	[sflag:s14] =	ssyncset.done $0x0  }
0x56: {  	s19 =	sadd.s32 $0x500, s18;
	[sflag:s14] =	ssyncadd.s32 $0xFFFFEC00  }
0x57: {  	[hbm4b:s19+s3] =	stream.linear.scatter [tilespmem:s11], [sflag:$0x2], $0x1400, $0x38;
	[tilespmem:$0xA400] =	vst v63  }
0x58: {  	_ =	swait.ge [sflag:s7], $0x1400  }
0x59: {  	[sflag:s7] =	ssyncset.done $0x0  }
0x5a: {  	[sflag:s7] =	ssyncadd.s32 $0xFFFFEC00  }
0x5b: {  	_ =	swait.ge [sflag:s14], $0x1400  }
0x5c: {  	[sflag:s14] =	ssyncset.done $0x0  }
0x5d: {  	s19 =	sadd.s32 $0x780, s18;
	[sflag:s14] =	ssyncadd.s32 $0xFFFFEC00  }
0x5e: {  	[hbm4b:s19+s3] =	stream.linear.scatter [tilespmem:s12], [sflag:$0x2], $0x1400, $0x38;
	[tilespmem:$0xA400] =	vst v63  }
0x5f: {  	_ =	swait.ge [sflag:s7], $0x1400  }
0x60: {  	[sflag:s7] =	ssyncset.done $0x0  }
0x61: {  	[sflag:s7] =	ssyncadd.s32 $0xFFFFEC00  }
0x62: {  	_ =	swait.ge [sflag:s14], $0x1400  }
.Ltmp0:
0x63: {  	[sflag:s14] =	ssyncset.done $0x0;
	(pc) =	sbr.rel @p0 .LBB2_2-.Ltmp0, $4  }
0x64: {  	s18 =	sadd.s32 $0xA00, s18;
	[sflag:s14] =	ssyncadd.s32 $0xFFFFEC00  }
0x65: {  	[hbm4b:s18+s3] =	stream.linear.scatter [tilespmem:s13], [sflag:$0x2], $0x1400, $0x38;
	[tilespmem:$0xA400] =	vst v63  }
0x66: {  	_ =	swait.ge [sflag:s7], $0x1400  }
0x67: {  	[sflag:s7] =	ssyncset.done $0x0  }
0x68: {  	s15 =	sadd.s32 $0x1, s15  }
0x69: {  	p0 =	sne.s32 s15, s5  }
.Ltmp1:
0x6a: {  	_ = 	snop;
	(pc) =	sbr.rel @p0 .LBB2_1-.Ltmp1, $2  }
0x6b: {  	_ =	sdelay $0x2  }
0x6c: {  	[sflag:s7] =	ssyncadd.s32 $0xFFFFEC00  }
0x6d: {  	_ =	sfence.sel $0x180000  }
0x6e: {  	[bflag:$0x0] =	sbarrier.arrive $0xFFFF  }
0x6f: {  	p0 =	sne.s32 s2, $0x0;
	_ =	strace $0x9000004D  }
0x70: {  	s0 =	sadd.s32 @!p0 $0x100000, s0;
	[bflag:$0x2] =	sbarrier.arrive $0xFFFF  }
0x71: {  	[sflag:s0] =	ssyncadd.tile.s32 @!p0 $0x1;
	_ =	shalt  }
.Lfunc_end2:
_tile_overlayer_lowered:
.L_overlay_start_2:
0x72: {  	(tag) =	ssettag $0x2  }
0x73: {  	s0 =	rddreg [dreg:$0x0];
	s2 =	stileid.u32  }
0x74: {  	s1 =	rddreg [dreg:$0x1];
	p0 =	sne.s32 s2, $0x0  }
0x75: {  	s3 =	rddreg [dreg:$0x2];
	[bflag:$0x3] =	sbarrier.arrive $0xFFFF;
	s2 =	simm.s32 @!p0 $0x1C02  }
0x76: {  	[timem:s3], [sflag:s2] =	dma.local @!p0 [hbm:s0], s1  }
0x77: {  	s0 =	simm.s32 @!p0 $0x2  }
0x78: {  	_ =	swait.ge @!p0 [sflag:s0], s1  }
0x79: {  	s1 =	ssub.s32 @!p0 $0x0, s1;
	[sflag:s0] =	ssyncset.done @!p0 $0x0  }
0x7a: {  	[sflag:s0] =	ssyncadd.s32 @!p0 s1  }
0x7b: {  	[bflag:$0x3] =	sbarrier.arrive $0xFFFF  }
0x7c: {  	_ =	shalt  }

// kernel: kernel.14.cloned.1.call-start
scs
__scs_entry_jumppad:
0x0: {  	(pc) =	sbr.rel $0x88, $3  }
0x1: {  	(tag) =	ssettag $0x0;
	lr =	simm.s32 $0x1  }
0x2: {  	[smem:$0x3F93] =	sst lr;
	_ =	strace $0xD0000000  }
0x3: {  	_ = 	snop  }
0x4: {  	_ = 	snop  }
0x5: {  	_ = 	snop  }
0x6: {  	_ = 	snop  }
0x7: {  	_ = 	snop  }
__scs_overlays_trampoline_lowered:
0x8: {  	[smem:$0x3FA2] =	sst s0  }
0x9: {  	[smem:$0x3FA3] =	sst s1  }
0xa: {  	[smem:$0x3FA4] =	sst s2  }
0xb: {  	[smem:$0x3FA5] =	sst s3  }
0xc: {  	[smem:$0x3FA6] =	sst s4  }
0xd: {  	[smem:$0x3FA7] =	sst s5  }
0xe: {  	[smem:$0x3FA8] =	sst s6  }
0xf: {  	[smem:$0x3FA9] =	sst s7  }
0x10: {  	[smem:$0x3FAA] =	sst s8  }
0x11: {  	[smem:$0x3FAB] =	sst s9;
	s0 =	simm.s32 @!p0 $0x0  }
0x12: {  	s1 =	sld [smem:$0x3F91];
	s0 =	simm.s32 @p0 $0x1  }
0x13: {  	[smem:$0x3FAC] =	sst s0;
	s0 =	simm.s32 @!p1 $0x0  }
0x14: {  	s2 =	sld [smem:$0x3F90];
	s0 =	simm.s32 @p1 $0x1  }
0x15: {  	[smem:$0x3FAD] =	sst s0;
	s0 =	simm.s32 @!p2 $0x0  }
0x16: {  	s3 =	sld [smem:$0x3FDB];
	s0 =	simm.s32 @p2 $0x1  }
0x17: {  	s4 =	simm.s32 $0x1BF5;
	[smem:$0x3FAF] =	sst s0  }
0x18: {  	s0 =	sld [smem:$0x3F92];
	_ =	swait.ge [sflag:s4], $0x0  }
0x19: {  	s7 =	sld [smem:$0x3F93]  }
0x1a: {  	s8 =	sadd.s32 $0xFFFFE003, lr  }
0x1b: {  	s9 =	sadd.s32 $0xFFFFFEF7, lr;
	s5 =	simm.s32 $0xFFFFFFFF;
	p2 =	slt.u32 s8, $0xFFFFF086  }
0x1c: {  	p1 =	slt.u32 s9, $0xF7A;
	s5 =	simm.s32 @!p2 $0x0  }
0x1d: {  	s5 =	simm.s32 @p1 $0x1;
	p0 =	seq.s32 s7, s2  }
0x1e: {  	s7 =	smul.u32 @!p0 $0xF7A, s2;
	p2 =	seq.s32 @!p0 s5, $0x0  }
0x1f: {  	s9 =	smul.u32 $0xF7A, s1;
	s8 =	simm.s32 @!p0 $0x1BF5;
	p2 =	por !p2, p0  }
0x20: {  	[sflag:s8] =	ssyncset.s32 @!p0 $0xFFFFF086;
	s6 =	sadd.s32 @!p0 s3, s7;
	s7 =	simm.s32 @!p0 $0x108  }
0x21: {  	s3 =	sadd.s32 s3, s9;
	s6 =	sadd.s32 @!p0 $0x88, s6;
	s7 =	simm.s32 @p2 $0x1082  }
0x22: {  	[simem:s7], [sflag:s8] =	dma.local @!p0 [hbm:s6], $0xF7A  }
0x23: {  	s9 =	sor.u32 $0xD0000000, s2;
	s6 =	simm.s32 $0x108;
	_ =	swait.ge @!p0 [sflag:s8], $0x0  }
0x24: {  	s3 =	sadd.s32 $0x88, s3;
	s6 =	simm.s32 @!p1 $0x1082;
	[sflag:s4] =	ssyncset.s32 $0xFFFFF086  }
0x25: {  	[simem:s6], [sflag:s4] =	dma.local [hbm:s3], $0xF7A  }
0x26: {  	[smem:$0x3F93] =	sst s1;
	(tag) =	ssettag s2;
	_ =	strace s9  }
0x27: {  	s1 =	sld [smem:$0x3FA3]  }
0x28: {  	s2 =	sld [smem:$0x3FA4]  }
0x29: {  	s4 =	sld [smem:$0x3FA6]  }
0x2a: {  	p0 =	seq.s32 s5, $0x0;
	s5 =	sld [smem:$0x3FA7]  }
0x2b: {  	s6 =	sld [smem:$0x3FA8]  }
0x2c: {  	s7 =	sld [smem:$0x3FA9]  }
0x2d: {  	s3 =	simm.s32 $0x108;
	s8 =	sld [smem:$0x3FAA]  }
0x2e: {  	s3 =	simm.s32 @!p0 $0x1082;
	s9 =	sld [smem:$0x3FAB]  }
0x2f: {  	lr =	sadd.s32 s0, s3;
	s0 =	sld [smem:$0x3FA2]  }
0x30: {  	s3 =	sld [smem:$0x3FA5]  }
0x31: {  	[smem:$0x3FAE] =	sst s10  }
0x32: {  	s10 =	sld [smem:$0x3FAC];
	_ =	sdelay $0x3  }
0x33: {  	p0 =	seq.s32 s10, $0x1;
	s10 =	sld [smem:$0x3FAE];
	_ =	sdelay $0x3  }
0x34: {  	[smem:$0x3FAE] =	sst s10  }
0x35: {  	s10 =	sld [smem:$0x3FAD];
	_ =	sdelay $0x3  }
0x36: {  	p1 =	seq.s32 s10, $0x1;
	s10 =	sld [smem:$0x3FAE];
	_ =	sdelay $0x3  }
0x37: {  	[smem:$0x3FAE] =	sst s10  }
0x38: {  	s10 =	sld [smem:$0x3FAF]  }
0x39: {  	_ = 	snop;
	(pc) =	sbr.ind lr, $3  }
0x3a: {  	_ = 	snop  }
0x3b: {  	_ = 	snop  }
0x3c: {  	p2 =	seq.s32 s10, $0x1;
	s10 =	sld [smem:$0x3FAE]  }
0x3d: {  	_ =	shalt  }
0x3e: {  	_ =	shalt  }
0x3f: {  	_ =	shalt  }
0x40: {  	_ =	shalt  }
0x41: {  	_ =	shalt  }
0x42: {  	_ =	shalt  }
0x43: {  	_ =	shalt  }
0x44: {  	_ =	shalt  }
0x45: {  	_ =	shalt  }
0x46: {  	_ =	shalt  }
0x47: {  	_ =	shalt  }
0x48: {  	_ =	shalt  }
0x49: {  	_ =	shalt  }
0x4a: {  	_ =	shalt  }
0x4b: {  	_ =	shalt  }
0x4c: {  	_ =	shalt  }
0x4d: {  	_ =	shalt  }
0x4e: {  	_ =	shalt  }
0x4f: {  	_ =	shalt  }
0x50: {  	_ =	shalt  }
0x51: {  	_ =	shalt  }
0x52: {  	_ =	shalt  }
0x53: {  	_ =	shalt  }
0x54: {  	_ =	shalt  }
0x55: {  	_ =	shalt  }
0x56: {  	_ =	shalt  }
0x57: {  	_ =	shalt  }
0x58: {  	_ =	shalt  }
0x59: {  	_ =	shalt  }
0x5a: {  	_ =	shalt  }
0x5b: {  	_ =	shalt  }
0x5c: {  	_ =	shalt  }
0x5d: {  	_ =	shalt  }
0x5e: {  	_ =	shalt  }
0x5f: {  	_ =	shalt  }
0x60: {  	_ =	shalt  }
0x61: {  	_ =	shalt  }
0x62: {  	_ =	shalt  }
0x63: {  	_ =	shalt  }
0x64: {  	_ =	shalt  }
0x65: {  	_ =	shalt  }
0x66: {  	_ =	shalt  }
0x67: {  	_ =	shalt  }
0x68: {  	_ =	shalt  }
0x69: {  	_ =	shalt  }
0x6a: {  	_ =	shalt  }
0x6b: {  	_ =	shalt  }
0x6c: {  	_ =	shalt  }
0x6d: {  	_ =	shalt  }
0x6e: {  	_ =	shalt  }
0x6f: {  	_ =	shalt  }
0x70: {  	_ =	shalt  }
0x71: {  	_ =	shalt  }
0x72: {  	_ =	shalt  }
0x73: {  	_ =	shalt  }
0x74: {  	_ =	shalt  }
0x75: {  	_ =	shalt  }
0x76: {  	_ =	shalt  }
0x77: {  	_ =	shalt  }
0x78: {  	_ =	shalt  }
0x79: {  	_ =	shalt  }
0x7a: {  	_ =	shalt  }
0x7b: {  	_ =	shalt  }
0x7c: {  	_ =	shalt  }
0x7d: {  	_ =	shalt  }
0x7e: {  	_ =	shalt  }
0x7f: {  	_ =	shalt  }
0x80: {  	_ =	shalt  }
0x81: {  	_ =	shalt  }
0x82: {  	_ =	shalt  }
0x83: {  	_ =	shalt  }
0x84: {  	_ =	shalt  }
0x85: {  	_ =	shalt  }
0x86: {  	_ =	shalt  }
0x87: {  	_ =	shalt  }
.Lfunc_end0:
.L_simem_size_0:
called_computation.1_lowered:
.L_overlay_start_0:
0x88: {  	s2 =	sld [smem:$0x3FD9]  }
0x89: {  	s3 =	sld [smem:$0x3FFE];
	_ =	sdelay $0x1  }
0x8a: {  	s1 =	srdreg.scid  }
0x8b: {  	s0 =	sand.u32 $0x1, s1  }
0x8c: {  	s17 =	sshll.u32 s0, $0xA;
	s2 =	sadd.s32 s3, s2  }
0x8d: {  	s2 =	sadd.s32 s2, s17  }
0x8e: {  	[smem:$0x3FBA] =	sst s2  }
0x8f: {  	_ = 	snop  }
0x90: {  	s18 =	sld [smem:$0x3FD0];
	(tm) =	ssettm $0x1  }
0x91: {  	s19 =	sld [smem:$0x3FFB];
	_ =	sdelay $0x3  }
0x92: {  	_ =	strace s19  }
0x93: {  	s2 =	sld [smem:$0x3FFC];
	_ =	sdelay $0x3  }
0x94: {  	_ =	strace s2  }
0x95: {  	s2 =	sld [smem:$0x3FFD];
	_ =	sdelay $0x3  }
0x96: {  	_ =	strace s2  }
0x97: {  	_ =	strace $0x8FFFFFFF  }
0x98: {  	s20 =	sld [smem:$0x3FDB];
	_ =	sdelay $0x1  }
0x99: {  	s4 =	simm.s32 $_scs_section_size  }
0x9a: {  	s5 =	simm.s32 $_size__tile_overlayer_lowered;
	s6 =	simm.s32 $_tile_overlayer_lowered  }
0x9b: {  	s7 =	simm.s32 $0x1BFF;
	s21 =	sshll.u32 s6, $0x1;
	s4 =	sadd.s32 s4, s20  }
0x9c: {  	s22 =	simm.s32 $0x0;
	s5 =	sshll.u32 s5, $0x1;
	s6 =	sadd.s32 s21, s4  }
0x9d: {  	[timem:s22], [sflag:s7] =	dma.local [hbm:s6], s5  }
0x9e: {  	_ =	swait.ge [sflag:s7], s5  }
0x9f: {  	s5 =	ssub.s32 $0x0, s5;
	[sflag:s7] =	ssyncset.done $0x0  }
0xa0: {  	[sflag:s7] =	ssyncadd.s32 s5;
	_ =	sdelay $0x1  }
0xa1: {  	s23 =	simm.s32 $0x1B8B  }
0xa2: {  	_ =	swait.ge [sflag:s23], $0x1  }
0xa3: {  	[sflag:s23] =	ssyncset.done $0x0  }
0xa4: {  	[sflag:s23] =	ssyncadd.s32 $0xFFFFFFFF  }
0xa5: {  	s5 =	sld [smem:$0x0]  }
0xa6: {  	s6 =	sand.u32 $0xFFFFFFFE, s1  }
0xa7: {  	p0 =	sne.s32 s1, s6  }
0xa8: {  	s6 =	sshll.u32 @p0 s6, $0xE  }
0xa9: {  	s6 =	sadd.s32 @p0 $0x11B8D, s6;
	s7 =	sshll.u32 @p0 s5, $0x11  }
0xaa: {  	s6 =	sor.u32 @p0 s7, s6  }
0xab: {  	[sflag:s6] =	ssyncadd.remote.s32 @p0 $0x1;
	_ =	sdelay $0x1  }
0xac: {  	s6 =	simm.s32 @p0 $0x1B8D  }
0xad: {  	_ =	swait.eq @p0 [sflag:s6], $0x1  }
0xae: {  	[sflag:s6] =	ssyncadd.s32 @p0 $0xFFFFFFFF  }
0xaf: {  	s7 =	sshll.u32 @!p0 s1, $0xE  }
0xb0: {  	s7 =	sor.u32 @!p0 $0x4000, s7;
	s6 =	simm.s32 @!p0 $0x1B8D  }
0xb1: {  	s5 =	sshll.u32 @!p0 s5, $0x11;
	s7 =	sadd.s32 @!p0 $0x11B8D, s7;
	_ =	swait.eq @!p0 [sflag:s6], $0x1  }
0xb2: {  	s5 =	sor.u32 @!p0 s5, s7;
	[sflag:s6] =	ssyncadd.s32 @!p0 $0xFFFFFFFF  }
0xb3: {  	s25 =	simm.s32 $0x1B8E;
	s24 =	sld [smem:$0x3FFE];
	[sflag:s5] =	ssyncadd.remote.s32 @!p0 $0x1  }
0xb4: {  	s26 =	simm.s32 $execute0_lowered;
	[smem:$0x3FD2] =	sst s25  }
0xb5: {  	s6 =	sshll.u32 s26, $0x1;
	_ =	strace $0x80000049;
	[dreg:$0x1] =	wrdreg $0xFFFFFFFF  }
0xb6: {  	s28 =	simm.s32 $_size_execute0_lowered;
	s4 =	sadd.s32 s4, s6;
	[dreg:$0x0] =	wrdreg $0x0  }
0xb7: {  	s6 =	sshll.u32 s28, $0x1;
	[dreg:$0x2] =	wrdreg s4  }
0xb8: {  	[dreg:$0x3] =	wrdreg s6  }
0xb9: {  	[dreg:$0x4] =	wrdreg $0xC0  }
0xba: {  	_ =	task [dreg:s22], $0x5FFFF  }
0xbb: {  	[dreg:$0x1] =	wrdreg $0xFFFFFFFF  }
0xbc: {  	[dreg:$0x0] =	wrdreg $0x60  }
0xbd: {  	[dreg:$0x2] =	wrdreg s18  }
0xbe: {  	[dreg:$0x3] =	wrdreg s24  }
0xbf: {  	[dreg:$0x4] =	wrdreg $0xA  }
0xc0: {  	_ =	task.clear_ibuf [dreg:s22], $0x5FFFF;
	_ =	strace $0x90000049  }
0xc1: {  	s29 =	simm.s32 $0xA;
	_ =	strace $0x8000004B  }
0xc2: {  	_ =	swait.ge [sflag:s29], $0x1  }
0xc3: {  	[sflag:s29] =	ssyncadd.s32 $0xFFFFFFFF  }
0xc4: {  	_ =	strace $0x9000004B  }
0xc5: {  	_ =	sfence  }
0xc6: {  	s30 =	sld [smem:$0x0];
	_ =	sdelay $0x2  }
0xc7: {  	s31 =	sshll.u32 s1, $0xD;
	s1 =	sshrl.u32 s1, $0x2  }
0xc8: {  	s4 =	sand.u32 $0x4000, s31;
	s1 =	sadd.s32 s1, s30  }
0xc9: {  	s0 =	sor.u32 s4, s0;
	s1 =	sshll.u32 s1, $0x11  }
0xca: {  	s0 =	sor.u32 s1, s0  }
0xcb: {  	s0 =	sadd.s32 $0x8F2B, s0  }
0xcc: {  	[sflag:s0] =	ssyncadd.remote.s32 $0x1  }
0xcd: {  	_ =	sfence.sel $0xFFFF  }
0xce: {  	[dreg:$0x0] =	wrdreg $0xFFFFFFFF;
	(pc) =	sbr.abs _section_cstart, $3  }
0xcf: {  	[dreg:$0x1] =	wrdreg $0xFFFFFFFF  }
0xd0: {  	_ =	task.clear_ibuf [dreg:s22], $0x2FFFF;
	_ =	strace $0x9FFFFFFF  }
0xd1: {  	(tm) =	ssettm $0x7FFFFFFF  }
tec
execute0_lowered:
.L_overlay_start_1:
0x0: {  	(tag) =	ssettag $0x1  }
0x1: {  	s1 =	rddreg [dreg:$0x0]  }
0x2: {  	s4 =	rddreg [dreg:$0x1]  }
0x3: {  	s0 =	rddreg [dreg:$0x2];
	s3 =	simm.s32 $0x0;
	s5 =	srdreg.scid  }
0x4: {  	s2 =	stileid.u32;
	s10 =	simm.s32 $0x5400;
	s11 =	simm.s32 $0x6800  }
0x5: {  	s12 =	simm.s32 $0x7C00;
	s13 =	simm.s32 $0x9000;
	s14 =	simm.s32 $0x1  }
0x6: {  	s15 =	simm.s32 $0x0;
	[smem:$0x7FF] =	sst s3;
	s5 =	sand.u32 $0x1, s5  }
0x7: {  	s6 =	sshll.u32 s2, $0xC;
	s7 =	smul.u32 $0x27100, s2;
	_ =	strace $0x8000004A  }
0x8: {  	s8 =	sshll.u32 s5, $0xB;
	s9 =	ssub.s32 $0x2, s5;
	s5 =	smul.u32 $0x13880, s5  }
0x9: {  	s6 =	sor.u32 s8, s6;
	s7 =	sadd.s32 s7, s4;
	s30 =	sshrl.u32 s9, $0x1  }
0xa: {  	s8 =	simm.s32 $0x28;
	s4 =	sadd.s32 s6, s4;
	s31 =	ssub.s32 s9, s30  }
0xb: {  	s7 =	sadd.s32 s5, s7;
	s9 =	simm.s32 $0x4000;
	s4 =	sadd.s32 $0x8BA00, s4  }
0xc: {  	s5 =	smax.u32 s31, $0x1;
	s6 =	sadd.s32 $0x9BA00, s7;
	s7 =	simm.s32 $0x2  }
.LBB2_1:
0xd: {  	[tilespmem:s3], [sflag:$0x2] =	stream.linear.gather [hbm4b:s4+s3], $0x3E80, $0x38;
	[tilespmem:$0xA400] =	vst v63  }
0xe: {  	_ =	swait.ge [sflag:s7], $0x3E80  }
0xf: {  	[sflag:s7] =	ssyncset.done $0x0  }
0x10: {  	[sflag:s7] =	ssyncadd.s32 $0xFFFFC180  }
0x11: {  	[tilespmem:s9], [sflag:$0x1] =	stream.indirect.gather [hbm4b:s1+s8], $0x80, s3, s8, $0xb8;
	[tilespmem:$0xA400] =	vst v63  }
0x12: {  	s16 =	simm.s32 $0x80  }
0x13: {  	[tilespmem:s10], [sflag:$0x1] =	stream.indirect.gather [hbm4b:s1+s8], $0x80, s16, s8, $0xb8;
	[tilespmem:$0xA400] =	vst v63  }
0x14: {  	s25 =	simm.s32 $0x100  }
0x15: {  	[tilespmem:s11], [sflag:$0x1] =	stream.indirect.gather [hbm4b:s1+s8], $0x80, s25, s8, $0xb8;
	[tilespmem:$0xA400] =	vst v63  }
0x16: {  	s26 =	simm.s32 $0x180  }
0x17: {  	[tilespmem:s12], [sflag:$0x1] =	stream.indirect.gather [hbm4b:s1+s8], $0x80, s26, s8, $0xb8;
	[tilespmem:$0xA400] =	vst v63  }
0x18: {  	s28 =	simm.s32 $0x200  }
0x19: {  	[tilespmem:s13], [sflag:$0x1] =	stream.indirect.gather [hbm4b:s1+s8], $0x80, s28, s8, $0xb8;
	[tilespmem:$0xA400] =	vst v63  }
0x1a: {  	_ =	swait.ge [sflag:s14], $0x1400  }
0x1b: {  	[sflag:s14] =	ssyncset.done $0x0  }
0x1c: {  	s29 =	sadd.s32 $0x0, s6;
	[sflag:s14] =	ssyncadd.s32 $0xFFFFEC00  }
0x1d: {  	[hbm4b:s29+s3] =	stream.linear.scatter [tilespmem:s9], [sflag:$0x2], $0x1400, $0x38;
	[tilespmem:$0xA400] =	vst v63  }
0x1e: {  	_ =	swait.ge [sflag:s7], $0x1400  }
0x1f: {  	[sflag:s7] =	ssyncset.done $0x0  }
0x20: {  	[sflag:s7] =	ssyncadd.s32 $0xFFFFEC00  }
0x21: {  	_ =	swait.ge [sflag:s14], $0x1400  }
0x22: {  	[sflag:s14] =	ssyncset.done $0x0  }
0x23: {  	s17 =	sadd.s32 $0x280, s29;
	[sflag:s14] =	ssyncadd.s32 $0xFFFFEC00  }
0x24: {  	[hbm4b:s17+s3] =	stream.linear.scatter [tilespmem:s10], [sflag:$0x2], $0x1400, $0x38;
	[tilespmem:$0xA400] =	vst v63  }
0x25: {  	_ =	swait.ge [sflag:s7], $0x1400  }
0x26: {  	[sflag:s7] =	ssyncset.done $0x0  }
0x27: {  	[sflag:s7] =	ssyncadd.s32 $0xFFFFEC00  }
0x28: {  	_ =	swait.ge [sflag:s14], $0x1400  }
0x29: {  	[sflag:s14] =	ssyncset.done $0x0  }
0x2a: {  	s30 =	sadd.s32 $0x500, s29;
	[sflag:s14] =	ssyncadd.s32 $0xFFFFEC00  }
0x2b: {  	[hbm4b:s30+s3] =	stream.linear.scatter [tilespmem:s11], [sflag:$0x2], $0x1400, $0x38;
	[tilespmem:$0xA400] =	vst v63  }
0x2c: {  	_ =	swait.ge [sflag:s7], $0x1400  }
0x2d: {  	[sflag:s7] =	ssyncset.done $0x0  }
0x2e: {  	[sflag:s7] =	ssyncadd.s32 $0xFFFFEC00  }
0x2f: {  	_ =	swait.ge [sflag:s14], $0x1400  }
0x30: {  	[sflag:s14] =	ssyncset.done $0x0  }
0x31: {  	s31 =	sadd.s32 $0x780, s29;
	[sflag:s14] =	ssyncadd.s32 $0xFFFFEC00  }
0x32: {  	[hbm4b:s31+s3] =	stream.linear.scatter [tilespmem:s12], [sflag:$0x2], $0x1400, $0x38;
	[tilespmem:$0xA400] =	vst v63  }
0x33: {  	_ =	swait.ge [sflag:s7], $0x1400  }
0x34: {  	[sflag:s7] =	ssyncset.done $0x0  }
0x35: {  	[sflag:s7] =	ssyncadd.s32 $0xFFFFEC00  }
0x36: {  	_ =	swait.ge [sflag:s14], $0x1400  }
0x37: {  	[sflag:s14] =	ssyncset.done $0x0  }
0x38: {  	s16 =	sadd.s32 $0xA00, s29;
	[sflag:s14] =	ssyncadd.s32 $0xFFFFEC00  }
0x39: {  	[hbm4b:s16+s3] =	stream.linear.scatter [tilespmem:s13], [sflag:$0x2], $0x1400, $0x38;
	[tilespmem:$0xA400] =	vst v63  }
0x3a: {  	_ =	swait.ge [sflag:s7], $0x1400  }
0x3b: {  	s17 =	simm.s32 $0x0;
	s16 =	simm.s32 $0xC80;
	[sflag:s7] =	ssyncset.done $0x0  }
.LBB2_2:
0x3c: {  	p0 =	sne.s32 s16, $0x12C00;
	[sflag:s7] =	ssyncadd.s32 $0xFFFFEC00;
	s17 =	sadd.s32 $0x280, s17  }
0x3d: {  	[tilespmem:s9], [sflag:$0x1] =	stream.indirect.gather [hbm4b:s1+s8], $0x80, s17, s8, $0xb8;
	[tilespmem:$0xA400] =	vst v63  }
0x3e: {  	s19 =	smov.u32 s16;
	s16 =	sadd.s32 $0xC80, s16;
	s18 =	sadd.s32 $0x80, s17  }
0x3f: {  	[tilespmem:s10], [sflag:$0x1] =	stream.indirect.gather [hbm4b:s1+s8], $0x80, s18, s8, $0xb8;
	[tilespmem:$0xA400] =	vst v63  }
0x40: {  	s18 =	sadd.s32 $0x100, s17  }
0x41: {  	[tilespmem:s11], [sflag:$0x1] =	stream.indirect.gather [hbm4b:s1+s8], $0x80, s18, s8, $0xb8;
	[tilespmem:$0xA400] =	vst v63  }
0x42: {  	s18 =	sadd.s32 $0x180, s17  }
0x43: {  	[tilespmem:s12], [sflag:$0x1] =	stream.indirect.gather [hbm4b:s1+s8], $0x80, s18, s8, $0xb8;
	[tilespmem:$0xA400] =	vst v63  }
0x44: {  	s18 =	sadd.s32 $0x200, s17  }
0x45: {  	[tilespmem:s13], [sflag:$0x1] =	stream.indirect.gather [hbm4b:s1+s8], $0x80, s18, s8, $0xb8;
	[tilespmem:$0xA400] =	vst v63  }
0x46: {  	_ =	swait.ge [sflag:s14], $0x1400  }
0x47: {  	[sflag:s14] =	ssyncset.done $0x0  }
0x48: {  	s18 =	sadd.s32 s19, s6;
	[sflag:s14] =	ssyncadd.s32 $0xFFFFEC00  }
0x49: {  	[hbm4b:s18+s3] =	stream.linear.scatter [tilespmem:s9], [sflag:$0x2], $0x1400, $0x38;
	[tilespmem:$0xA400] =	vst v63  }
0x4a: {  	_ =	swait.ge [sflag:s7], $0x1400  }
0x4b: {  	[sflag:s7] =	ssyncset.done $0x0  }
0x4c: {  	[sflag:s7] =	ssyncadd.s32 $0xFFFFEC00  }
0x4d: {  	_ =	swait.ge [sflag:s14], $0x1400  }
0x4e: {  	[sflag:s14] =	ssyncset.done $0x0  }
0x4f: {  	s19 =	sadd.s32 $0x280, s18;
	[sflag:s14] =	ssyncadd.s32 $0xFFFFEC00  }
0x50: {  	[hbm4b:s19+s3] =	stream.linear.scatter [tilespmem:s10], [sflag:$0x2], $0x1400, $0x38;
	[tilespmem:$0xA400] =	vst v63  }
0x51: {  	_ =	swait.ge [sflag:s7], $0x1400  }
0x52: {  	[sflag:s7] =	ssyncset.done $0x0  }
0x53: {  	[sflag:s7] =	ssyncadd.s32 $0xFFFFEC00  }
0x54: {  	_ =	swait.ge [sflag:s14], $0x1400  }
0x55: {  	[sflag:s14] =	ssyncset.done $0x0  }
0x56: {  	s19 =	sadd.s32 $0x500, s18;
	[sflag:s14] =	ssyncadd.s32 $0xFFFFEC00  }
0x57: {  	[hbm4b:s19+s3] =	stream.linear.scatter [tilespmem:s11], [sflag:$0x2], $0x1400, $0x38;
	[tilespmem:$0xA400] =	vst v63  }
0x58: {  	_ =	swait.ge [sflag:s7], $0x1400  }
0x59: {  	[sflag:s7] =	ssyncset.done $0x0  }
0x5a: {  	[sflag:s7] =	ssyncadd.s32 $0xFFFFEC00  }
0x5b: {  	_ =	swait.ge [sflag:s14], $0x1400  }
0x5c: {  	[sflag:s14] =	ssyncset.done $0x0  }
0x5d: {  	s19 =	sadd.s32 $0x780, s18;
	[sflag:s14] =	ssyncadd.s32 $0xFFFFEC00  }
0x5e: {  	[hbm4b:s19+s3] =	stream.linear.scatter [tilespmem:s12], [sflag:$0x2], $0x1400, $0x38;
	[tilespmem:$0xA400] =	vst v63  }
0x5f: {  	_ =	swait.ge [sflag:s7], $0x1400  }
0x60: {  	[sflag:s7] =	ssyncset.done $0x0  }
0x61: {  	[sflag:s7] =	ssyncadd.s32 $0xFFFFEC00  }
0x62: {  	_ =	swait.ge [sflag:s14], $0x1400  }
.Ltmp0:
0x63: {  	[sflag:s14] =	ssyncset.done $0x0;
	(pc) =	sbr.rel @p0 .LBB2_2-.Ltmp0, $4  }
0x64: {  	s18 =	sadd.s32 $0xA00, s18;
	[sflag:s14] =	ssyncadd.s32 $0xFFFFEC00  }
0x65: {  	[hbm4b:s18+s3] =	stream.linear.scatter [tilespmem:s13], [sflag:$0x2], $0x1400, $0x38;
	[tilespmem:$0xA400] =	vst v63  }
0x66: {  	_ =	swait.ge [sflag:s7], $0x1400  }
0x67: {  	[sflag:s7] =	ssyncset.done $0x0  }
0x68: {  	s15 =	sadd.s32 $0x1, s15  }
0x69: {  	p0 =	sne.s32 s15, s5  }
.Ltmp1:
0x6a: {  	_ = 	snop;
	(pc) =	sbr.rel @p0 .LBB2_1-.Ltmp1, $2  }
0x6b: {  	_ =	sdelay $0x2  }
0x6c: {  	[sflag:s7] =	ssyncadd.s32 $0xFFFFEC00  }
0x6d: {  	_ =	sfence.sel $0x180000  }
0x6e: {  	[bflag:$0x0] =	sbarrier.arrive $0xFFFF  }
0x6f: {  	p0 =	sne.s32 s2, $0x0;
	_ =	strace $0x9000004A  }
0x70: {  	s0 =	sadd.s32 @!p0 $0x100000, s0;
	[bflag:$0x2] =	sbarrier.arrive $0xFFFF  }
0x71: {  	[sflag:s0] =	ssyncadd.tile.s32 @!p0 $0x1;
	_ =	shalt  }
.Lfunc_end2:
_tile_overlayer_lowered:
.L_overlay_start_2:
0x72: {  	(tag) =	ssettag $0x2  }
0x73: {  	s0 =	rddreg [dreg:$0x0];
	s2 =	stileid.u32  }
0x74: {  	s1 =	rddreg [dreg:$0x1];
	p0 =	sne.s32 s2, $0x0  }
0x75: {  	s3 =	rddreg [dreg:$0x2];
	[bflag:$0x3] =	sbarrier.arrive $0xFFFF;
	s2 =	simm.s32 @!p0 $0x1C02  }
0x76: {  	[timem:s3], [sflag:s2] =	dma.local @!p0 [hbm:s0], s1  }
0x77: {  	s0 =	simm.s32 @!p0 $0x2  }
0x78: {  	_ =	swait.ge @!p0 [sflag:s0], s1  }
0x79: {  	s1 =	ssub.s32 @!p0 $0x0, s1;
	[sflag:s0] =	ssyncset.done @!p0 $0x0  }
0x7a: {  	[sflag:s0] =	ssyncadd.s32 @!p0 s1  }
0x7b: {  	[bflag:$0x3] =	sbarrier.arrive $0xFFFF  }
0x7c: {  	_ =	shalt  }

// kernel: kernel.17.cloned.1.call-start
scs
__scs_entry_jumppad:
0x0: {  	(pc) =	sbr.rel $0x88, $3  }
0x1: {  	(tag) =	ssettag $0x0;
	lr =	simm.s32 $0x1  }
0x2: {  	[smem:$0x3F93] =	sst lr;
	_ =	strace $0xD0000000  }
0x3: {  	_ = 	snop  }
0x4: {  	_ = 	snop  }
0x5: {  	_ = 	snop  }
0x6: {  	_ = 	snop  }
0x7: {  	_ = 	snop  }
__scs_overlays_trampoline_lowered:
0x8: {  	[smem:$0x3FA2] =	sst s0  }
0x9: {  	[smem:$0x3FA3] =	sst s1  }
0xa: {  	[smem:$0x3FA4] =	sst s2  }
0xb: {  	[smem:$0x3FA5] =	sst s3  }
0xc: {  	[smem:$0x3FA6] =	sst s4  }
0xd: {  	[smem:$0x3FA7] =	sst s5  }
0xe: {  	[smem:$0x3FA8] =	sst s6  }
0xf: {  	[smem:$0x3FA9] =	sst s7  }
0x10: {  	[smem:$0x3FAA] =	sst s8  }
0x11: {  	[smem:$0x3FAB] =	sst s9;
	s0 =	simm.s32 @!p0 $0x0  }
0x12: {  	s1 =	sld [smem:$0x3F91];
	s0 =	simm.s32 @p0 $0x1  }
0x13: {  	[smem:$0x3FAC] =	sst s0;
	s0 =	simm.s32 @!p1 $0x0  }
0x14: {  	s2 =	sld [smem:$0x3F90];
	s0 =	simm.s32 @p1 $0x1  }
0x15: {  	[smem:$0x3FAD] =	sst s0;
	s0 =	simm.s32 @!p2 $0x0  }
0x16: {  	s3 =	sld [smem:$0x3FDB];
	s0 =	simm.s32 @p2 $0x1  }
0x17: {  	s4 =	simm.s32 $0x1BF5;
	[smem:$0x3FAF] =	sst s0  }
0x18: {  	s0 =	sld [smem:$0x3F92];
	_ =	swait.ge [sflag:s4], $0x0  }
0x19: {  	s7 =	sld [smem:$0x3F93]  }
0x1a: {  	s8 =	sadd.s32 $0xFFFFE003, lr  }
0x1b: {  	s9 =	sadd.s32 $0xFFFFFEF7, lr;
	s5 =	simm.s32 $0xFFFFFFFF;
	p2 =	slt.u32 s8, $0xFFFFF086  }
0x1c: {  	p1 =	slt.u32 s9, $0xF7A;
	s5 =	simm.s32 @!p2 $0x0  }
0x1d: {  	s5 =	simm.s32 @p1 $0x1;
	p0 =	seq.s32 s7, s2  }
0x1e: {  	s7 =	smul.u32 @!p0 $0xF7A, s2;
	p2 =	seq.s32 @!p0 s5, $0x0  }
0x1f: {  	s9 =	smul.u32 $0xF7A, s1;
	s8 =	simm.s32 @!p0 $0x1BF5;
	p2 =	por !p2, p0  }
0x20: {  	[sflag:s8] =	ssyncset.s32 @!p0 $0xFFFFF086;
	s6 =	sadd.s32 @!p0 s3, s7;
	s7 =	simm.s32 @!p0 $0x108  }
0x21: {  	s3 =	sadd.s32 s3, s9;
	s6 =	sadd.s32 @!p0 $0x88, s6;
	s7 =	simm.s32 @p2 $0x1082  }
0x22: {  	[simem:s7], [sflag:s8] =	dma.local @!p0 [hbm:s6], $0xF7A  }
0x23: {  	s9 =	sor.u32 $0xD0000000, s2;
	s6 =	simm.s32 $0x108;
	_ =	swait.ge @!p0 [sflag:s8], $0x0  }
0x24: {  	s3 =	sadd.s32 $0x88, s3;
	s6 =	simm.s32 @!p1 $0x1082;
	[sflag:s4] =	ssyncset.s32 $0xFFFFF086  }
0x25: {  	[simem:s6], [sflag:s4] =	dma.local [hbm:s3], $0xF7A  }
0x26: {  	[smem:$0x3F93] =	sst s1;
	(tag) =	ssettag s2;
	_ =	strace s9  }
0x27: {  	s1 =	sld [smem:$0x3FA3]  }
0x28: {  	s2 =	sld [smem:$0x3FA4]  }
0x29: {  	s4 =	sld [smem:$0x3FA6]  }
0x2a: {  	p0 =	seq.s32 s5, $0x0;
	s5 =	sld [smem:$0x3FA7]  }
0x2b: {  	s6 =	sld [smem:$0x3FA8]  }
0x2c: {  	s7 =	sld [smem:$0x3FA9]  }
0x2d: {  	s3 =	simm.s32 $0x108;
	s8 =	sld [smem:$0x3FAA]  }
0x2e: {  	s3 =	simm.s32 @!p0 $0x1082;
	s9 =	sld [smem:$0x3FAB]  }
0x2f: {  	lr =	sadd.s32 s0, s3;
	s0 =	sld [smem:$0x3FA2]  }
0x30: {  	s3 =	sld [smem:$0x3FA5]  }
0x31: {  	[smem:$0x3FAE] =	sst s10  }
0x32: {  	s10 =	sld [smem:$0x3FAC];
	_ =	sdelay $0x3  }
0x33: {  	p0 =	seq.s32 s10, $0x1;
	s10 =	sld [smem:$0x3FAE];
	_ =	sdelay $0x3  }
0x34: {  	[smem:$0x3FAE] =	sst s10  }
0x35: {  	s10 =	sld [smem:$0x3FAD];
	_ =	sdelay $0x3  }
0x36: {  	p1 =	seq.s32 s10, $0x1;
	s10 =	sld [smem:$0x3FAE];
	_ =	sdelay $0x3  }
0x37: {  	[smem:$0x3FAE] =	sst s10  }
0x38: {  	s10 =	sld [smem:$0x3FAF]  }
0x39: {  	_ = 	snop;
	(pc) =	sbr.ind lr, $3  }
0x3a: {  	_ = 	snop  }
0x3b: {  	_ = 	snop  }
0x3c: {  	p2 =	seq.s32 s10, $0x1;
	s10 =	sld [smem:$0x3FAE]  }
0x3d: {  	_ =	shalt  }
0x3e: {  	_ =	shalt  }
0x3f: {  	_ =	shalt  }
0x40: {  	_ =	shalt  }
0x41: {  	_ =	shalt  }
0x42: {  	_ =	shalt  }
0x43: {  	_ =	shalt  }
0x44: {  	_ =	shalt  }
0x45: {  	_ =	shalt  }
0x46: {  	_ =	shalt  }
0x47: {  	_ =	shalt  }
0x48: {  	_ =	shalt  }
0x49: {  	_ =	shalt  }
0x4a: {  	_ =	shalt  }
0x4b: {  	_ =	shalt  }
0x4c: {  	_ =	shalt  }
0x4d: {  	_ =	shalt  }
0x4e: {  	_ =	shalt  }
0x4f: {  	_ =	shalt  }
0x50: {  	_ =	shalt  }
0x51: {  	_ =	shalt  }
0x52: {  	_ =	shalt  }
0x53: {  	_ =	shalt  }
0x54: {  	_ =	shalt  }
0x55: {  	_ =	shalt  }
0x56: {  	_ =	shalt  }
0x57: {  	_ =	shalt  }
0x58: {  	_ =	shalt  }
0x59: {  	_ =	shalt  }
0x5a: {  	_ =	shalt  }
0x5b: {  	_ =	shalt  }
0x5c: {  	_ =	shalt  }
0x5d: {  	_ =	shalt  }
0x5e: {  	_ =	shalt  }
0x5f: {  	_ =	shalt  }
0x60: {  	_ =	shalt  }
0x61: {  	_ =	shalt  }
0x62: {  	_ =	shalt  }
0x63: {  	_ =	shalt  }
0x64: {  	_ =	shalt  }
0x65: {  	_ =	shalt  }
0x66: {  	_ =	shalt  }
0x67: {  	_ =	shalt  }
0x68: {  	_ =	shalt  }
0x69: {  	_ =	shalt  }
0x6a: {  	_ =	shalt  }
0x6b: {  	_ =	shalt  }
0x6c: {  	_ =	shalt  }
0x6d: {  	_ =	shalt  }
0x6e: {  	_ =	shalt  }
0x6f: {  	_ =	shalt  }
0x70: {  	_ =	shalt  }
0x71: {  	_ =	shalt  }
0x72: {  	_ =	shalt  }
0x73: {  	_ =	shalt  }
0x74: {  	_ =	shalt  }
0x75: {  	_ =	shalt  }
0x76: {  	_ =	shalt  }
0x77: {  	_ =	shalt  }
0x78: {  	_ =	shalt  }
0x79: {  	_ =	shalt  }
0x7a: {  	_ =	shalt  }
0x7b: {  	_ =	shalt  }
0x7c: {  	_ =	shalt  }
0x7d: {  	_ =	shalt  }
0x7e: {  	_ =	shalt  }
0x7f: {  	_ =	shalt  }
0x80: {  	_ =	shalt  }
0x81: {  	_ =	shalt  }
0x82: {  	_ =	shalt  }
0x83: {  	_ =	shalt  }
0x84: {  	_ =	shalt  }
0x85: {  	_ =	shalt  }
0x86: {  	_ =	shalt  }
0x87: {  	_ =	shalt  }
.Lfunc_end0:
.L_simem_size_0:
called_computation.2_lowered:
.L_overlay_start_0:
0x88: {  	s2 =	sld [smem:$0x3FD9]  }
0x89: {  	s3 =	sld [smem:$0x3FFE];
	_ =	sdelay $0x1  }
0x8a: {  	s1 =	srdreg.scid  }
0x8b: {  	s0 =	sand.u32 $0x1, s1  }
0x8c: {  	s16 =	sshll.u32 s0, $0xA;
	s2 =	sadd.s32 s3, s2  }
0x8d: {  	s2 =	sadd.s32 s2, s16  }
0x8e: {  	[smem:$0x3FBA] =	sst s2  }
0x8f: {  	_ = 	snop  }
0x90: {  	(tm) =	ssettm $0x1  }
0x91: {  	s17 =	sld [smem:$0x3FFB];
	_ =	sdelay $0x3  }
0x92: {  	_ =	strace s17  }
0x93: {  	s2 =	sld [smem:$0x3FFC];
	_ =	sdelay $0x3  }
0x94: {  	_ =	strace s2  }
0x95: {  	s2 =	sld [smem:$0x3FFD];
	_ =	sdelay $0x3  }
0x96: {  	_ =	strace s2  }
0x97: {  	_ =	strace $0x8FFFFFFF  }
0x98: {  	s18 =	sld [smem:$0x3FDB];
	_ =	sdelay $0x1  }
0x99: {  	s19 =	simm.s32 $_scs_section_size  }
0x9a: {  	s4 =	simm.s32 $_size__tile_overlayer_lowered;
	s5 =	simm.s32 $_tile_overlayer_lowered  }
0x9b: {  	s22 =	simm.s32 $0x1BFF;
	s21 =	sshll.u32 s5, $0x1;
	s2 =	sadd.s32 s19, s18  }
0x9c: {  	s6 =	simm.s32 $0x0;
	s20 =	sshll.u32 s4, $0x1;
	s4 =	sadd.s32 s21, s2  }
0x9d: {  	[timem:s6], [sflag:s22] =	dma.local [hbm:s4], s20  }
0x9e: {  	_ =	swait.ge [sflag:s22], s20  }
0x9f: {  	s3 =	ssub.s32 $0x0, s20;
	[sflag:s22] =	ssyncset.done $0x0  }
0xa0: {  	[sflag:s22] =	ssyncadd.s32 s3;
	_ =	sdelay $0x1  }
0xa1: {  	s23 =	simm.s32 $0x1B8B  }
0xa2: {  	_ =	swait.ge [sflag:s23], $0x1  }
0xa3: {  	[sflag:s23] =	ssyncset.done $0x0  }
0xa4: {  	s25 =	simm.s32 $0x1B8E;
	s24 =	sld [smem:$0x3FFE];
	[sflag:s23] =	ssyncadd.s32 $0xFFFFFFFF  }
0xa5: {  	s26 =	simm.s32 $execute0_lowered;
	[smem:$0x3FD2] =	sst s25  }
0xa6: {  	s4 =	sshll.u32 s26, $0x1;
	_ =	strace $0x80000046;
	[dreg:$0x1] =	wrdreg $0xFFFFFFFF  }
0xa7: {  	s28 =	simm.s32 $_size_execute0_lowered;
	s2 =	sadd.s32 s2, s4;
	[dreg:$0x0] =	wrdreg $0x0  }
0xa8: {  	s4 =	sshll.u32 s28, $0x1;
	[dreg:$0x2] =	wrdreg s2  }
0xa9: {  	[dreg:$0x3] =	wrdreg s4  }
0xaa: {  	[dreg:$0x4] =	wrdreg $0xC0  }
0xab: {  	_ =	task [dreg:s6], $0x5FFFF  }
0xac: {  	[dreg:$0x1] =	wrdreg $0xFFFFFFFF  }
0xad: {  	[dreg:$0x0] =	wrdreg $0x60  }
0xae: {  	[dreg:$0x2] =	wrdreg s24  }
0xaf: {  	[dreg:$0x3] =	wrdreg $0x68000  }
0xb0: {  	[dreg:$0x4] =	wrdreg $0xB  }
0xb1: {  	_ =	task.clear_ibuf [dreg:s6], $0x5FFFF;
	_ =	strace $0x90000046  }
0xb2: {  	s29 =	simm.s32 $0xB;
	_ =	strace $0x80000048  }
0xb3: {  	_ =	swait.ge [sflag:s29], $0x1  }
0xb4: {  	[sflag:s29] =	ssyncadd.s32 $0xFFFFFFFF  }
0xb5: {  	_ =	strace $0x90000048  }
0xb6: {  	_ =	sfence  }
0xb7: {  	s30 =	sld [smem:$0x0];
	_ =	sdelay $0x2  }
0xb8: {  	s31 =	sshll.u32 s1, $0xD;
	s1 =	sshrl.u32 s1, $0x2  }
0xb9: {  	s3 =	sand.u32 $0x4000, s31;
	s1 =	sadd.s32 s1, s30  }
0xba: {  	s0 =	sor.u32 s3, s0;
	s1 =	sshll.u32 s1, $0x11  }
0xbb: {  	s0 =	sor.u32 s1, s0  }
0xbc: {  	s0 =	sadd.s32 $0x8F2B, s0  }
0xbd: {  	[sflag:s0] =	ssyncadd.remote.s32 $0x1  }
0xbe: {  	_ =	sfence.sel $0xFFFF  }
0xbf: {  	[dreg:$0x0] =	wrdreg $0xFFFFFFFF;
	(pc) =	sbr.abs _section_cstart, $3  }
0xc0: {  	[dreg:$0x1] =	wrdreg $0xFFFFFFFF  }
0xc1: {  	_ =	task.clear_ibuf [dreg:s6], $0x2FFFF;
	_ =	strace $0x9FFFFFFF  }
0xc2: {  	(tm) =	ssettm $0x7FFFFFFF  }
0xc3: {  	_ =	shalt  }
tec
execute0_lowered:
.L_overlay_start_1:
0x0: {  	(tag) =	ssettag $0x1  }
0x1: {  	s5 =	rddreg [dreg:$0x0]  }
0x2: {  	s0 =	srdreg.scid;
	s1 =	stileid.u32  }
0x3: {  	s2 =	rddreg [dreg:$0x1];
	s3 =	simm.s32 $0x0;
	s7 =	smul.u32 $0x1F400, s1  }
0x4: {  	s13 =	simm.s32 $0x50;
	s14 =	simm.s32 $0x0;
	s9 =	smul.u32 $0x3E80, s1  }
0x5: {  	s6 =	sand.u32 $0x1, s0;
	s0 =	rddreg [dreg:$0x2];
	s10 =	smul.u32 $0x7D000, s1  }
0x6: {  	[smem:$0x7FF] =	sst s3;
	s11 =	sshll.u32 s1, $0xC;
	s4 =	smul.u32 $0x138800, s6  }
0x7: {  	p0 =	sgt.u32 s1, $0x9;
	s8 =	sshll.u32 s6, $0xB;
	_ =	strace $0x80000047  }
0x8: {  	s30 =	ssub.s32 $0x2, s6;
	s8 =	sadd.s32 s8, s5;
	s28 =	sadd.s32 s9, s5  }
0x9: {  	s6 =	sshrl.u32 s30, $0x1;
	s10 =	sshrl.u32 s10, $0x2;
	s4 =	sadd.s32 s7, s4  }
0xa: {  	s12 =	ssub.s32 s30, s6;
	s10 =	sadd.s32 s10, s2;
	s31 =	sadd.s32 s11, s8  }
0xb: {  	s11 =	simm.s32 $0x1;
	s29 =	sshrl.u32 s4, $0x3;
	s4 =	sadd.s32 $0x3CA00, s5  }
0xc: {  	s6 =	sadd.s32 $0x5800, s31;
	s8 =	smax.u32 s12, $0x1;
	s9 =	sadd.s32 s29, s5  }
0xd: {  	s10 =	sshrl.u32 @!p0 s10, $0x3;
	s7 =	sadd.s32 $0x3D000, s9;
	s9 =	sshll.u32 @!p0 s1, $0x6  }
0xe: {  	s12 =	simm.s32 $0x4000;
	s5 =	sadd.s32 $0x15800, s28;
	s9 =	sor.u32 @!p0 $0x1C01, s9  }
.LBB2_1:
0xf: {  	[spmem:s10], [sflag:s9] =	dma.local @!p0 [hbm:s5], $0x3E80  }
0x10: {  	s15 =	simm.s32 @!p0 $0x1  }
0x11: {  	_ =	swait.ge @!p0 [sflag:s15], $0x3E80  }
0x12: {  	[sflag:s15] =	ssyncset.done @!p0 $0x0  }
0x13: {  	[sflag:s15] =	ssyncadd.s32 @!p0 $0xFFFFC180  }
0x14: {  	[tilespmem:s3], [sflag:$0x1] =	stream.linear.gather [hbm4b:s6+s3], $0x3E80, $0x38;
	[tilespmem:$0x1A080] =	vst v63  }
0x15: {  	_ =	swait.ge [sflag:s11], $0x3E80  }
0x16: {  	[sflag:s11] =	ssyncset.done $0x0  }
0x17: {  	[sflag:s11] =	ssyncadd.s32 $0xFFFFC180  }
0x18: {  	[tilespmem:s12], [sflag:$0x1] =	stream.linear.gather [hbm4b:s4+s3], $0x2800, $0x38;
	[tilespmem:$0x1A080] =	vst v63  }
0x19: {  	_ =	swait.ge [sflag:s11], $0x2800  }
0x1a: {  	[sflag:s11] =	ssyncset.done $0x0  }
0x1b: {  	[sflag:s11] =	ssyncadd.s32 $0xFFFFD800  }
0x1c: {  	s31 =	simm.s32 $0x0;
	[bflag:$0x0] =	sbarrier.arrive $0xFFFF  }
0x1d: {  	[spmem:s2] =	stream.indirect.scatter.add.f32 [tilespmem:s12], [sflag:$0x1], $0x80, s31, s13, $0xb8;
	[tilespmem:$0x1A080] =	vst v63  }
0x1e: {  	_ =	swait.ge [sflag:s11], $0x2800  }
0x1f: {  	s15 =	simm.s32 $0x200;
	[sflag:s11] =	ssyncset.done $0x0  }
.LBB2_2:
0x20: {  	s16 =	sshra.s32 s15, $0x2;
	[sflag:s11] =	ssyncadd.s32 $0xFFFFD800;
	p1 =	sne.s32 s15, $0xF800  }
0x21: {  	[spmem:s2] =	stream.indirect.scatter.add.f32 [tilespmem:s12], [sflag:$0x1], $0x80, s16, s13, $0xb8;
	[tilespmem:$0x1A080] =	vst v63  }
.Ltmp0:
0x22: {  	_ = 	snop;
	(pc) =	sbr.rel @p1 .LBB2_2-.Ltmp0, $4  }
0x23: {  	_ = 	snop  }
0x24: {  	s15 =	sadd.s32 $0x200, s15  }
0x25: {  	_ =	swait.ge [sflag:s11], $0x2800  }
0x26: {  	[sflag:s11] =	ssyncset.done $0x0  }
0x27: {  	s14 =	sadd.s32 $0x1, s14  }
0x28: {  	[sflag:s11] =	ssyncadd.s32 $0xFFFFD800;
	p1 =	sne.s32 s14, s8  }
.Ltmp1:
0x29: {  	s15 =	simm.s32 @!p0 $0x1;
	[bflag:$0x0] =	sbarrier.arrive $0xFFFF;
	(pc) =	sbr.rel @p1 .LBB2_1-.Ltmp1, $4  }
0x2a: {  	[hbm:s7], [sflag:s9] =	dma.local @!p0 [spmem:s10], $0x3E80  }
0x2b: {  	_ =	swait.ge @!p0 [sflag:s15], $0x3E80  }
0x2c: {  	[sflag:s15] =	ssyncset.done @!p0 $0x0  }
0x2d: {  	[sflag:s15] =	ssyncadd.s32 @!p0 $0xFFFFC180  }
0x2e: {  	_ =	sfence.sel $0x180000  }
0x2f: {  	[bflag:$0x0] =	sbarrier.arrive $0xFFFF  }
0x30: {  	p0 =	sne.s32 s1, $0x0;
	_ =	strace $0x90000047  }
0x31: {  	s0 =	sadd.s32 @!p0 $0x100000, s0;
	[bflag:$0x2] =	sbarrier.arrive $0xFFFF  }
0x32: {  	[sflag:s0] =	ssyncadd.tile.s32 @!p0 $0x1;
	_ =	shalt  }
.Lfunc_end2:
_tile_overlayer_lowered:
.L_overlay_start_2:
0x33: {  	(tag) =	ssettag $0x2  }
0x34: {  	s0 =	rddreg [dreg:$0x0];
	s2 =	stileid.u32  }
0x35: {  	s1 =	rddreg [dreg:$0x1];
	p0 =	sne.s32 s2, $0x0  }
0x36: {  	s3 =	rddreg [dreg:$0x2];
	[bflag:$0x3] =	sbarrier.arrive $0xFFFF;
	s2 =	simm.s32 @!p0 $0x1C01  }
0x37: {  	[timem:s3], [sflag:s2] =	dma.local @!p0 [hbm:s0], s1  }
0x38: {  	s0 =	simm.s32 @!p0 $0x1  }
0x39: {  	_ =	swait.ge @!p0 [sflag:s0], s1  }
0x3a: {  	s1 =	ssub.s32 @!p0 $0x0, s1;
	[sflag:s0] =	ssyncset.done @!p0 $0x0  }
0x3b: {  	[sflag:s0] =	ssyncadd.s32 @!p0 s1  }
0x3c: {  	[bflag:$0x3] =	sbarrier.arrive $0xFFFF  }
0x3d: {  	_ =	shalt  }

// kernel: kernel.20.cloned.1.call-start
scs
__scs_entry_jumppad:
0x0: {  	(pc) =	sbr.rel $0x88, $3  }
0x1: {  	(tag) =	ssettag $0x0;
	lr =	simm.s32 $0x1  }
0x2: {  	[smem:$0x3F93] =	sst lr;
	_ =	strace $0xD0000000  }
0x3: {  	_ = 	snop  }
0x4: {  	_ = 	snop  }
0x5: {  	_ = 	snop  }
0x6: {  	_ = 	snop  }
0x7: {  	_ = 	snop  }
__scs_overlays_trampoline_lowered:
0x8: {  	[smem:$0x3FA2] =	sst s0  }
0x9: {  	[smem:$0x3FA3] =	sst s1  }
0xa: {  	[smem:$0x3FA4] =	sst s2  }
0xb: {  	[smem:$0x3FA5] =	sst s3  }
0xc: {  	[smem:$0x3FA6] =	sst s4  }
0xd: {  	[smem:$0x3FA7] =	sst s5  }
0xe: {  	[smem:$0x3FA8] =	sst s6  }
0xf: {  	[smem:$0x3FA9] =	sst s7  }
0x10: {  	[smem:$0x3FAA] =	sst s8  }
0x11: {  	[smem:$0x3FAB] =	sst s9;
	s0 =	simm.s32 @!p0 $0x0  }
0x12: {  	s1 =	sld [smem:$0x3F91];
	s0 =	simm.s32 @p0 $0x1  }
0x13: {  	[smem:$0x3FAC] =	sst s0;
	s0 =	simm.s32 @!p1 $0x0  }
0x14: {  	s2 =	sld [smem:$0x3F90];
	s0 =	simm.s32 @p1 $0x1  }
0x15: {  	[smem:$0x3FAD] =	sst s0;
	s0 =	simm.s32 @!p2 $0x0  }
0x16: {  	s3 =	sld [smem:$0x3FDB];
	s0 =	simm.s32 @p2 $0x1  }
0x17: {  	s4 =	simm.s32 $0x1BF5;
	[smem:$0x3FAF] =	sst s0  }
0x18: {  	s0 =	sld [smem:$0x3F92];
	_ =	swait.ge [sflag:s4], $0x0  }
0x19: {  	s7 =	sld [smem:$0x3F93]  }
0x1a: {  	s8 =	sadd.s32 $0xFFFFE003, lr  }
0x1b: {  	s9 =	sadd.s32 $0xFFFFFEF7, lr;
	s5 =	simm.s32 $0xFFFFFFFF;
	p2 =	slt.u32 s8, $0xFFFFF086  }
0x1c: {  	p1 =	slt.u32 s9, $0xF7A;
	s5 =	simm.s32 @!p2 $0x0  }
0x1d: {  	s5 =	simm.s32 @p1 $0x1;
	p0 =	seq.s32 s7, s2  }
0x1e: {  	s7 =	smul.u32 @!p0 $0xF7A, s2;
	p2 =	seq.s32 @!p0 s5, $0x0  }
0x1f: {  	s9 =	smul.u32 $0xF7A, s1;
	s8 =	simm.s32 @!p0 $0x1BF5;
	p2 =	por !p2, p0  }
0x20: {  	[sflag:s8] =	ssyncset.s32 @!p0 $0xFFFFF086;
	s6 =	sadd.s32 @!p0 s3, s7;
	s7 =	simm.s32 @!p0 $0x108  }
0x21: {  	s3 =	sadd.s32 s3, s9;
	s6 =	sadd.s32 @!p0 $0x88, s6;
	s7 =	simm.s32 @p2 $0x1082  }
0x22: {  	[simem:s7], [sflag:s8] =	dma.local @!p0 [hbm:s6], $0xF7A  }
0x23: {  	s9 =	sor.u32 $0xD0000000, s2;
	s6 =	simm.s32 $0x108;
	_ =	swait.ge @!p0 [sflag:s8], $0x0  }
0x24: {  	s3 =	sadd.s32 $0x88, s3;
	s6 =	simm.s32 @!p1 $0x1082;
	[sflag:s4] =	ssyncset.s32 $0xFFFFF086  }
0x25: {  	[simem:s6], [sflag:s4] =	dma.local [hbm:s3], $0xF7A  }
0x26: {  	[smem:$0x3F93] =	sst s1;
	(tag) =	ssettag s2;
	_ =	strace s9  }
0x27: {  	s1 =	sld [smem:$0x3FA3]  }
0x28: {  	s2 =	sld [smem:$0x3FA4]  }
0x29: {  	s4 =	sld [smem:$0x3FA6]  }
0x2a: {  	p0 =	seq.s32 s5, $0x0;
	s5 =	sld [smem:$0x3FA7]  }
0x2b: {  	s6 =	sld [smem:$0x3FA8]  }
0x2c: {  	s7 =	sld [smem:$0x3FA9]  }
0x2d: {  	s3 =	simm.s32 $0x108;
	s8 =	sld [smem:$0x3FAA]  }
0x2e: {  	s3 =	simm.s32 @!p0 $0x1082;
	s9 =	sld [smem:$0x3FAB]  }
0x2f: {  	lr =	sadd.s32 s0, s3;
	s0 =	sld [smem:$0x3FA2]  }
0x30: {  	s3 =	sld [smem:$0x3FA5]  }
0x31: {  	[smem:$0x3FAE] =	sst s10  }
0x32: {  	s10 =	sld [smem:$0x3FAC];
	_ =	sdelay $0x3  }
0x33: {  	p0 =	seq.s32 s10, $0x1;
	s10 =	sld [smem:$0x3FAE];
	_ =	sdelay $0x3  }
0x34: {  	[smem:$0x3FAE] =	sst s10  }
0x35: {  	s10 =	sld [smem:$0x3FAD];
	_ =	sdelay $0x3  }
0x36: {  	p1 =	seq.s32 s10, $0x1;
	s10 =	sld [smem:$0x3FAE];
	_ =	sdelay $0x3  }
0x37: {  	[smem:$0x3FAE] =	sst s10  }
0x38: {  	s10 =	sld [smem:$0x3FAF]  }
0x39: {  	_ = 	snop;
	(pc) =	sbr.ind lr, $3  }
0x3a: {  	_ = 	snop  }
0x3b: {  	_ = 	snop  }
0x3c: {  	p2 =	seq.s32 s10, $0x1;
	s10 =	sld [smem:$0x3FAE]  }
0x3d: {  	_ =	shalt  }
0x3e: {  	_ =	shalt  }
0x3f: {  	_ =	shalt  }
0x40: {  	_ =	shalt  }
0x41: {  	_ =	shalt  }
0x42: {  	_ =	shalt  }
0x43: {  	_ =	shalt  }
0x44: {  	_ =	shalt  }
0x45: {  	_ =	shalt  }
0x46: {  	_ =	shalt  }
0x47: {  	_ =	shalt  }
0x48: {  	_ =	shalt  }
0x49: {  	_ =	shalt  }
0x4a: {  	_ =	shalt  }
0x4b: {  	_ =	shalt  }
0x4c: {  	_ =	shalt  }
0x4d: {  	_ =	shalt  }
0x4e: {  	_ =	shalt  }
0x4f: {  	_ =	shalt  }
0x50: {  	_ =	shalt  }
0x51: {  	_ =	shalt  }
0x52: {  	_ =	shalt  }
0x53: {  	_ =	shalt  }
0x54: {  	_ =	shalt  }
0x55: {  	_ =	shalt  }
0x56: {  	_ =	shalt  }
0x57: {  	_ =	shalt  }
0x58: {  	_ =	shalt  }
0x59: {  	_ =	shalt  }
0x5a: {  	_ =	shalt  }
0x5b: {  	_ =	shalt  }
0x5c: {  	_ =	shalt  }
0x5d: {  	_ =	shalt  }
0x5e: {  	_ =	shalt  }
0x5f: {  	_ =	shalt  }
0x60: {  	_ =	shalt  }
0x61: {  	_ =	shalt  }
0x62: {  	_ =	shalt  }
0x63: {  	_ =	shalt  }
0x64: {  	_ =	shalt  }
0x65: {  	_ =	shalt  }
0x66: {  	_ =	shalt  }
0x67: {  	_ =	shalt  }
0x68: {  	_ =	shalt  }
0x69: {  	_ =	shalt  }
0x6a: {  	_ =	shalt  }
0x6b: {  	_ =	shalt  }
0x6c: {  	_ =	shalt  }
0x6d: {  	_ =	shalt  }
0x6e: {  	_ =	shalt  }
0x6f: {  	_ =	shalt  }
0x70: {  	_ =	shalt  }
0x71: {  	_ =	shalt  }
0x72: {  	_ =	shalt  }
0x73: {  	_ =	shalt  }
0x74: {  	_ =	shalt  }
0x75: {  	_ =	shalt  }
0x76: {  	_ =	shalt  }
0x77: {  	_ =	shalt  }
0x78: {  	_ =	shalt  }
0x79: {  	_ =	shalt  }
0x7a: {  	_ =	shalt  }
0x7b: {  	_ =	shalt  }
0x7c: {  	_ =	shalt  }
0x7d: {  	_ =	shalt  }
0x7e: {  	_ =	shalt  }
0x7f: {  	_ =	shalt  }
0x80: {  	_ =	shalt  }
0x81: {  	_ =	shalt  }
0x82: {  	_ =	shalt  }
0x83: {  	_ =	shalt  }
0x84: {  	_ =	shalt  }
0x85: {  	_ =	shalt  }
0x86: {  	_ =	shalt  }
0x87: {  	_ =	shalt  }
.Lfunc_end0:
.L_simem_size_0:
called_computation.3_lowered:
.L_overlay_start_0:
0x88: {  	s2 =	sld [smem:$0x3FD9]  }
0x89: {  	s3 =	sld [smem:$0x3FFE];
	_ =	sdelay $0x1  }
0x8a: {  	s1 =	srdreg.scid  }
0x8b: {  	s0 =	sand.u32 $0x1, s1  }
0x8c: {  	s17 =	sshll.u32 s0, $0xA;
	s2 =	sadd.s32 s3, s2  }
0x8d: {  	s2 =	sadd.s32 s2, s17  }
0x8e: {  	[smem:$0x3FBA] =	sst s2  }
0x8f: {  	_ = 	snop  }
0x90: {  	(tm) =	ssettm $0x1  }
0x91: {  	s18 =	sld [smem:$0x3FFB];
	_ =	sdelay $0x3  }
0x92: {  	_ =	strace s18  }
0x93: {  	s2 =	sld [smem:$0x3FFC];
	_ =	sdelay $0x3  }
0x94: {  	_ =	strace s2  }
0x95: {  	s2 =	sld [smem:$0x3FFD];
	_ =	sdelay $0x3  }
0x96: {  	_ =	strace s2  }
0x97: {  	_ =	strace $0x8FFFFFFF  }
0x98: {  	s19 =	sld [smem:$0x3FDB];
	_ =	sdelay $0x1  }
0x99: {  	s20 =	simm.s32 $_scs_section_size  }
0x9a: {  	s4 =	simm.s32 $_size__tile_overlayer_lowered;
	s5 =	simm.s32 $_tile_overlayer_lowered  }
0x9b: {  	s6 =	simm.s32 $0x1BFF;
	s21 =	sshll.u32 s5, $0x1;
	s3 =	sadd.s32 s20, s19  }
0x9c: {  	s22 =	simm.s32 $0x0;
	s4 =	sshll.u32 s4, $0x1;
	s5 =	sadd.s32 s21, s3  }
0x9d: {  	[timem:s22], [sflag:s6] =	dma.local [hbm:s5], s4  }
0x9e: {  	_ =	swait.ge [sflag:s6], s4  }
0x9f: {  	s4 =	ssub.s32 $0x0, s4;
	[sflag:s6] =	ssyncset.done $0x0  }
0xa0: {  	[sflag:s6] =	ssyncadd.s32 s4;
	_ =	sdelay $0x1  }
0xa1: {  	s23 =	simm.s32 $0x1B8B  }
0xa2: {  	_ =	swait.ge [sflag:s23], $0x1  }
0xa3: {  	[sflag:s23] =	ssyncset.done $0x0  }
0xa4: {  	[sflag:s23] =	ssyncadd.s32 $0xFFFFFFFF  }
0xa5: {  	s4 =	sld [smem:$0x0]  }
0xa6: {  	s5 =	sand.u32 $0xFFFFFFFE, s1  }
0xa7: {  	p0 =	sne.s32 s1, s5  }
0xa8: {  	s5 =	sshll.u32 @p0 s5, $0xE  }
0xa9: {  	s5 =	sadd.s32 @p0 $0x11B8D, s5;
	s6 =	sshll.u32 @p0 s4, $0x11  }
0xaa: {  	s5 =	sor.u32 @p0 s6, s5  }
0xab: {  	[sflag:s5] =	ssyncadd.remote.s32 @p0 $0x1;
	_ =	sdelay $0x1  }
0xac: {  	s5 =	simm.s32 @p0 $0x1B8D  }
0xad: {  	_ =	swait.eq @p0 [sflag:s5], $0x1  }
0xae: {  	[sflag:s5] =	ssyncadd.s32 @p0 $0xFFFFFFFF  }
0xaf: {  	s6 =	sshll.u32 @!p0 s1, $0xE  }
0xb0: {  	s6 =	sor.u32 @!p0 $0x4000, s6;
	s5 =	simm.s32 @!p0 $0x1B8D  }
0xb1: {  	s4 =	sshll.u32 @!p0 s4, $0x11;
	s6 =	sadd.s32 @!p0 $0x11B8D, s6;
	_ =	swait.eq @!p0 [sflag:s5], $0x1  }
0xb2: {  	s4 =	sor.u32 @!p0 s4, s6;
	[sflag:s5] =	ssyncadd.s32 @!p0 $0xFFFFFFFF  }
0xb3: {  	s25 =	simm.s32 $0x1B8E;
	s24 =	sld [smem:$0x3FFE];
	[sflag:s4] =	ssyncadd.remote.s32 @!p0 $0x1  }
0xb4: {  	s26 =	simm.s32 $execute0_lowered;
	[smem:$0x3FD2] =	sst s25  }
0xb5: {  	s5 =	sshll.u32 s26, $0x1;
	_ =	strace $0x80000052;
	[dreg:$0x1] =	wrdreg $0xFFFFFFFF  }
0xb6: {  	s28 =	simm.s32 $_size_execute0_lowered;
	s3 =	sadd.s32 s3, s5;
	[dreg:$0x0] =	wrdreg $0x0  }
0xb7: {  	s5 =	sshll.u32 s28, $0x1;
	[dreg:$0x2] =	wrdreg s3  }
0xb8: {  	[dreg:$0x3] =	wrdreg s5  }
0xb9: {  	[dreg:$0x4] =	wrdreg $0xC0  }
0xba: {  	_ =	task [dreg:s22], $0x5FFFF  }
0xbb: {  	[dreg:$0x1] =	wrdreg $0xFFFFFFFF  }
0xbc: {  	[dreg:$0x0] =	wrdreg $0x60  }
0xbd: {  	[dreg:$0x2] =	wrdreg s24  }
0xbe: {  	[dreg:$0x3] =	wrdreg $0x68000  }
0xbf: {  	[dreg:$0x4] =	wrdreg $0x9  }
0xc0: {  	_ =	task.clear_ibuf [dreg:s22], $0x5FFFF;
	_ =	strace $0x90000052  }
0xc1: {  	s29 =	simm.s32 $0x9;
	_ =	strace $0x80000054  }
0xc2: {  	_ =	swait.ge [sflag:s29], $0x1  }
0xc3: {  	[sflag:s29] =	ssyncadd.s32 $0xFFFFFFFF  }
0xc4: {  	_ =	strace $0x90000054  }
0xc5: {  	_ =	sfence  }
0xc6: {  	s30 =	sld [smem:$0x0];
	_ =	sdelay $0x2  }
0xc7: {  	s31 =	sshll.u32 s1, $0xD;
	s1 =	sshrl.u32 s1, $0x2  }
0xc8: {  	s4 =	sand.u32 $0x4000, s31;
	s1 =	sadd.s32 s1, s30  }
0xc9: {  	s0 =	sor.u32 s4, s0;
	s1 =	sshll.u32 s1, $0x11  }
0xca: {  	s0 =	sor.u32 s1, s0  }
0xcb: {  	s0 =	sadd.s32 $0x8F2B, s0  }
0xcc: {  	[sflag:s0] =	ssyncadd.remote.s32 $0x1  }
0xcd: {  	_ =	sfence.sel $0xFFFF  }
0xce: {  	[dreg:$0x0] =	wrdreg $0xFFFFFFFF;
	(pc) =	sbr.abs _section_cstart, $3  }
0xcf: {  	[dreg:$0x1] =	wrdreg $0xFFFFFFFF  }
0xd0: {  	_ =	task.clear_ibuf [dreg:s22], $0x2FFFF;
	_ =	strace $0x9FFFFFFF  }
0xd1: {  	(tm) =	ssettm $0x7FFFFFFF  }
tec
execute0_lowered:
.L_overlay_start_1:
0x0: {  	(tag) =	ssettag $0x1  }
0x1: {  	s4 =	rddreg [dreg:$0x0]  }
0x2: {  	s2 =	rddreg [dreg:$0x1]  }
0x3: {  	s0 =	rddreg [dreg:$0x2]  }
0x4: {  	s5 =	srdreg.scid;
	s3 =	simm.s32 $0x0;
	s1 =	stileid.u32  }
0x5: {  	s16 =	simm.s32 $0x5400;
	s17 =	simm.s32 $0x1;
	s8 =	smul.u32 $0x1F400, s1  }
0x6: {  	s18 =	simm.s32 $0x28;
	s19 =	simm.s32 $0x2;
	s11 =	smul.u32 $0x3E80, s1  }
0x7: {  	s20 =	simm.s32 $0x3D00;
	s7 =	sand.u32 $0x1, s5;
	s12 =	smul.u32 $0x7D000, s1  }
0x8: {  	[smem:$0x7FF] =	sst s3;
	s9 =	sadd.s32 $0x80EA00, s4;
	s29 =	smul.u32 $0x27100, s1  }
0x9: {  	s21 =	sshll.u32 s1, $0x1;
	p0 =	sgt.u32 s1, $0x9;
	s6 =	smul.u32 $0x138800, s7  }
0xa: {  	_ =	strace $0x80000053;
	s5 =	sor.u32 s7, s21;
	s22 =	ssub.s32 $0x2, s7  }
0xb: {  	s31 =	smul.u32 $0x13880, s7;
	s21 =	simm.s32 $0x3D80;
	s10 =	sshll.u32 s5, $0xB  }
0xc: {  	s11 =	sadd.s32 s11, s4;
	s23 =	sshrl.u32 s22, $0x1;
	s25 =	smul.u32 $0x9C400, s5  }
0xd: {  	s24 =	sshrl.u32 s12, $0x2;
	s26 =	smul.u32 $0x13880, s5;
	s12 =	sshll.u32 @!p0 s1, $0x6  }
0xe: {  	s10 =	sadd.s32 s10, s4;
	s6 =	sadd.s32 s8, s6;
	s14 =	ssub.s32 s22, s23  }
0xf: {  	s15 =	sadd.s32 s24, s2;
	s12 =	sor.u32 @!p0 $0x1C03, s12;
	s22 =	simm.s32 $0x3E00  }
0x10: {  	s23 =	simm.s32 $0x0;
	s6 =	sshrl.u32 s6, $0x3;
	s5 =	sadd.s32 $0x5800, s10  }
0x11: {  	s28 =	sshrl.u32 s25, $0x3;
	s13 =	sadd.s32 s6, s4;
	s4 =	sadd.s32 $0x15800, s11  }
0x12: {  	s6 =	sadd.s32 s9, s26;
	s30 =	sadd.s32 s9, s28;
	s11 =	sadd.s32 s29, s9  }
0x13: {  	s9 =	smax.u32 s14, $0x1;
	s14 =	simm.s32 $0x3;
	s7 =	sadd.s32 $0x280, s30  }
0x14: {  	s8 =	sadd.s32 $0xD9400, s13;
	s11 =	sadd.s32 s31, s11;
	s10 =	sadd.s32 $0x13600, s6  }
0x15: {  	s13 =	sshrl.u32 @!p0 s15, $0x3;
	s15 =	simm.s32 $0x4000;
	s11 =	sadd.s32 $0x780, s11  }
.LBB2_1:
0x16: {  	[spmem:s13], [sflag:s12] =	dma.local @!p0 [hbm:s4], $0x3E80  }
0x17: {  	s24 =	simm.s32 @!p0 $0x3  }
0x18: {  	_ =	swait.ge @!p0 [sflag:s24], $0x3E80  }
0x19: {  	[sflag:s24] =	ssyncset.done @!p0 $0x0  }
0x1a: {  	[sflag:s24] =	ssyncadd.s32 @!p0 $0xFFFFC180  }
0x1b: {  	[tilespmem:s3], [sflag:$0x3] =	stream.linear.gather [hbm4b:s5+s3], $0x3E80, $0x38;
	[tilespmem:$0x1A080] =	vst v63  }
0x1c: {  	_ =	swait.ge [sflag:s14], $0x3E80  }
0x1d: {  	[sflag:s14] =	ssyncset.done $0x0  }
0x1e: {  	[sflag:s14] =	ssyncadd.s32 $0xFFFFC180  }
0x1f: {  	[bflag:$0x0] =	sbarrier.arrive $0xFFFF  }
0x20: {  	[tilespmem:s15], [sflag:$0x1] =	stream.linear.gather [hbm4b:s6+s3], $0x1400, $0x38;
	[tilespmem:$0x1A080] =	vst v63  }
0x21: {  	_ = 	snop  }
0x22: {  	[tilespmem:s16], [sflag:$0x2] =	stream.linear.gather [hbm4b:s7+s3], $0x1400, $0x38;
	[tilespmem:$0x1A080] =	vst v63  }
0x23: {  	_ =	swait.ge [sflag:s17], $0x1400  }
0x24: {  	[sflag:s17] =	ssyncset.done $0x0  }
0x25: {  	s29 =	simm.s32 $0x0;
	[sflag:s17] =	ssyncadd.s32 $0xFFFFEC00  }
0x26: {  	[spmem:s2] =	stream.indirect.scatter.add.f32 [tilespmem:s15], [sflag:$0x3], $0x80, s29, s18, $0xb8;
	[tilespmem:$0x1A080] =	vst v63  }
0x27: {  	_ =	swait.ge [sflag:s14], $0x1400  }
0x28: {  	[sflag:s14] =	ssyncset.done $0x0  }
0x29: {  	s30 =	sadd.s32 $0xFFFFFD80, s11;
	[sflag:s14] =	ssyncadd.s32 $0xFFFFEC00  }
0x2a: {  	[tilespmem:s15], [sflag:$0x1] =	stream.linear.gather [hbm4b:s30+s3], $0x1400, $0x38;
	[tilespmem:$0x1A080] =	vst v63  }
0x2b: {  	_ =	swait.ge [sflag:s19], $0x1400  }
0x2c: {  	[sflag:s19] =	ssyncset.done $0x0  }
0x2d: {  	s31 =	simm.s32 $0x80;
	[sflag:s19] =	ssyncadd.s32 $0xFFFFEC00  }
0x2e: {  	[spmem:s2] =	stream.indirect.scatter.add.f32 [tilespmem:s16], [sflag:$0x3], $0x80, s31, s18, $0xb8;
	[tilespmem:$0x1A080] =	vst v63  }
0x2f: {  	_ =	swait.ge [sflag:s14], $0x1400  }
0x30: {  	s25 =	sadd.s32 $0x500, s11;
	[sflag:s14] =	ssyncset.done $0x0  }
0x31: {  	s26 =	smov.u32 s11;
	s24 =	simm.s32 $0x400;
	[sflag:s14] =	ssyncadd.s32 $0xFFFFEC00  }
.LBB2_2:
0x32: {  	[tilespmem:s16], [sflag:$0x2] =	stream.linear.gather [hbm4b:s26+s3], $0x1400, $0x38;
	[tilespmem:$0x1A080] =	vst v63  }
0x33: {  	s28 =	smov.u32 s24;
	s26 =	smov.u32 s25  }
0x34: {  	p1 =	sne.s32 s24, $0xF000;
	s24 =	sadd.s32 $0x400, s24;
	_ =	swait.ge [sflag:s17], $0x1400  }
0x35: {  	[sflag:s17] =	ssyncset.done $0x0  }
0x36: {  	s28 =	sshra.s32 s28, $0x2;
	[sflag:s17] =	ssyncadd.s32 $0xFFFFEC00  }
0x37: {  	[spmem:s2] =	stream.indirect.scatter.add.f32 [tilespmem:s15], [sflag:$0x3], $0x80, s28, s18, $0xb8;
	[tilespmem:$0x1A080] =	vst v63  }
0x38: {  	_ =	swait.ge [sflag:s14], $0x1400  }
0x39: {  	[sflag:s14] =	ssyncset.done $0x0  }
0x3a: {  	s29 =	sadd.s32 $0xFFFFFD80, s25;
	[sflag:s14] =	ssyncadd.s32 $0xFFFFEC00  }
0x3b: {  	[tilespmem:s15], [sflag:$0x1] =	stream.linear.gather [hbm4b:s29+s3], $0x1400, $0x38;
	[tilespmem:$0x1A080] =	vst v63  }
0x3c: {  	_ =	swait.ge [sflag:s19], $0x1400  }
0x3d: {  	[sflag:s19] =	ssyncset.done $0x0  }
.Ltmp0:
0x3e: {  	s28 =	sadd.s32 $0x80, s28;
	[sflag:s19] =	ssyncadd.s32 $0xFFFFEC00;
	(pc) =	sbr.rel @p1 .LBB2_2-.Ltmp0, $4  }
0x3f: {  	[spmem:s2] =	stream.indirect.scatter.add.f32 [tilespmem:s16], [sflag:$0x3], $0x80, s28, s18, $0xb8;
	[tilespmem:$0x1A080] =	vst v63  }
0x40: {  	_ =	swait.ge [sflag:s14], $0x1400  }
0x41: {  	[sflag:s14] =	ssyncset.done $0x0  }
0x42: {  	s25 =	sadd.s32 $0x500, s25;
	[sflag:s14] =	ssyncadd.s32 $0xFFFFEC00  }
0x43: {  	[tilespmem:s16], [sflag:$0x2] =	stream.linear.gather [hbm4b:s26+s3], $0x1400, $0x38;
	[tilespmem:$0x1A080] =	vst v63  }
0x44: {  	_ =	swait.ge [sflag:s17], $0x1400  }
0x45: {  	[sflag:s17] =	ssyncset.done $0x0  }
0x46: {  	[sflag:s17] =	ssyncadd.s32 $0xFFFFEC00  }
0x47: {  	[spmem:s2] =	stream.indirect.scatter.add.f32 [tilespmem:s15], [sflag:$0x3], $0x80, s20, s18, $0xb8;
	[tilespmem:$0x1A080] =	vst v63  }
0x48: {  	_ =	swait.ge [sflag:s14], $0x1400  }
0x49: {  	[sflag:s14] =	ssyncset.done $0x0  }
0x4a: {  	[sflag:s14] =	ssyncadd.s32 $0xFFFFEC00  }
0x4b: {  	[tilespmem:s15], [sflag:$0x1] =	stream.linear.gather [hbm4b:s10+s3], $0x1400, $0x38;
	[tilespmem:$0x1A080] =	vst v63  }
0x4c: {  	_ =	swait.ge [sflag:s19], $0x1400  }
0x4d: {  	[sflag:s19] =	ssyncset.done $0x0  }
0x4e: {  	[sflag:s19] =	ssyncadd.s32 $0xFFFFEC00  }
0x4f: {  	[spmem:s2] =	stream.indirect.scatter.add.f32 [tilespmem:s16], [sflag:$0x3], $0x80, s21, s18, $0xb8;
	[tilespmem:$0x1A080] =	vst v63  }
0x50: {  	_ =	swait.ge [sflag:s14], $0x1400  }
0x51: {  	[sflag:s14] =	ssyncset.done $0x0  }
0x52: {  	[sflag:s14] =	ssyncadd.s32 $0xFFFFEC00  }
0x53: {  	_ =	swait.ge [sflag:s17], $0x1400  }
0x54: {  	[sflag:s17] =	ssyncset.done $0x0  }
0x55: {  	[sflag:s17] =	ssyncadd.s32 $0xFFFFEC00  }
0x56: {  	[spmem:s2] =	stream.indirect.scatter.add.f32 [tilespmem:s15], [sflag:$0x3], $0x80, s22, s18, $0xb8;
	[tilespmem:$0x1A080] =	vst v63  }
0x57: {  	_ =	swait.ge [sflag:s14], $0x1400  }
0x58: {  	s23 =	sadd.s32 $0x1, s23;
	[sflag:s14] =	ssyncset.done $0x0  }
0x59: {  	p1 =	sne.s32 s23, s9;
	[sflag:s14] =	ssyncadd.s32 $0xFFFFEC00  }
.Ltmp1:
0x5a: {  	s24 =	simm.s32 @!p0 $0x3;
	[bflag:$0x0] =	sbarrier.arrive $0xFFFF;
	(pc) =	sbr.rel @p1 .LBB2_1-.Ltmp1, $4  }
0x5b: {  	[hbm:s8], [sflag:s12] =	dma.local @!p0 [spmem:s13], $0x3E80  }
0x5c: {  	_ =	swait.ge @!p0 [sflag:s24], $0x3E80  }
0x5d: {  	[sflag:s24] =	ssyncset.done @!p0 $0x0  }
0x5e: {  	[sflag:s24] =	ssyncadd.s32 @!p0 $0xFFFFC180  }
0x5f: {  	_ =	sfence.sel $0x180000  }
0x60: {  	[bflag:$0x0] =	sbarrier.arrive $0xFFFF  }
0x61: {  	p0 =	sne.s32 s1, $0x0;
	_ =	strace $0x90000053  }
0x62: {  	s0 =	sadd.s32 @!p0 $0x100000, s0;
	[bflag:$0x2] =	sbarrier.arrive $0xFFFF  }
0x63: {  	[sflag:s0] =	ssyncadd.tile.s32 @!p0 $0x1;
	_ =	shalt  }
.Lfunc_end2:
_tile_overlayer_lowered:
.L_overlay_start_2:
0x64: {  	(tag) =	ssettag $0x2  }
0x65: {  	s0 =	rddreg [dreg:$0x0];
	s2 =	stileid.u32  }
0x66: {  	s1 =	rddreg [dreg:$0x1];
	p0 =	sne.s32 s2, $0x0  }
0x67: {  	s3 =	rddreg [dreg:$0x2];
	[bflag:$0x3] =	sbarrier.arrive $0xFFFF;
	s2 =	simm.s32 @!p0 $0x1C03  }
0x68: {  	[timem:s3], [sflag:s2] =	dma.local @!p0 [hbm:s0], s1  }
0x69: {  	s0 =	simm.s32 @!p0 $0x3  }
0x6a: {  	_ =	swait.ge @!p0 [sflag:s0], s1  }
0x6b: {  	s1 =	ssub.s32 @!p0 $0x0, s1;
	[sflag:s0] =	ssyncset.done @!p0 $0x0  }
0x6c: {  	[sflag:s0] =	ssyncadd.s32 @!p0 s1  }
0x6d: {  	[bflag:$0x3] =	sbarrier.arrive $0xFFFF  }
0x6e: {  	_ =	shalt  }

// kernel: kernel.23.cloned.1.call-start
scs
__scs_entry_jumppad:
0x0: {  	(pc) =	sbr.rel $0x88, $3  }
0x1: {  	(tag) =	ssettag $0x0;
	lr =	simm.s32 $0x1  }
0x2: {  	[smem:$0x3F93] =	sst lr;
	_ =	strace $0xD0000000  }
0x3: {  	_ = 	snop  }
0x4: {  	_ = 	snop  }
0x5: {  	_ = 	snop  }
0x6: {  	_ = 	snop  }
0x7: {  	_ = 	snop  }
__scs_overlays_trampoline_lowered:
0x8: {  	[smem:$0x3FA2] =	sst s0  }
0x9: {  	[smem:$0x3FA3] =	sst s1  }
0xa: {  	[smem:$0x3FA4] =	sst s2  }
0xb: {  	[smem:$0x3FA5] =	sst s3  }
0xc: {  	[smem:$0x3FA6] =	sst s4  }
0xd: {  	[smem:$0x3FA7] =	sst s5  }
0xe: {  	[smem:$0x3FA8] =	sst s6  }
0xf: {  	[smem:$0x3FA9] =	sst s7  }
0x10: {  	[smem:$0x3FAA] =	sst s8  }
0x11: {  	[smem:$0x3FAB] =	sst s9;
	s0 =	simm.s32 @!p0 $0x0  }
0x12: {  	s1 =	sld [smem:$0x3F91];
	s0 =	simm.s32 @p0 $0x1  }
0x13: {  	[smem:$0x3FAC] =	sst s0;
	s0 =	simm.s32 @!p1 $0x0  }
0x14: {  	s2 =	sld [smem:$0x3F90];
	s0 =	simm.s32 @p1 $0x1  }
0x15: {  	[smem:$0x3FAD] =	sst s0;
	s0 =	simm.s32 @!p2 $0x0  }
0x16: {  	s3 =	sld [smem:$0x3FDB];
	s0 =	simm.s32 @p2 $0x1  }
0x17: {  	s4 =	simm.s32 $0x1BF5;
	[smem:$0x3FAF] =	sst s0  }
0x18: {  	s0 =	sld [smem:$0x3F92];
	_ =	swait.ge [sflag:s4], $0x0  }
0x19: {  	s7 =	sld [smem:$0x3F93]  }
0x1a: {  	s8 =	sadd.s32 $0xFFFFE003, lr  }
0x1b: {  	s9 =	sadd.s32 $0xFFFFFEF7, lr;
	s5 =	simm.s32 $0xFFFFFFFF;
	p2 =	slt.u32 s8, $0xFFFFF086  }
0x1c: {  	p1 =	slt.u32 s9, $0xF7A;
	s5 =	simm.s32 @!p2 $0x0  }
0x1d: {  	s5 =	simm.s32 @p1 $0x1;
	p0 =	seq.s32 s7, s2  }
0x1e: {  	s7 =	smul.u32 @!p0 $0xF7A, s2;
	p2 =	seq.s32 @!p0 s5, $0x0  }
0x1f: {  	s9 =	smul.u32 $0xF7A, s1;
	s8 =	simm.s32 @!p0 $0x1BF5;
	p2 =	por !p2, p0  }
0x20: {  	[sflag:s8] =	ssyncset.s32 @!p0 $0xFFFFF086;
	s6 =	sadd.s32 @!p0 s3, s7;
	s7 =	simm.s32 @!p0 $0x108  }
0x21: {  	s3 =	sadd.s32 s3, s9;
	s6 =	sadd.s32 @!p0 $0x88, s6;
	s7 =	simm.s32 @p2 $0x1082  }
0x22: {  	[simem:s7], [sflag:s8] =	dma.local @!p0 [hbm:s6], $0xF7A  }
0x23: {  	s9 =	sor.u32 $0xD0000000, s2;
	s6 =	simm.s32 $0x108;
	_ =	swait.ge @!p0 [sflag:s8], $0x0  }
0x24: {  	s3 =	sadd.s32 $0x88, s3;
	s6 =	simm.s32 @!p1 $0x1082;
	[sflag:s4] =	ssyncset.s32 $0xFFFFF086  }
0x25: {  	[simem:s6], [sflag:s4] =	dma.local [hbm:s3], $0xF7A  }
0x26: {  	[smem:$0x3F93] =	sst s1;
	(tag) =	ssettag s2;
	_ =	strace s9  }
0x27: {  	s1 =	sld [smem:$0x3FA3]  }
0x28: {  	s2 =	sld [smem:$0x3FA4]  }
0x29: {  	s4 =	sld [smem:$0x3FA6]  }
0x2a: {  	p0 =	seq.s32 s5, $0x0;
	s5 =	sld [smem:$0x3FA7]  }
0x2b: {  	s6 =	sld [smem:$0x3FA8]  }
0x2c: {  	s7 =	sld [smem:$0x3FA9]  }
0x2d: {  	s3 =	simm.s32 $0x108;
	s8 =	sld [smem:$0x3FAA]  }
0x2e: {  	s3 =	simm.s32 @!p0 $0x1082;
	s9 =	sld [smem:$0x3FAB]  }
0x2f: {  	lr =	sadd.s32 s0, s3;
	s0 =	sld [smem:$0x3FA2]  }
0x30: {  	s3 =	sld [smem:$0x3FA5]  }
0x31: {  	[smem:$0x3FAE] =	sst s10  }
0x32: {  	s10 =	sld [smem:$0x3FAC];
	_ =	sdelay $0x3  }
0x33: {  	p0 =	seq.s32 s10, $0x1;
	s10 =	sld [smem:$0x3FAE];
	_ =	sdelay $0x3  }
0x34: {  	[smem:$0x3FAE] =	sst s10  }
0x35: {  	s10 =	sld [smem:$0x3FAD];
	_ =	sdelay $0x3  }
0x36: {  	p1 =	seq.s32 s10, $0x1;
	s10 =	sld [smem:$0x3FAE];
	_ =	sdelay $0x3  }
0x37: {  	[smem:$0x3FAE] =	sst s10  }
0x38: {  	s10 =	sld [smem:$0x3FAF]  }
0x39: {  	_ = 	snop;
	(pc) =	sbr.ind lr, $3  }
0x3a: {  	_ = 	snop  }
0x3b: {  	_ = 	snop  }
0x3c: {  	p2 =	seq.s32 s10, $0x1;
	s10 =	sld [smem:$0x3FAE]  }
0x3d: {  	_ =	shalt  }
0x3e: {  	_ =	shalt  }
0x3f: {  	_ =	shalt  }
0x40: {  	_ =	shalt  }
0x41: {  	_ =	shalt  }
0x42: {  	_ =	shalt  }
0x43: {  	_ =	shalt  }
0x44: {  	_ =	shalt  }
0x45: {  	_ =	shalt  }
0x46: {  	_ =	shalt  }
0x47: {  	_ =	shalt  }
0x48: {  	_ =	shalt  }
0x49: {  	_ =	shalt  }
0x4a: {  	_ =	shalt  }
0x4b: {  	_ =	shalt  }
0x4c: {  	_ =	shalt  }
0x4d: {  	_ =	shalt  }
0x4e: {  	_ =	shalt  }
0x4f: {  	_ =	shalt  }
0x50: {  	_ =	shalt  }
0x51: {  	_ =	shalt  }
0x52: {  	_ =	shalt  }
0x53: {  	_ =	shalt  }
0x54: {  	_ =	shalt  }
0x55: {  	_ =	shalt  }
0x56: {  	_ =	shalt  }
0x57: {  	_ =	shalt  }
0x58: {  	_ =	shalt  }
0x59: {  	_ =	shalt  }
0x5a: {  	_ =	shalt  }
0x5b: {  	_ =	shalt  }
0x5c: {  	_ =	shalt  }
0x5d: {  	_ =	shalt  }
0x5e: {  	_ =	shalt  }
0x5f: {  	_ =	shalt  }
0x60: {  	_ =	shalt  }
0x61: {  	_ =	shalt  }
0x62: {  	_ =	shalt  }
0x63: {  	_ =	shalt  }
0x64: {  	_ =	shalt  }
0x65: {  	_ =	shalt  }
0x66: {  	_ =	shalt  }
0x67: {  	_ =	shalt  }
0x68: {  	_ =	shalt  }
0x69: {  	_ =	shalt  }
0x6a: {  	_ =	shalt  }
0x6b: {  	_ =	shalt  }
0x6c: {  	_ =	shalt  }
0x6d: {  	_ =	shalt  }
0x6e: {  	_ =	shalt  }
0x6f: {  	_ =	shalt  }
0x70: {  	_ =	shalt  }
0x71: {  	_ =	shalt  }
0x72: {  	_ =	shalt  }
0x73: {  	_ =	shalt  }
0x74: {  	_ =	shalt  }
0x75: {  	_ =	shalt  }
0x76: {  	_ =	shalt  }
0x77: {  	_ =	shalt  }
0x78: {  	_ =	shalt  }
0x79: {  	_ =	shalt  }
0x7a: {  	_ =	shalt  }
0x7b: {  	_ =	shalt  }
0x7c: {  	_ =	shalt  }
0x7d: {  	_ =	shalt  }
0x7e: {  	_ =	shalt  }
0x7f: {  	_ =	shalt  }
0x80: {  	_ =	shalt  }
0x81: {  	_ =	shalt  }
0x82: {  	_ =	shalt  }
0x83: {  	_ =	shalt  }
0x84: {  	_ =	shalt  }
0x85: {  	_ =	shalt  }
0x86: {  	_ =	shalt  }
0x87: {  	_ =	shalt  }
.Lfunc_end0:
.L_simem_size_0:
called_computation.4_lowered:
.L_overlay_start_0:
0x88: {  	s2 =	sld [smem:$0x3FD9]  }
0x89: {  	s3 =	sld [smem:$0x3FFE];
	_ =	sdelay $0x1  }
0x8a: {  	s1 =	srdreg.scid  }
0x8b: {  	s0 =	sand.u32 $0x1, s1  }
0x8c: {  	s17 =	sshll.u32 s0, $0xA;
	s2 =	sadd.s32 s3, s2  }
0x8d: {  	s2 =	sadd.s32 s2, s17  }
0x8e: {  	[smem:$0x3FBA] =	sst s2  }
0x8f: {  	_ = 	snop  }
0x90: {  	(tm) =	ssettm $0x1  }
0x91: {  	s18 =	sld [smem:$0x3FFB];
	_ =	sdelay $0x3  }
0x92: {  	_ =	strace s18  }
0x93: {  	s2 =	sld [smem:$0x3FFC];
	_ =	sdelay $0x3  }
0x94: {  	_ =	strace s2  }
0x95: {  	s2 =	sld [smem:$0x3FFD];
	_ =	sdelay $0x3  }
0x96: {  	_ =	strace s2  }
0x97: {  	_ =	strace $0x8FFFFFFF  }
0x98: {  	s19 =	sld [smem:$0x3FDB];
	_ =	sdelay $0x1  }
0x99: {  	s20 =	simm.s32 $_scs_section_size  }
0x9a: {  	s4 =	simm.s32 $_size__tile_overlayer_lowered;
	s5 =	simm.s32 $_tile_overlayer_lowered  }
0x9b: {  	s6 =	simm.s32 $0x1BFF;
	s21 =	sshll.u32 s5, $0x1;
	s3 =	sadd.s32 s20, s19  }
0x9c: {  	s22 =	simm.s32 $0x0;
	s4 =	sshll.u32 s4, $0x1;
	s5 =	sadd.s32 s21, s3  }
0x9d: {  	[timem:s22], [sflag:s6] =	dma.local [hbm:s5], s4  }
0x9e: {  	_ =	swait.ge [sflag:s6], s4  }
0x9f: {  	s4 =	ssub.s32 $0x0, s4;
	[sflag:s6] =	ssyncset.done $0x0  }
0xa0: {  	[sflag:s6] =	ssyncadd.s32 s4;
	_ =	sdelay $0x1  }
0xa1: {  	s23 =	simm.s32 $0x1B8B  }
0xa2: {  	_ =	swait.ge [sflag:s23], $0x1  }
0xa3: {  	[sflag:s23] =	ssyncset.done $0x0  }
0xa4: {  	[sflag:s23] =	ssyncadd.s32 $0xFFFFFFFF  }
0xa5: {  	s4 =	sld [smem:$0x0]  }
0xa6: {  	s5 =	sand.u32 $0xFFFFFFFE, s1  }
0xa7: {  	p0 =	sne.s32 s1, s5  }
0xa8: {  	s5 =	sshll.u32 @p0 s5, $0xE  }
0xa9: {  	s5 =	sadd.s32 @p0 $0x11B8D, s5;
	s6 =	sshll.u32 @p0 s4, $0x11  }
0xaa: {  	s5 =	sor.u32 @p0 s6, s5  }
0xab: {  	[sflag:s5] =	ssyncadd.remote.s32 @p0 $0x1;
	_ =	sdelay $0x1  }
0xac: {  	s5 =	simm.s32 @p0 $0x1B8D  }
0xad: {  	_ =	swait.eq @p0 [sflag:s5], $0x1  }
0xae: {  	[sflag:s5] =	ssyncadd.s32 @p0 $0xFFFFFFFF  }
0xaf: {  	s6 =	sshll.u32 @!p0 s1, $0xE  }
0xb0: {  	s6 =	sor.u32 @!p0 $0x4000, s6;
	s5 =	simm.s32 @!p0 $0x1B8D  }
0xb1: {  	s4 =	sshll.u32 @!p0 s4, $0x11;
	s6 =	sadd.s32 @!p0 $0x11B8D, s6;
	_ =	swait.eq @!p0 [sflag:s5], $0x1  }
0xb2: {  	s4 =	sor.u32 @!p0 s4, s6;
	[sflag:s5] =	ssyncadd.s32 @!p0 $0xFFFFFFFF  }
0xb3: {  	s25 =	simm.s32 $0x1B8E;
	s24 =	sld [smem:$0x3FFE];
	[sflag:s4] =	ssyncadd.remote.s32 @!p0 $0x1  }
0xb4: {  	s26 =	simm.s32 $execute0_lowered;
	[smem:$0x3FD2] =	sst s25  }
0xb5: {  	s5 =	sshll.u32 s26, $0x1;
	_ =	strace $0x8000004F;
	[dreg:$0x1] =	wrdreg $0xFFFFFFFF  }
0xb6: {  	s28 =	simm.s32 $_size_execute0_lowered;
	s3 =	sadd.s32 s3, s5;
	[dreg:$0x0] =	wrdreg $0x0  }
0xb7: {  	s5 =	sshll.u32 s28, $0x1;
	[dreg:$0x2] =	wrdreg s3  }
0xb8: {  	[dreg:$0x3] =	wrdreg s5  }
0xb9: {  	[dreg:$0x4] =	wrdreg $0xC0  }
0xba: {  	_ =	task [dreg:s22], $0x5FFFF  }
0xbb: {  	[dreg:$0x1] =	wrdreg $0xFFFFFFFF  }
0xbc: {  	[dreg:$0x0] =	wrdreg $0x60  }
0xbd: {  	[dreg:$0x2] =	wrdreg s24  }
0xbe: {  	[dreg:$0x3] =	wrdreg $0x68000  }
0xbf: {  	[dreg:$0x4] =	wrdreg $0xA  }
0xc0: {  	_ =	task.clear_ibuf [dreg:s22], $0x5FFFF;
	_ =	strace $0x9000004F  }
0xc1: {  	s29 =	simm.s32 $0xA;
	_ =	strace $0x80000051  }
0xc2: {  	_ =	swait.ge [sflag:s29], $0x1  }
0xc3: {  	[sflag:s29] =	ssyncadd.s32 $0xFFFFFFFF  }
0xc4: {  	_ =	strace $0x90000051  }
0xc5: {  	_ =	sfence  }
0xc6: {  	s30 =	sld [smem:$0x0];
	_ =	sdelay $0x2  }
0xc7: {  	s31 =	sshll.u32 s1, $0xD;
	s1 =	sshrl.u32 s1, $0x2  }
0xc8: {  	s4 =	sand.u32 $0x4000, s31;
	s1 =	sadd.s32 s1, s30  }
0xc9: {  	s0 =	sor.u32 s4, s0;
	s1 =	sshll.u32 s1, $0x11  }
0xca: {  	s0 =	sor.u32 s1, s0  }
0xcb: {  	s0 =	sadd.s32 $0x8F2B, s0  }
0xcc: {  	[sflag:s0] =	ssyncadd.remote.s32 $0x1  }
0xcd: {  	_ =	sfence.sel $0xFFFF  }
0xce: {  	[dreg:$0x0] =	wrdreg $0xFFFFFFFF;
	(pc) =	sbr.abs _section_cstart, $3  }
0xcf: {  	[dreg:$0x1] =	wrdreg $0xFFFFFFFF  }
0xd0: {  	_ =	task.clear_ibuf [dreg:s22], $0x2FFFF;
	_ =	strace $0x9FFFFFFF  }
0xd1: {  	(tm) =	ssettm $0x7FFFFFFF  }
tec
execute0_lowered:
.L_overlay_start_1:
0x0: {  	(tag) =	ssettag $0x1  }
0x1: {  	s4 =	rddreg [dreg:$0x0]  }
0x2: {  	s2 =	rddreg [dreg:$0x1]  }
0x3: {  	s0 =	rddreg [dreg:$0x2]  }
0x4: {  	s5 =	srdreg.scid;
	s3 =	simm.s32 $0x0;
	s1 =	stileid.u32  }
0x5: {  	s16 =	simm.s32 $0x5400;
	s17 =	simm.s32 $0x1;
	s8 =	smul.u32 $0x1F400, s1  }
0x6: {  	s18 =	simm.s32 $0x28;
	s19 =	simm.s32 $0x2;
	s11 =	smul.u32 $0x3E80, s1  }
0x7: {  	s20 =	simm.s32 $0x3D00;
	s7 =	sand.u32 $0x1, s5;
	s12 =	smul.u32 $0x7D000, s1  }
0x8: {  	[smem:$0x7FF] =	sst s3;
	s9 =	sadd.s32 $0x59DA00, s4;
	s29 =	smul.u32 $0x27100, s1  }
0x9: {  	s21 =	sshll.u32 s1, $0x1;
	p0 =	sgt.u32 s1, $0x9;
	s6 =	smul.u32 $0x138800, s7  }
0xa: {  	_ =	strace $0x80000050;
	s5 =	sor.u32 s7, s21;
	s22 =	ssub.s32 $0x2, s7  }
0xb: {  	s31 =	smul.u32 $0x13880, s7;
	s21 =	simm.s32 $0x3D80;
	s10 =	sshll.u32 s5, $0xB  }
0xc: {  	s11 =	sadd.s32 s11, s4;
	s23 =	sshrl.u32 s22, $0x1;
	s25 =	smul.u32 $0x9C400, s5  }
0xd: {  	s24 =	sshrl.u32 s12, $0x2;
	s26 =	smul.u32 $0x13880, s5;
	s12 =	sshll.u32 @!p0 s1, $0x6  }
0xe: {  	s10 =	sadd.s32 s10, s4;
	s6 =	sadd.s32 s8, s6;
	s14 =	ssub.s32 s22, s23  }
0xf: {  	s15 =	sadd.s32 s24, s2;
	s12 =	sor.u32 @!p0 $0x1C03, s12;
	s22 =	simm.s32 $0x3E00  }
0x10: {  	s23 =	simm.s32 $0x0;
	s6 =	sshrl.u32 s6, $0x3;
	s5 =	sadd.s32 $0x58DA00, s10  }
0x11: {  	s28 =	sshrl.u32 s25, $0x3;
	s13 =	sadd.s32 s6, s4;
	s4 =	sadd.s32 $0x15800, s11  }
0x12: {  	s6 =	sadd.s32 s9, s26;
	s30 =	sadd.s32 s9, s28;
	s11 =	sadd.s32 s29, s9  }
0x13: {  	s9 =	smax.u32 s14, $0x1;
	s14 =	simm.s32 $0x3;
	s7 =	sadd.s32 $0x280, s30  }
0x14: {  	s8 =	sadd.s32 $0x8B200, s13;
	s11 =	sadd.s32 s31, s11;
	s10 =	sadd.s32 $0x13600, s6  }
0x15: {  	s13 =	sshrl.u32 @!p0 s15, $0x3;
	s15 =	simm.s32 $0x4000;
	s11 =	sadd.s32 $0x780, s11  }
.LBB2_1:
0x16: {  	[spmem:s13], [sflag:s12] =	dma.local @!p0 [hbm:s4], $0x3E80  }
0x17: {  	s24 =	simm.s32 @!p0 $0x3  }
0x18: {  	_ =	swait.ge @!p0 [sflag:s24], $0x3E80  }
0x19: {  	[sflag:s24] =	ssyncset.done @!p0 $0x0  }
0x1a: {  	[sflag:s24] =	ssyncadd.s32 @!p0 $0xFFFFC180  }
0x1b: {  	[tilespmem:s3], [sflag:$0x3] =	stream.linear.gather [hbm4b:s5+s3], $0x3E80, $0x38;
	[tilespmem:$0x1A080] =	vst v63  }
0x1c: {  	_ =	swait.ge [sflag:s14], $0x3E80  }
0x1d: {  	[sflag:s14] =	ssyncset.done $0x0  }
0x1e: {  	[sflag:s14] =	ssyncadd.s32 $0xFFFFC180  }
0x1f: {  	[bflag:$0x0] =	sbarrier.arrive $0xFFFF  }
0x20: {  	[tilespmem:s15], [sflag:$0x1] =	stream.linear.gather [hbm4b:s6+s3], $0x1400, $0x38;
	[tilespmem:$0x1A080] =	vst v63  }
0x21: {  	_ = 	snop  }
0x22: {  	[tilespmem:s16], [sflag:$0x2] =	stream.linear.gather [hbm4b:s7+s3], $0x1400, $0x38;
	[tilespmem:$0x1A080] =	vst v63  }
0x23: {  	_ =	swait.ge [sflag:s17], $0x1400  }
0x24: {  	[sflag:s17] =	ssyncset.done $0x0  }
0x25: {  	s29 =	simm.s32 $0x0;
	[sflag:s17] =	ssyncadd.s32 $0xFFFFEC00  }
0x26: {  	[spmem:s2] =	stream.indirect.scatter.add.f32 [tilespmem:s15], [sflag:$0x3], $0x80, s29, s18, $0xb8;
	[tilespmem:$0x1A080] =	vst v63  }
0x27: {  	_ =	swait.ge [sflag:s14], $0x1400  }
0x28: {  	[sflag:s14] =	ssyncset.done $0x0  }
0x29: {  	s30 =	sadd.s32 $0xFFFFFD80, s11;
	[sflag:s14] =	ssyncadd.s32 $0xFFFFEC00  }
0x2a: {  	[tilespmem:s15], [sflag:$0x1] =	stream.linear.gather [hbm4b:s30+s3], $0x1400, $0x38;
	[tilespmem:$0x1A080] =	vst v63  }
0x2b: {  	_ =	swait.ge [sflag:s19], $0x1400  }
0x2c: {  	[sflag:s19] =	ssyncset.done $0x0  }
0x2d: {  	s31 =	simm.s32 $0x80;
	[sflag:s19] =	ssyncadd.s32 $0xFFFFEC00  }
0x2e: {  	[spmem:s2] =	stream.indirect.scatter.add.f32 [tilespmem:s16], [sflag:$0x3], $0x80, s31, s18, $0xb8;
	[tilespmem:$0x1A080] =	vst v63  }
0x2f: {  	_ =	swait.ge [sflag:s14], $0x1400  }
0x30: {  	s25 =	sadd.s32 $0x500, s11;
	[sflag:s14] =	ssyncset.done $0x0  }
0x31: {  	s26 =	smov.u32 s11;
	s24 =	simm.s32 $0x400;
	[sflag:s14] =	ssyncadd.s32 $0xFFFFEC00  }
.LBB2_2:
0x32: {  	[tilespmem:s16], [sflag:$0x2] =	stream.linear.gather [hbm4b:s26+s3], $0x1400, $0x38;
	[tilespmem:$0x1A080] =	vst v63  }
0x33: {  	s28 =	smov.u32 s24;
	s26 =	smov.u32 s25  }
0x34: {  	p1 =	sne.s32 s24, $0xF000;
	s24 =	sadd.s32 $0x400, s24;
	_ =	swait.ge [sflag:s17], $0x1400  }
0x35: {  	[sflag:s17] =	ssyncset.done $0x0  }
0x36: {  	s28 =	sshra.s32 s28, $0x2;
	[sflag:s17] =	ssyncadd.s32 $0xFFFFEC00  }
0x37: {  	[spmem:s2] =	stream.indirect.scatter.add.f32 [tilespmem:s15], [sflag:$0x3], $0x80, s28, s18, $0xb8;
	[tilespmem:$0x1A080] =	vst v63  }
0x38: {  	_ =	swait.ge [sflag:s14], $0x1400  }
0x39: {  	[sflag:s14] =	ssyncset.done $0x0  }
0x3a: {  	s29 =	sadd.s32 $0xFFFFFD80, s25;
	[sflag:s14] =	ssyncadd.s32 $0xFFFFEC00  }
0x3b: {  	[tilespmem:s15], [sflag:$0x1] =	stream.linear.gather [hbm4b:s29+s3], $0x1400, $0x38;
	[tilespmem:$0x1A080] =	vst v63  }
0x3c: {  	_ =	swait.ge [sflag:s19], $0x1400  }
0x3d: {  	[sflag:s19] =	ssyncset.done $0x0  }
.Ltmp0:
0x3e: {  	s28 =	sadd.s32 $0x80, s28;
	[sflag:s19] =	ssyncadd.s32 $0xFFFFEC00;
	(pc) =	sbr.rel @p1 .LBB2_2-.Ltmp0, $4  }
0x3f: {  	[spmem:s2] =	stream.indirect.scatter.add.f32 [tilespmem:s16], [sflag:$0x3], $0x80, s28, s18, $0xb8;
	[tilespmem:$0x1A080] =	vst v63  }
0x40: {  	_ =	swait.ge [sflag:s14], $0x1400  }
0x41: {  	[sflag:s14] =	ssyncset.done $0x0  }
0x42: {  	s25 =	sadd.s32 $0x500, s25;
	[sflag:s14] =	ssyncadd.s32 $0xFFFFEC00  }
0x43: {  	[tilespmem:s16], [sflag:$0x2] =	stream.linear.gather [hbm4b:s26+s3], $0x1400, $0x38;
	[tilespmem:$0x1A080] =	vst v63  }
0x44: {  	_ =	swait.ge [sflag:s17], $0x1400  }
0x45: {  	[sflag:s17] =	ssyncset.done $0x0  }
0x46: {  	[sflag:s17] =	ssyncadd.s32 $0xFFFFEC00  }
0x47: {  	[spmem:s2] =	stream.indirect.scatter.add.f32 [tilespmem:s15], [sflag:$0x3], $0x80, s20, s18, $0xb8;
	[tilespmem:$0x1A080] =	vst v63  }
0x48: {  	_ =	swait.ge [sflag:s14], $0x1400  }
0x49: {  	[sflag:s14] =	ssyncset.done $0x0  }
0x4a: {  	[sflag:s14] =	ssyncadd.s32 $0xFFFFEC00  }
0x4b: {  	[tilespmem:s15], [sflag:$0x1] =	stream.linear.gather [hbm4b:s10+s3], $0x1400, $0x38;
	[tilespmem:$0x1A080] =	vst v63  }
0x4c: {  	_ =	swait.ge [sflag:s19], $0x1400  }
0x4d: {  	[sflag:s19] =	ssyncset.done $0x0  }
0x4e: {  	[sflag:s19] =	ssyncadd.s32 $0xFFFFEC00  }
0x4f: {  	[spmem:s2] =	stream.indirect.scatter.add.f32 [tilespmem:s16], [sflag:$0x3], $0x80, s21, s18, $0xb8;
	[tilespmem:$0x1A080] =	vst v63  }
0x50: {  	_ =	swait.ge [sflag:s14], $0x1400  }
0x51: {  	[sflag:s14] =	ssyncset.done $0x0  }
0x52: {  	[sflag:s14] =	ssyncadd.s32 $0xFFFFEC00  }
0x53: {  	_ =	swait.ge [sflag:s17], $0x1400  }
0x54: {  	[sflag:s17] =	ssyncset.done $0x0  }
0x55: {  	[sflag:s17] =	ssyncadd.s32 $0xFFFFEC00  }
0x56: {  	[spmem:s2] =	stream.indirect.scatter.add.f32 [tilespmem:s15], [sflag:$0x3], $0x80, s22, s18, $0xb8;
	[tilespmem:$0x1A080] =	vst v63  }
0x57: {  	_ =	swait.ge [sflag:s14], $0x1400  }
0x58: {  	s23 =	sadd.s32 $0x1, s23;
	[sflag:s14] =	ssyncset.done $0x0  }
0x59: {  	p1 =	sne.s32 s23, s9;
	[sflag:s14] =	ssyncadd.s32 $0xFFFFEC00  }
.Ltmp1:
0x5a: {  	s24 =	simm.s32 @!p0 $0x3;
	[bflag:$0x0] =	sbarrier.arrive $0xFFFF;
	(pc) =	sbr.rel @p1 .LBB2_1-.Ltmp1, $4  }
0x5b: {  	[hbm:s8], [sflag:s12] =	dma.local @!p0 [spmem:s13], $0x3E80  }
0x5c: {  	_ =	swait.ge @!p0 [sflag:s24], $0x3E80  }
0x5d: {  	[sflag:s24] =	ssyncset.done @!p0 $0x0  }
0x5e: {  	[sflag:s24] =	ssyncadd.s32 @!p0 $0xFFFFC180  }
0x5f: {  	_ =	sfence.sel $0x180000  }
0x60: {  	[bflag:$0x0] =	sbarrier.arrive $0xFFFF  }
0x61: {  	p0 =	sne.s32 s1, $0x0;
	_ =	strace $0x90000050  }
0x62: {  	s0 =	sadd.s32 @!p0 $0x100000, s0;
	[bflag:$0x2] =	sbarrier.arrive $0xFFFF  }
0x63: {  	[sflag:s0] =	ssyncadd.tile.s32 @!p0 $0x1;
	_ =	shalt  }
.Lfunc_end2:
_tile_overlayer_lowered:
.L_overlay_start_2:
0x64: {  	(tag) =	ssettag $0x2  }
0x65: {  	s0 =	rddreg [dreg:$0x0];
	s2 =	stileid.u32  }
0x66: {  	s1 =	rddreg [dreg:$0x1];
	p0 =	sne.s32 s2, $0x0  }
0x67: {  	s3 =	rddreg [dreg:$0x2];
	[bflag:$0x3] =	sbarrier.arrive $0xFFFF;
	s2 =	simm.s32 @!p0 $0x1C03  }
0x68: {  	[timem:s3], [sflag:s2] =	dma.local @!p0 [hbm:s0], s1  }
0x69: {  	s0 =	simm.s32 @!p0 $0x3  }
0x6a: {  	_ =	swait.ge @!p0 [sflag:s0], s1  }
0x6b: {  	s1 =	ssub.s32 @!p0 $0x0, s1;
	[sflag:s0] =	ssyncset.done @!p0 $0x0  }
0x6c: {  	[sflag:s0] =	ssyncadd.s32 @!p0 s1  }
0x6d: {  	[bflag:$0x3] =	sbarrier.arrive $0xFFFF  }
0x6e: {  	_ =	shalt  }

</sc_bundles>
